<compile_context>
chip_gen: v7x
topology: tpu7x:2x2x1
jax: 0.10.2.dev20260603
libtpu: 0.0.44.dev20260713+nightly
codegen_flags: <defaults>
</compile_context>

<pallas_src>
import functools

import jax
import jax.numpy as jnp
from jax import lax
from jax.experimental import pallas as pl
from jax.experimental.pallas import tpu as pltpu
from jax.experimental.pallas import tpu_sc as plsc

B, S, LANES = 4, 8192, 2048
NW = 32
LC = LANES * B // NW
NCHUNK = LC // 16
ST = 64
NTILES = S // ST
NBUF = 2
NGROUPS = NTILES // NBUF

_mesh = plsc.VectorSubcoreMesh(core_axis_name="c", subcore_axis_name="s")


@functools.partial(
    pl.kernel,
    out_type=jax.ShapeDtypeStruct((B, S, LANES), jnp.float32),
    mesh=_mesh,
    scratch_types=[
        pltpu.VMEM((NBUF, ST, LC), jnp.float32),
        pltpu.VMEM((NBUF, ST, LC), jnp.float32),
        [pltpu.SemaphoreType.DMA] * NBUF,
        [pltpu.SemaphoreType.DMA] * NBUF,
    ],
)
def _cumsum_sc(x_hbm, out_hbm, inbuf, outbuf, insems, outsems):
    wid = lax.axis_index("s") * 2 + lax.axis_index("c")
    b = wid // (NW // B)
    l0 = (wid % (NW // B)) * LC

    def in_copy(t, slot):
        src = x_hbm.at[b, pl.ds(t * ST, ST), pl.ds(l0, LC)]
        return pltpu.make_async_copy(src, inbuf.at[slot], insems[slot])

    def out_copy(t, slot):
        dst = out_hbm.at[b, pl.ds(t * ST, ST), pl.ds(l0, LC)]
        return pltpu.make_async_copy(outbuf.at[slot], dst, outsems[slot])

    for slot in range(NBUF):
        in_copy(slot, slot).start()

    def group_body(g, carries):
        for slot in range(NBUF):
            t = NBUF * g + slot
            in_copy(t, slot).wait()

            @pl.when(g >= 1)
            def _wait_prev_out(slot=slot, t=t):
                out_copy(t - NBUF, slot).wait()

            def row_body(r, cs, slot=slot):
                new = []
                for j in range(NCHUNK):
                    c = cs[j] + inbuf[slot, r, pl.ds(j * 16, 16)]
                    outbuf[slot, r, pl.ds(j * 16, 16)] = c
                    new.append(c)
                return tuple(new)

            carries = lax.fori_loop(0, ST, row_body, carries, unroll=4)
            out_copy(t, slot).start()

            @pl.when(g + 1 < NGROUPS)
            def _prefetch(slot=slot, t=t):
                in_copy(t + NBUF, slot).start()

        return carries

    lax.fori_loop(0, NGROUPS, group_body,
                  tuple(jnp.zeros((16,), jnp.float32) for _ in range(NCHUNK)))

    for slot in range(NBUF):
        out_copy(NTILES - NBUF + slot, slot).wait()


def kernel(masks):
    return _cumsum_sc(masks)

# --- scband reference (transcript-rebuilt; emitter-appended) ---
"""Pipeline reference for scband-cumsum-float-op-60361470378627 (READ-ONLY COPY).

The authoritative reference and input builder live on the scoring server;
editing this copy changes nothing except your own understanding.
"""

import jax, jax.numpy as jnp
import numpy as np

def setup_inputs(seed: int = 0) -> dict:
    key = jax.random.key(seed)
    masks = jax.random.uniform(key, (4, 8192, 2048), dtype=jnp.float32)
    return {"masks": masks}

def reference(masks):
    return jnp.cumsum(masks, axis=1)

if __name__ == "__main__":
    import jax
    _d = setup_inputs()
    print(jax.jit(kernel)(*tuple(_d.values())))

</pallas_src>

<mosaic_0001>
#map = affine_map<(d0, d1) -> (0, 0, 0)>
module attributes {stable_mosaic.version = 14 : i64} {
  func.func @_cumsum_sc(%arg0: i32, %arg1: i32, %arg2: memref<4x8192x2048xf32, #tpu.memory_space<hbm>>, %arg3: memref<4x8192x2048xf32, #tpu.memory_space<hbm>>, %arg4: memref<2x64x256xf32, #tpu.memory_space<vmem>>, %arg5: memref<2x64x256xf32, #tpu.memory_space<vmem>>, %arg6: memref<!tpu.dma_semaphore, #tpu.memory_space<semaphore_mem>>, %arg7: memref<!tpu.dma_semaphore, #tpu.memory_space<semaphore_mem>>, %arg8: memref<!tpu.dma_semaphore, #tpu.memory_space<semaphore_mem>>, %arg9: memref<!tpu.dma_semaphore, #tpu.memory_space<semaphore_mem>>) attributes {dimension_semantics = [#tpu.dimension_semantics<core_parallel>, #tpu.dimension_semantics<subcore_parallel>], iteration_bounds = array<i64: 2, 16>, scalar_prefetch = 0 : i64, scratch_operands = 6 : i64, tpu.core_type = #tpu.core_type<sc_vector_subcore>, window_params = [{transform_indices = #map}, {transform_indices = #map}]} {
    %mul3A = arith.constant 2 : i32
    %mul3A_0 = arith.muli %arg1, %mul3A : i32
    %add3A = arith.addi %mul3A_0, %arg0 : i32
    %jit3A = arith.constant 8 : i32
    %div3A = arith.divsi %add3A, %jit3A : i32
    %sign3A = arith.constant 0 : i32
    %sign3A_1 = arith.cmpi sgt, %add3A, %sign3A : i32
    %sign3A_2 = arith.extui %sign3A_1 : i1 to i32
    %sign3A_3 = arith.constant 0 : i32
    %sign3A_4 = arith.cmpi slt, %add3A, %sign3A_3 : i32
    %sign3A_5 = arith.extui %sign3A_4 : i1 to i32
    %sign3A_6 = arith.subi %sign3A_2, %sign3A_5 : i32
    %sign3A_7 = arith.constant 0 : i32
    %sign3A_8 = arith.cmpi sgt, %jit3A, %sign3A_7 : i32
    %sign3A_9 = arith.extui %sign3A_8 : i1 to i32
    %sign3A_10 = arith.constant 0 : i32
    %sign3A_11 = arith.cmpi slt, %jit3A, %sign3A_10 : i32
    %sign3A_12 = arith.extui %sign3A_11 : i1 to i32
    %sign3A_13 = arith.subi %sign3A_9, %sign3A_12 : i32
    %ne3A = arith.cmpi ne, %sign3A_6, %sign3A_13 : i32
    %rem3A = arith.remsi %add3A, %jit3A : i32
    %ne3A_14 = arith.constant 0 : i32
    %ne3A_15 = arith.cmpi ne, %rem3A, %ne3A_14 : i32
    %and3A = arith.andi %ne3A, %ne3A_15 : i1
    %sub3A = arith.constant 1 : i32
    %sub3A_16 = arith.subi %div3A, %sub3A : i32
    %select_n3A = arith.select %and3A, %sub3A_16, %div3A : i32
    %jit3A_17 = arith.constant 8 : i32
    %eq3A = arith.constant 0 : i32
    %eq3A_18 = arith.cmpi eq, %jit3A_17, %eq3A : i32
    %jit3A_19 = arith.constant 1 : i32
    %select_n3A_20 = arith.select %eq3A_18, %jit3A_19, %jit3A_17 : i32
    %rem3A_21 = arith.remsi %add3A, %select_n3A_20 : i32
    %ne3A_22 = arith.constant 0 : i32
    %ne3A_23 = arith.cmpi ne, %rem3A_21, %ne3A_22 : i32
    %lt3A = arith.constant 0 : i32
    %lt3A_24 = arith.cmpi slt, %rem3A_21, %lt3A : i32
    %lt3A_25 = arith.constant 0 : i32
    %lt3A_26 = arith.cmpi slt, %select_n3A_20, %lt3A_25 : i32
    %ne3A_27 = arith.xori %lt3A_24, %lt3A_26 : i1
    %and3A_28 = arith.andi %ne3A_27, %ne3A_23 : i1
    %add3A_29 = arith.addi %rem3A_21, %select_n3A_20 : i32
    %select_n3A_30 = arith.select %and3A_28, %add3A_29, %rem3A_21 : i32
    %mul3A_31 = arith.constant 256 : i32
    %mul3A_32 = arith.muli %select_n3A_30, %mul3A_31 : i32
    %dma_start3A = arith.constant 0 : i32
    %dma_start3A_33 = arith.constant 0 : i32
    %dma_start3A_34 = arith.constant 0 : i32
    %dma_start3A_35 = tpu.memref_slice %arg4[%dma_start3A, %dma_start3A_33, %dma_start3A_34] : memref<2x64x256xf32, #tpu.memory_space<vmem>> -> memref<1x64x256xf32, #tpu.memory_space<vmem>>
    %dma_start3A_36 = tpu.memref_squeeze %dma_start3A_35 : memref<1x64x256xf32, #tpu.memory_space<vmem>> -> memref<64x256xf32, #tpu.memory_space<vmem>>
    %dma_start3A_37 = arith.constant 0 : i32
    %dma_start3A_38 = tpu.memref_slice %arg2[%select_n3A, %dma_start3A_37, %mul3A_32] : memref<4x8192x2048xf32, #tpu.memory_space<hbm>> -> memref<1x64x256xf32, #tpu.memory_space<hbm>>
    %dma_start3A_39 = tpu.memref_squeeze %dma_start3A_38 : memref<1x64x256xf32, #tpu.memory_space<hbm>> -> memref<64x256xf32, #tpu.memory_space<hbm>>
    %dma_start3A_40 = arith.constant 0 : i32
    %dma_start3A_41 = arith.constant 0 : i32
    %dma_start3A_42 = tpu.memref_slice %arg4[%dma_start3A, %dma_start3A_40, %dma_start3A_41] : memref<2x64x256xf32, #tpu.memory_space<vmem>> -> memref<1x64x256xf32, #tpu.memory_space<vmem>>
    %dma_start3A_43 = tpu.memref_squeeze %dma_start3A_42 : memref<1x64x256xf32, #tpu.memory_space<vmem>> -> memref<64x256xf32, #tpu.memory_space<vmem>>
    %dma_start3A_44 = arith.constant 0 : i32
    %dma_start3A_45 = tpu.memref_slice %arg2[%select_n3A, %dma_start3A_44, %mul3A_32] : memref<4x8192x2048xf32, #tpu.memory_space<hbm>> -> memref<1x64x256xf32, #tpu.memory_space<hbm>>
    %dma_start3A_46 = tpu.memref_squeeze %dma_start3A_45 : memref<1x64x256xf32, #tpu.memory_space<hbm>> -> memref<64x256xf32, #tpu.memory_space<hbm>>
    tpu.enqueue_dma source(%dma_start3A_46 : memref<64x256xf32, #tpu.memory_space<hbm>>) target(%dma_start3A_43 : memref<64x256xf32, #tpu.memory_space<vmem>>) target_semaphore(%arg6 : memref<!tpu.dma_semaphore, #tpu.memory_space<semaphore_mem>>)
    %dma_start3A_47 = arith.constant 1 : i32
    %dma_start3A_48 = arith.constant 0 : i32
    %dma_start3A_49 = arith.constant 0 : i32
    %dma_start3A_50 = tpu.memref_slice %arg4[%dma_start3A_47, %dma_start3A_48, %dma_start3A_49] : memref<2x64x256xf32, #tpu.memory_space<vmem>> -> memref<1x64x256xf32, #tpu.memory_space<vmem>>
    %dma_start3A_51 = tpu.memref_squeeze %dma_start3A_50 : memref<1x64x256xf32, #tpu.memory_space<vmem>> -> memref<64x256xf32, #tpu.memory_space<vmem>>
    %dma_start3A_52 = arith.constant 64 : i32
    %dma_start3A_53 = tpu.memref_slice %arg2[%select_n3A, %dma_start3A_52, %mul3A_32] : memref<4x8192x2048xf32, #tpu.memory_space<hbm>> -> memref<1x64x256xf32, #tpu.memory_space<hbm>>
    %dma_start3A_54 = tpu.memref_squeeze %dma_start3A_53 : memref<1x64x256xf32, #tpu.memory_space<hbm>> -> memref<64x256xf32, #tpu.memory_space<hbm>>
    %dma_start3A_55 = arith.constant 0 : i32
    %dma_start3A_56 = arith.constant 0 : i32
    %dma_start3A_57 = tpu.memref_slice %arg4[%dma_start3A_47, %dma_start3A_55, %dma_start3A_56] : memref<2x64x256xf32, #tpu.memory_space<vmem>> -> memref<1x64x256xf32, #tpu.memory_space<vmem>>
    %dma_start3A_58 = tpu.memref_squeeze %dma_start3A_57 : memref<1x64x256xf32, #tpu.memory_space<vmem>> -> memref<64x256xf32, #tpu.memory_space<vmem>>
    %dma_start3A_59 = arith.constant 64 : i32
    %dma_start3A_60 = tpu.memref_slice %arg2[%select_n3A, %dma_start3A_59, %mul3A_32] : memref<4x8192x2048xf32, #tpu.memory_space<hbm>> -> memref<1x64x256xf32, #tpu.memory_space<hbm>>
    %dma_start3A_61 = tpu.memref_squeeze %dma_start3A_60 : memref<1x64x256xf32, #tpu.memory_space<hbm>> -> memref<64x256xf32, #tpu.memory_space<hbm>>
    tpu.enqueue_dma source(%dma_start3A_61 : memref<64x256xf32, #tpu.memory_space<hbm>>) target(%dma_start3A_58 : memref<64x256xf32, #tpu.memory_space<vmem>>) target_semaphore(%arg7 : memref<!tpu.dma_semaphore, #tpu.memory_space<semaphore_mem>>)
    %broadcast_in_dim3A = arith.constant 0.000000e+00 : f32
    %broadcast_in_dim3A_62 = vector.broadcast %broadcast_in_dim3A : f32 to vector<16xf32>
    %broadcast_in_dim3A_63 = arith.constant 0.000000e+00 : f32
    %broadcast_in_dim3A_64 = vector.broadcast %broadcast_in_dim3A_63 : f32 to vector<16xf32>
    %broadcast_in_dim3A_65 = arith.constant 0.000000e+00 : f32
    %broadcast_in_dim3A_66 = vector.broadcast %broadcast_in_dim3A_65 : f32 to vector<16xf32>
    %broadcast_in_dim3A_67 = arith.constant 0.000000e+00 : f32
    %broadcast_in_dim3A_68 = vector.broadcast %broadcast_in_dim3A_67 : f32 to vector<16xf32>
    %broadcast_in_dim3A_69 = arith.constant 0.000000e+00 : f32
    %broadcast_in_dim3A_70 = vector.broadcast %broadcast_in_dim3A_69 : f32 to vector<16xf32>
    %broadcast_in_dim3A_71 = arith.constant 0.000000e+00 : f32
    %broadcast_in_dim3A_72 = vector.broadcast %broadcast_in_dim3A_71 : f32 to vector<16xf32>
    %broadcast_in_dim3A_73 = arith.constant 0.000000e+00 : f32
    %broadcast_in_dim3A_74 = vector.broadcast %broadcast_in_dim3A_73 : f32 to vector<16xf32>
    %broadcast_in_dim3A_75 = arith.constant 0.000000e+00 : f32
    %broadcast_in_dim3A_76 = vector.broadcast %broadcast_in_dim3A_75 : f32 to vector<16xf32>
    %broadcast_in_dim3A_77 = arith.constant 0.000000e+00 : f32
    %broadcast_in_dim3A_78 = vector.broadcast %broadcast_in_dim3A_77 : f32 to vector<16xf32>
    %broadcast_in_dim3A_79 = arith.constant 0.000000e+00 : f32
    %broadcast_in_dim3A_80 = vector.broadcast %broadcast_in_dim3A_79 : f32 to vector<16xf32>
    %broadcast_in_dim3A_81 = arith.constant 0.000000e+00 : f32
    %broadcast_in_dim3A_82 = vector.broadcast %broadcast_in_dim3A_81 : f32 to vector<16xf32>
    %broadcast_in_dim3A_83 = arith.constant 0.000000e+00 : f32
    %broadcast_in_dim3A_84 = vector.broadcast %broadcast_in_dim3A_83 : f32 to vector<16xf32>
    %broadcast_in_dim3A_85 = arith.constant 0.000000e+00 : f32
    %broadcast_in_dim3A_86 = vector.broadcast %broadcast_in_dim3A_85 : f32 to vector<16xf32>
    %broadcast_in_dim3A_87 = arith.constant 0.000000e+00 : f32
    %broadcast_in_dim3A_88 = vector.broadcast %broadcast_in_dim3A_87 : f32 to vector<16xf32>
    %broadcast_in_dim3A_89 = arith.constant 0.000000e+00 : f32
    %broadcast_in_dim3A_90 = vector.broadcast %broadcast_in_dim3A_89 : f32 to vector<16xf32>
    %broadcast_in_dim3A_91 = arith.constant 0.000000e+00 : f32
    %broadcast_in_dim3A_92 = vector.broadcast %broadcast_in_dim3A_91 : f32 to vector<16xf32>
    %scan3A = arith.constant 0 : i32
    %scan3A_93 = arith.constant 64 : i32
    %scan3A_94 = arith.addi %scan3A, %scan3A_93 : i32
    %scan3A_95 = arith.constant 1 : i32
    %scan3A_96:16 = scf.for %scan3A_127 = %scan3A to %scan3A_94 step %scan3A_95 iter_args(%scan3A_128 = %broadcast_in_dim3A_62, %scan3A_129 = %broadcast_in_dim3A_64, %scan3A_130 = %broadcast_in_dim3A_66, %scan3A_131 = %broadcast_in_dim3A_68, %scan3A_132 = %broadcast_in_dim3A_70, %scan3A_133 = %broadcast_in_dim3A_72, %scan3A_134 = %broadcast_in_dim3A_74, %scan3A_135 = %broadcast_in_dim3A_76, %scan3A_136 = %broadcast_in_dim3A_78, %scan3A_137 = %broadcast_in_dim3A_80, %scan3A_138 = %broadcast_in_dim3A_82, %scan3A_139 = %broadcast_in_dim3A_84, %scan3A_140 = %broadcast_in_dim3A_86, %scan3A_141 = %broadcast_in_dim3A_88, %scan3A_142 = %broadcast_in_dim3A_90, %scan3A_143 = %broadcast_in_dim3A_92) -> (vector<16xf32>, vector<16xf32>, vector<16xf32>, vector<16xf32>, vector<16xf32>, vector<16xf32>, vector<16xf32>, vector<16xf32>, vector<16xf32>, vector<16xf32>, vector<16xf32>, vector<16xf32>, vector<16xf32>, vector<16xf32>, vector<16xf32>, vector<16xf32>)  : i32 {
      %mul3A_144 = arith.constant 2 : i32
      %mul3A_145 = arith.muli %mul3A_144, %scan3A_127 : i32
      %add3A_146 = arith.constant 0 : i32
      %add3A_147 = arith.addi %mul3A_145, %add3A_146 : i32
      %mul3A_148 = arith.constant 64 : i32
      %mul3A_149 = arith.muli %add3A_147, %mul3A_148 : i32
      %dma_wait3A_150 = arith.constant 0 : i32
      %dma_wait3A_151 = arith.constant 0 : i32
      %dma_wait3A_152 = arith.constant 0 : i32
      %dma_wait3A_153 = tpu.memref_slice %arg4[%dma_wait3A_150, %dma_wait3A_151, %dma_wait3A_152] : memref<2x64x256xf32, #tpu.memory_space<vmem>> -> memref<1x64x256xf32, #tpu.memory_space<vmem>>
      %dma_wait3A_154 = tpu.memref_squeeze %dma_wait3A_153 : memref<1x64x256xf32, #tpu.memory_space<vmem>> -> memref<64x256xf32, #tpu.memory_space<vmem>>
      %dma_wait3A_155 = tpu.memref_slice %arg2[%select_n3A, %mul3A_149, %mul3A_32] : memref<4x8192x2048xf32, #tpu.memory_space<hbm>> -> memref<1x64x256xf32, #tpu.memory_space<hbm>>
      %dma_wait3A_156 = tpu.memref_squeeze %dma_wait3A_155 : memref<1x64x256xf32, #tpu.memory_space<hbm>> -> memref<64x256xf32, #tpu.memory_space<hbm>>
      %dma_wait3A_157 = arith.constant 0 : i32
      %dma_wait3A_158 = arith.constant 0 : i32
      %dma_wait3A_159 = tpu.memref_slice %arg4[%dma_wait3A_150, %dma_wait3A_157, %dma_wait3A_158] : memref<2x64x256xf32, #tpu.memory_space<vmem>> -> memref<1x64x256xf32, #tpu.memory_space<vmem>>
      %dma_wait3A_160 = tpu.memref_squeeze %dma_wait3A_159 : memref<1x64x256xf32, #tpu.memory_space<vmem>> -> memref<64x256xf32, #tpu.memory_space<vmem>>
      %dma_wait3A_161 = tpu.memref_slice %arg2[%select_n3A, %mul3A_149, %mul3A_32] : memref<4x8192x2048xf32, #tpu.memory_space<hbm>> -> memref<1x64x256xf32, #tpu.memory_space<hbm>>
      %dma_wait3A_162 = tpu.memref_squeeze %dma_wait3A_161 : memref<1x64x256xf32, #tpu.memory_space<hbm>> -> memref<64x256xf32, #tpu.memory_space<hbm>>
      tpu.wait_dma2 semaphore(%arg6 : memref<!tpu.dma_semaphore, #tpu.memory_space<semaphore_mem>>) src(%dma_wait3A_162 : memref<64x256xf32, #tpu.memory_space<hbm>>) dst(%dma_wait3A_160 : memref<64x256xf32, #tpu.memory_space<vmem>>)
      %ge3A = arith.constant 1 : i32
      %ge3A_163 = arith.cmpi sge, %scan3A_127, %ge3A : i32
      %convert_element_type3A = arith.extui %ge3A_163 : i1 to i32
      %cond3A = arith.constant 0 : i32
      %cond3A_164 = arith.cmpi ne, %convert_element_type3A, %cond3A : i32
      scf.if %cond3A_164 {
        %sub3A_245 = arith.constant 2 : i32
        %sub3A_246 = arith.subi %add3A_147, %sub3A_245 : i32
        %mul3A_247 = arith.constant 64 : i32
        %mul3A_248 = arith.muli %sub3A_246, %mul3A_247 : i32
        %dma_wait3A_249 = arith.constant 0 : i32
        %dma_wait3A_250 = arith.constant 0 : i32
        %dma_wait3A_251 = arith.constant 0 : i32
        %dma_wait3A_252 = tpu.memref_slice %arg5[%dma_wait3A_249, %dma_wait3A_250, %dma_wait3A_251] : memref<2x64x256xf32, #tpu.memory_space<vmem>> -> memref<1x64x256xf32, #tpu.memory_space<vmem>>
        %dma_wait3A_253 = tpu.memref_squeeze %dma_wait3A_252 : memref<1x64x256xf32, #tpu.memory_space<vmem>> -> memref<64x256xf32, #tpu.memory_space<vmem>>
        %dma_wait3A_254 = tpu.memref_slice %arg3[%select_n3A, %mul3A_248, %mul3A_32] : memref<4x8192x2048xf32, #tpu.memory_space<hbm>> -> memref<1x64x256xf32, #tpu.memory_space<hbm>>
        %dma_wait3A_255 = tpu.memref_squeeze %dma_wait3A_254 : memref<1x64x256xf32, #tpu.memory_space<hbm>> -> memref<64x256xf32, #tpu.memory_space<hbm>>
        %dma_wait3A_256 = tpu.memref_slice %arg3[%select_n3A, %mul3A_248, %mul3A_32] : memref<4x8192x2048xf32, #tpu.memory_space<hbm>> -> memref<1x64x256xf32, #tpu.memory_space<hbm>>
        %dma_wait3A_257 = tpu.memref_squeeze %dma_wait3A_256 : memref<1x64x256xf32, #tpu.memory_space<hbm>> -> memref<64x256xf32, #tpu.memory_space<hbm>>
        %dma_wait3A_258 = arith.constant 0 : i32
        %dma_wait3A_259 = arith.constant 0 : i32
        %dma_wait3A_260 = tpu.memref_slice %arg5[%dma_wait3A_249, %dma_wait3A_258, %dma_wait3A_259] : memref<2x64x256xf32, #tpu.memory_space<vmem>> -> memref<1x64x256xf32, #tpu.memory_space<vmem>>
        %dma_wait3A_261 = tpu.memref_squeeze %dma_wait3A_260 : memref<1x64x256xf32, #tpu.memory_space<vmem>> -> memref<64x256xf32, #tpu.memory_space<vmem>>
        tpu.wait_dma2 semaphore(%arg8 : memref<!tpu.dma_semaphore, #tpu.memory_space<semaphore_mem>>) src(%dma_wait3A_261 : memref<64x256xf32, #tpu.memory_space<vmem>>) dst(%dma_wait3A_257 : memref<64x256xf32, #tpu.memory_space<hbm>>)
      } else {
      }
      %scan3A_165 = arith.constant 0 : i32
      %scan3A_166 = arith.constant 64 : i32
      %scan3A_167 = arith.addi %scan3A_165, %scan3A_166 : i32
      %scan3A_168 = arith.constant 4 : i32
      %scan3A_169:16 = scf.for %scan3A_245 = %scan3A_165 to %scan3A_167 step %scan3A_168 iter_args(%scan3A_246 = %scan3A_128, %scan3A_247 = %scan3A_129, %scan3A_248 = %scan3A_130, %scan3A_249 = %scan3A_131, %scan3A_250 = %scan3A_132, %scan3A_251 = %scan3A_133, %scan3A_252 = %scan3A_134, %scan3A_253 = %scan3A_135, %scan3A_254 = %scan3A_136, %scan3A_255 = %scan3A_137, %scan3A_256 = %scan3A_138, %scan3A_257 = %scan3A_139, %scan3A_258 = %scan3A_140, %scan3A_259 = %scan3A_141, %scan3A_260 = %scan3A_142, %scan3A_261 = %scan3A_143) -> (vector<16xf32>, vector<16xf32>, vector<16xf32>, vector<16xf32>, vector<16xf32>, vector<16xf32>, vector<16xf32>, vector<16xf32>, vector<16xf32>, vector<16xf32>, vector<16xf32>, vector<16xf32>, vector<16xf32>, vector<16xf32>, vector<16xf32>, vector<16xf32>)  : i32 {
        %get3A = arith.constant 0 : i32
        %get3A_262 = arith.index_cast %get3A : i32 to index
        %get3A_263 = arith.index_cast %scan3A_245 : i32 to index
        %get3A_264 = arith.constant 0 : index
        %get3A_265 = tpu.vector_load %arg4[%get3A_262, %get3A_263, %get3A_264] {strides = array<i32>} : memref<2x64x256xf32, #tpu.memory_space<vmem>>, vector<1x1x16xf32>,
        %get3A_266 = vector.shape_cast %get3A_265 : vector<1x1x16xf32> to vector<16xf32>
        %add3A_267 = arith.addf %scan3A_246, %get3A_266 : vector<16xf32>
        %swap3A = arith.constant 0 : i32
        %swap3A_268 = arith.index_cast %swap3A : i32 to index
        %swap3A_269 = arith.index_cast %scan3A_245 : i32 to index
        %swap3A_270 = arith.constant 0 : index
        %swap3A_271 = tpu.vector_load %arg5[%swap3A_268, %swap3A_269, %swap3A_270] {strides = array<i32>} : memref<2x64x256xf32, #tpu.memory_space<vmem>>, vector<1x1x16xf32>,
        %swap3A_272 = vector.shape_cast %swap3A_271 : vector<1x1x16xf32> to vector<16xf32>
        %swap3A_273 = vector.shape_cast %add3A_267 : vector<16xf32> to vector<1x1x16xf32>
        tpu.vector_store %arg5[%swap3A_268, %swap3A_269, %swap3A_270], %swap3A_273 {strides = array<i32>} : memref<2x64x256xf32, #tpu.memory_space<vmem>>, vector<1x1x16xf32>,
        %get3A_274 = arith.constant 0 : i32
        %get3A_275 = arith.index_cast %get3A_274 : i32 to index
        %get3A_276 = arith.index_cast %scan3A_245 : i32 to index
        %get3A_277 = arith.constant 16 : index
        %get3A_278 = tpu.vector_load %arg4[%get3A_275, %get3A_276, %get3A_277] {strides = array<i32>} : memref<2x64x256xf32, #tpu.memory_space<vmem>>, vector<1x1x16xf32>,
        %get3A_279 = vector.shape_cast %get3A_278 : vector<1x1x16xf32> to vector<16xf32>
        %add3A_280 = arith.addf %scan3A_247, %get3A_279 : vector<16xf32>
        %swap3A_281 = arith.constant 0 : i32
        %swap3A_282 = arith.index_cast %swap3A_281 : i32 to index
        %swap3A_283 = arith.index_cast %scan3A_245 : i32 to index
        %swap3A_284 = arith.constant 16 : index
        %swap3A_285 = tpu.vector_load %arg5[%swap3A_282, %swap3A_283, %swap3A_284] {strides = array<i32>} : memref<2x64x256xf32, #tpu.memory_space<vmem>>, vector<1x1x16xf32>,
        %swap3A_286 = vector.shape_cast %swap3A_285 : vector<1x1x16xf32> to vector<16xf32>
        %swap3A_287 = vector.shape_cast %add3A_280 : vector<16xf32> to vector<1x1x16xf32>
        tpu.vector_store %arg5[%swap3A_282, %swap3A_283, %swap3A_284], %swap3A_287 {strides = array<i32>} : memref<2x64x256xf32, #tpu.memory_space<vmem>>, vector<1x1x16xf32>,
        %get3A_288 = arith.constant 0 : i32
        %get3A_289 = arith.index_cast %get3A_288 : i32 to index
        %get3A_290 = arith.index_cast %scan3A_245 : i32 to index
        %get3A_291 = arith.constant 32 : index
        %get3A_292 = tpu.vector_load %arg4[%get3A_289, %get3A_290, %get3A_291] {strides = array<i32>} : memref<2x64x256xf32, #tpu.memory_space<vmem>>, vector<1x1x16xf32>,
        %get3A_293 = vector.shape_cast %get3A_292 : vector<1x1x16xf32> to vector<16xf32>
        %add3A_294 = arith.addf %scan3A_248, %get3A_293 : vector<16xf32>
        %swap3A_295 = arith.constant 0 : i32
        %swap3A_296 = arith.index_cast %swap3A_295 : i32 to index
        %swap3A_297 = arith.index_cast %scan3A_245 : i32 to index
        %swap3A_298 = arith.constant 32 : index
        %swap3A_299 = tpu.vector_load %arg5[%swap3A_296, %swap3A_297, %swap3A_298] {strides = array<i32>} : memref<2x64x256xf32, #tpu.memory_space<vmem>>, vector<1x1x16xf32>,
        %swap3A_300 = vector.shape_cast %swap3A_299 : vector<1x1x16xf32> to vector<16xf32>
        %swap3A_301 = vector.shape_cast %add3A_294 : vector<16xf32> to vector<1x1x16xf32>
        tpu.vector_store %arg5[%swap3A_296, %swap3A_297, %swap3A_298], %swap3A_301 {strides = array<i32>} : memref<2x64x256xf32, #tpu.memory_space<vmem>>, vector<1x1x16xf32>,
        %get3A_302 = arith.constant 0 : i32
        %get3A_303 = arith.index_cast %get3A_302 : i32 to index
        %get3A_304 = arith.index_cast %scan3A_245 : i32 to index
        %get3A_305 = arith.constant 48 : index
        %get3A_306 = tpu.vector_load %arg4[%get3A_303, %get3A_304, %get3A_305] {strides = array<i32>} : memref<2x64x256xf32, #tpu.memory_space<vmem>>, vector<1x1x16xf32>,
        %get3A_307 = vector.shape_cast %get3A_306 : vector<1x1x16xf32> to vector<16xf32>
        %add3A_308 = arith.addf %scan3A_249, %get3A_307 : vector<16xf32>
        %swap3A_309 = arith.constant 0 : i32
        %swap3A_310 = arith.index_cast %swap3A_309 : i32 to index
        %swap3A_311 = arith.index_cast %scan3A_245 : i32 to index
        %swap3A_312 = arith.constant 48 : index
        %swap3A_313 = tpu.vector_load %arg5[%swap3A_310, %swap3A_311, %swap3A_312] {strides = array<i32>} : memref<2x64x256xf32, #tpu.memory_space<vmem>>, vector<1x1x16xf32>,
        %swap3A_314 = vector.shape_cast %swap3A_313 : vector<1x1x16xf32> to vector<16xf32>
        %swap3A_315 = vector.shape_cast %add3A_308 : vector<16xf32> to vector<1x1x16xf32>
        tpu.vector_store %arg5[%swap3A_310, %swap3A_311, %swap3A_312], %swap3A_315 {strides = array<i32>} : memref<2x64x256xf32, #tpu.memory_space<vmem>>, vector<1x1x16xf32>,
        %get3A_316 = arith.constant 0 : i32
        %get3A_317 = arith.index_cast %get3A_316 : i32 to index
        %get3A_318 = arith.index_cast %scan3A_245 : i32 to index
        %get3A_319 = arith.constant 64 : index
        %get3A_320 = tpu.vector_load %arg4[%get3A_317, %get3A_318, %get3A_319] {strides = array<i32>} : memref<2x64x256xf32, #tpu.memory_space<vmem>>, vector<1x1x16xf32>,
        %get3A_321 = vector.shape_cast %get3A_320 : vector<1x1x16xf32> to vector<16xf32>
        %add3A_322 = arith.addf %scan3A_250, %get3A_321 : vector<16xf32>
        %swap3A_323 = arith.constant 0 : i32
        %swap3A_324 = arith.index_cast %swap3A_323 : i32 to index
        %swap3A_325 = arith.index_cast %scan3A_245 : i32 to index
        %swap3A_326 = arith.constant 64 : index
        %swap3A_327 = tpu.vector_load %arg5[%swap3A_324, %swap3A_325, %swap3A_326] {strides = array<i32>} : memref<2x64x256xf32, #tpu.memory_space<vmem>>, vector<1x1x16xf32>,
        %swap3A_328 = vector.shape_cast %swap3A_327 : vector<1x1x16xf32> to vector<16xf32>
        %swap3A_329 = vector.shape_cast %add3A_322 : vector<16xf32> to vector<1x1x16xf32>
        tpu.vector_store %arg5[%swap3A_324, %swap3A_325, %swap3A_326], %swap3A_329 {strides = array<i32>} : memref<2x64x256xf32, #tpu.memory_space<vmem>>, vector<1x1x16xf32>,
        %get3A_330 = arith.constant 0 : i32
        %get3A_331 = arith.index_cast %get3A_330 : i32 to index
        %get3A_332 = arith.index_cast %scan3A_245 : i32 to index
        %get3A_333 = arith.constant 80 : index
        %get3A_334 = tpu.vector_load %arg4[%get3A_331, %get3A_332, %get3A_333] {strides = array<i32>} : memref<2x64x256xf32, #tpu.memory_space<vmem>>, vector<1x1x16xf32>,
        %get3A_335 = vector.shape_cast %get3A_334 : vector<1x1x16xf32> to vector<16xf32>
        %add3A_336 = arith.addf %scan3A_251, %get3A_335 : vector<16xf32>
        %swap3A_337 = arith.constant 0 : i32
        %swap3A_338 = arith.index_cast %swap3A_337 : i32 to index
        %swap3A_339 = arith.index_cast %scan3A_245 : i32 to index
        %swap3A_340 = arith.constant 80 : index
        %swap3A_341 = tpu.vector_load %arg5[%swap3A_338, %swap3A_339, %swap3A_340] {strides = array<i32>} : memref<2x64x256xf32, #tpu.memory_space<vmem>>, vector<1x1x16xf32>,
        %swap3A_342 = vector.shape_cast %swap3A_341 : vector<1x1x16xf32> to vector<16xf32>
        %swap3A_343 = vector.shape_cast %add3A_336 : vector<16xf32> to vector<1x1x16xf32>
        tpu.vector_store %arg5[%swap3A_338, %swap3A_339, %swap3A_340], %swap3A_343 {strides = array<i32>} : memref<2x64x256xf32, #tpu.memory_space<vmem>>, vector<1x1x16xf32>,
        %get3A_344 = arith.constant 0 : i32
        %get3A_345 = arith.index_cast %get3A_344 : i32 to index
        %get3A_346 = arith.index_cast %scan3A_245 : i32 to index
        %get3A_347 = arith.constant 96 : index
        %get3A_348 = tpu.vector_load %arg4[%get3A_345, %get3A_346, %get3A_347] {strides = array<i32>} : memref<2x64x256xf32, #tpu.memory_space<vmem>>, vector<1x1x16xf32>,
        %get3A_349 = vector.shape_cast %get3A_348 : vector<1x1x16xf32> to vector<16xf32>
        %add3A_350 = arith.addf %scan3A_252, %get3A_349 : vector<16xf32>
        %swap3A_351 = arith.constant 0 : i32
        %swap3A_352 = arith.index_cast %swap3A_351 : i32 to index
        %swap3A_353 = arith.index_cast %scan3A_245 : i32 to index
        %swap3A_354 = arith.constant 96 : index
        %swap3A_355 = tpu.vector_load %arg5[%swap3A_352, %swap3A_353, %swap3A_354] {strides = array<i32>} : memref<2x64x256xf32, #tpu.memory_space<vmem>>, vector<1x1x16xf32>,
        %swap3A_356 = vector.shape_cast %swap3A_355 : vector<1x1x16xf32> to vector<16xf32>
        %swap3A_357 = vector.shape_cast %add3A_350 : vector<16xf32> to vector<1x1x16xf32>
        tpu.vector_store %arg5[%swap3A_352, %swap3A_353, %swap3A_354], %swap3A_357 {strides = array<i32>} : memref<2x64x256xf32, #tpu.memory_space<vmem>>, vector<1x1x16xf32>,
        %get3A_358 = arith.constant 0 : i32
        %get3A_359 = arith.index_cast %get3A_358 : i32 to index
        %get3A_360 = arith.index_cast %scan3A_245 : i32 to index
        %get3A_361 = arith.constant 112 : index
        %get3A_362 = tpu.vector_load %arg4[%get3A_359, %get3A_360, %get3A_361] {strides = array<i32>} : memref<2x64x256xf32, #tpu.memory_space<vmem>>, vector<1x1x16xf32>,
        %get3A_363 = vector.shape_cast %get3A_362 : vector<1x1x16xf32> to vector<16xf32>
        %add3A_364 = arith.addf %scan3A_253, %get3A_363 : vector<16xf32>
        %swap3A_365 = arith.constant 0 : i32
        %swap3A_366 = arith.index_cast %swap3A_365 : i32 to index
        %swap3A_367 = arith.index_cast %scan3A_245 : i32 to index
        %swap3A_368 = arith.constant 112 : index
        %swap3A_369 = tpu.vector_load %arg5[%swap3A_366, %swap3A_367, %swap3A_368] {strides = array<i32>} : memref<2x64x256xf32, #tpu.memory_space<vmem>>, vector<1x1x16xf32>,
        %swap3A_370 = vector.shape_cast %swap3A_369 : vector<1x1x16xf32> to vector<16xf32>
        %swap3A_371 = vector.shape_cast %add3A_364 : vector<16xf32> to vector<1x1x16xf32>
        tpu.vector_store %arg5[%swap3A_366, %swap3A_367, %swap3A_368], %swap3A_371 {strides = array<i32>} : memref<2x64x256xf32, #tpu.memory_space<vmem>>, vector<1x1x16xf32>,
        %get3A_372 = arith.constant 0 : i32
        %get3A_373 = arith.index_cast %get3A_372 : i32 to index
        %get3A_374 = arith.index_cast %scan3A_245 : i32 to index
        %get3A_375 = arith.constant 128 : index
        %get3A_376 = tpu.vector_load %arg4[%get3A_373, %get3A_374, %get3A_375] {strides = array<i32>} : memref<2x64x256xf32, #tpu.memory_space<vmem>>, vector<1x1x16xf32>,
        %get3A_377 = vector.shape_cast %get3A_376 : vector<1x1x16xf32> to vector<16xf32>
        %add3A_378 = arith.addf %scan3A_254, %get3A_377 : vector<16xf32>
        %swap3A_379 = arith.constant 0 : i32
        %swap3A_380 = arith.index_cast %swap3A_379 : i32 to index
        %swap3A_381 = arith.index_cast %scan3A_245 : i32 to index
        %swap3A_382 = arith.constant 128 : index
        %swap3A_383 = tpu.vector_load %arg5[%swap3A_380, %swap3A_381, %swap3A_382] {strides = array<i32>} : memref<2x64x256xf32, #tpu.memory_space<vmem>>, vector<1x1x16xf32>,
        %swap3A_384 = vector.shape_cast %swap3A_383 : vector<1x1x16xf32> to vector<16xf32>
        %swap3A_385 = vector.shape_cast %add3A_378 : vector<16xf32> to vector<1x1x16xf32>
        tpu.vector_store %arg5[%swap3A_380, %swap3A_381, %swap3A_382], %swap3A_385 {strides = array<i32>} : memref<2x64x256xf32, #tpu.memory_space<vmem>>, vector<1x1x16xf32>,
        %get3A_386 = arith.constant 0 : i32
        %get3A_387 = arith.index_cast %get3A_386 : i32 to index
        %get3A_388 = arith.index_cast %scan3A_245 : i32 to index
        %get3A_389 = arith.constant 144 : index
        %get3A_390 = tpu.vector_load %arg4[%get3A_387, %get3A_388, %get3A_389] {strides = array<i32>} : memref<2x64x256xf32, #tpu.memory_space<vmem>>, vector<1x1x16xf32>,
        %get3A_391 = vector.shape_cast %get3A_390 : vector<1x1x16xf32> to vector<16xf32>
        %add3A_392 = arith.addf %scan3A_255, %get3A_391 : vector<16xf32>
        %swap3A_393 = arith.constant 0 : i32
        %swap3A_394 = arith.index_cast %swap3A_393 : i32 to index
        %swap3A_395 = arith.index_cast %scan3A_245 : i32 to index
        %swap3A_396 = arith.constant 144 : index
        %swap3A_397 = tpu.vector_load %arg5[%swap3A_394, %swap3A_395, %swap3A_396] {strides = array<i32>} : memref<2x64x256xf32, #tpu.memory_space<vmem>>, vector<1x1x16xf32>,
        %swap3A_398 = vector.shape_cast %swap3A_397 : vector<1x1x16xf32> to vector<16xf32>
        %swap3A_399 = vector.shape_cast %add3A_392 : vector<16xf32> to vector<1x1x16xf32>
        tpu.vector_store %arg5[%swap3A_394, %swap3A_395, %swap3A_396], %swap3A_399 {strides = array<i32>} : memref<2x64x256xf32, #tpu.memory_space<vmem>>, vector<1x1x16xf32>,
        %get3A_400 = arith.constant 0 : i32
        %get3A_401 = arith.index_cast %get3A_400 : i32 to index
        %get3A_402 = arith.index_cast %scan3A_245 : i32 to index
        %get3A_403 = arith.constant 160 : index
        %get3A_404 = tpu.vector_load %arg4[%get3A_401, %get3A_402, %get3A_403] {strides = array<i32>} : memref<2x64x256xf32, #tpu.memory_space<vmem>>, vector<1x1x16xf32>,
        %get3A_405 = vector.shape_cast %get3A_404 : vector<1x1x16xf32> to vector<16xf32>
        %add3A_406 = arith.addf %scan3A_256, %get3A_405 : vector<16xf32>
        %swap3A_407 = arith.constant 0 : i32
        %swap3A_408 = arith.index_cast %swap3A_407 : i32 to index
        %swap3A_409 = arith.index_cast %scan3A_245 : i32 to index
        %swap3A_410 = arith.constant 160 : index
        %swap3A_411 = tpu.vector_load %arg5[%swap3A_408, %swap3A_409, %swap3A_410] {strides = array<i32>} : memref<2x64x256xf32, #tpu.memory_space<vmem>>, vector<1x1x16xf32>,
        %swap3A_412 = vector.shape_cast %swap3A_411 : vector<1x1x16xf32> to vector<16xf32>
        %swap3A_413 = vector.shape_cast %add3A_406 : vector<16xf32> to vector<1x1x16xf32>
        tpu.vector_store %arg5[%swap3A_408, %swap3A_409, %swap3A_410], %swap3A_413 {strides = array<i32>} : memref<2x64x256xf32, #tpu.memory_space<vmem>>, vector<1x1x16xf32>,
        %get3A_414 = arith.constant 0 : i32
        %get3A_415 = arith.index_cast %get3A_414 : i32 to index
        %get3A_416 = arith.index_cast %scan3A_245 : i32 to index
        %get3A_417 = arith.constant 176 : index
        %get3A_418 = tpu.vector_load %arg4[%get3A_415, %get3A_416, %get3A_417] {strides = array<i32>} : memref<2x64x256xf32, #tpu.memory_space<vmem>>, vector<1x1x16xf32>,
        %get3A_419 = vector.shape_cast %get3A_418 : vector<1x1x16xf32> to vector<16xf32>
        %add3A_420 = arith.addf %scan3A_257, %get3A_419 : vector<16xf32>
        %swap3A_421 = arith.constant 0 : i32
        %swap3A_422 = arith.index_cast %swap3A_421 : i32 to index
        %swap3A_423 = arith.index_cast %scan3A_245 : i32 to index
        %swap3A_424 = arith.constant 176 : index
        %swap3A_425 = tpu.vector_load %arg5[%swap3A_422, %swap3A_423, %swap3A_424] {strides = array<i32>} : memref<2x64x256xf32, #tpu.memory_space<vmem>>, vector<1x1x16xf32>,
        %swap3A_426 = vector.shape_cast %swap3A_425 : vector<1x1x16xf32> to vector<16xf32>
        %swap3A_427 = vector.shape_cast %add3A_420 : vector<16xf32> to vector<1x1x16xf32>
        tpu.vector_store %arg5[%swap3A_422, %swap3A_423, %swap3A_424], %swap3A_427 {strides = array<i32>} : memref<2x64x256xf32, #tpu.memory_space<vmem>>, vector<1x1x16xf32>,
        %get3A_428 = arith.constant 0 : i32
        %get3A_429 = arith.index_cast %get3A_428 : i32 to index
        %get3A_430 = arith.index_cast %scan3A_245 : i32 to index
        %get3A_431 = arith.constant 192 : index
        %get3A_432 = tpu.vector_load %arg4[%get3A_429, %get3A_430, %get3A_431] {strides = array<i32>} : memref<2x64x256xf32, #tpu.memory_space<vmem>>, vector<1x1x16xf32>,
        %get3A_433 = vector.shape_cast %get3A_432 : vector<1x1x16xf32> to vector<16xf32>
        %add3A_434 = arith.addf %scan3A_258, %get3A_433 : vector<16xf32>
        %swap3A_435 = arith.constant 0 : i32
        %swap3A_436 = arith.index_cast %swap3A_435 : i32 to index
        %swap3A_437 = arith.index_cast %scan3A_245 : i32 to index
        %swap3A_438 = arith.constant 192 : index
        %swap3A_439 = tpu.vector_load %arg5[%swap3A_436, %swap3A_437, %swap3A_438] {strides = array<i32>} : memref<2x64x256xf32, #tpu.memory_space<vmem>>, vector<1x1x16xf32>,
        %swap3A_440 = vector.shape_cast %swap3A_439 : vector<1x1x16xf32> to vector<16xf32>
        %swap3A_441 = vector.shape_cast %add3A_434 : vector<16xf32> to vector<1x1x16xf32>
        tpu.vector_store %arg5[%swap3A_436, %swap3A_437, %swap3A_438], %swap3A_441 {strides = array<i32>} : memref<2x64x256xf32, #tpu.memory_space<vmem>>, vector<1x1x16xf32>,
        %get3A_442 = arith.constant 0 : i32
        %get3A_443 = arith.index_cast %get3A_442 : i32 to index
        %get3A_444 = arith.index_cast %scan3A_245 : i32 to index
        %get3A_445 = arith.constant 208 : index
        %get3A_446 = tpu.vector_load %arg4[%get3A_443, %get3A_444, %get3A_445] {strides = array<i32>} : memref<2x64x256xf32, #tpu.memory_space<vmem>>, vector<1x1x16xf32>,
        %get3A_447 = vector.shape_cast %get3A_446 : vector<1x1x16xf32> to vector<16xf32>
        %add3A_448 = arith.addf %scan3A_259, %get3A_447 : vector<16xf32>
        %swap3A_449 = arith.constant 0 : i32
        %swap3A_450 = arith.index_cast %swap3A_449 : i32 to index
        %swap3A_451 = arith.index_cast %scan3A_245 : i32 to index
        %swap3A_452 = arith.constant 208 : index
        %swap3A_453 = tpu.vector_load %arg5[%swap3A_450, %swap3A_451, %swap3A_452] {strides = array<i32>} : memref<2x64x256xf32, #tpu.memory_space<vmem>>, vector<1x1x16xf32>,
        %swap3A_454 = vector.shape_cast %swap3A_453 : vector<1x1x16xf32> to vector<16xf32>
        %swap3A_455 = vector.shape_cast %add3A_448 : vector<16xf32> to vector<1x1x16xf32>
        tpu.vector_store %arg5[%swap3A_450, %swap3A_451, %swap3A_452], %swap3A_455 {strides = array<i32>} : memref<2x64x256xf32, #tpu.memory_space<vmem>>, vector<1x1x16xf32>,
        %get3A_456 = arith.constant 0 : i32
        %get3A_457 = arith.index_cast %get3A_456 : i32 to index
        %get3A_458 = arith.index_cast %scan3A_245 : i32 to index
        %get3A_459 = arith.constant 224 : index
        %get3A_460 = tpu.vector_load %arg4[%get3A_457, %get3A_458, %get3A_459] {strides = array<i32>} : memref<2x64x256xf32, #tpu.memory_space<vmem>>, vector<1x1x16xf32>,
        %get3A_461 = vector.shape_cast %get3A_460 : vector<1x1x16xf32> to vector<16xf32>
        %add3A_462 = arith.addf %scan3A_260, %get3A_461 : vector<16xf32>
        %swap3A_463 = arith.constant 0 : i32
        %swap3A_464 = arith.index_cast %swap3A_463 : i32 to index
        %swap3A_465 = arith.index_cast %scan3A_245 : i32 to index
        %swap3A_466 = arith.constant 224 : index
        %swap3A_467 = tpu.vector_load %arg5[%swap3A_464, %swap3A_465, %swap3A_466] {strides = array<i32>} : memref<2x64x256xf32, #tpu.memory_space<vmem>>, vector<1x1x16xf32>,
        %swap3A_468 = vector.shape_cast %swap3A_467 : vector<1x1x16xf32> to vector<16xf32>
        %swap3A_469 = vector.shape_cast %add3A_462 : vector<16xf32> to vector<1x1x16xf32>
        tpu.vector_store %arg5[%swap3A_464, %swap3A_465, %swap3A_466], %swap3A_469 {strides = array<i32>} : memref<2x64x256xf32, #tpu.memory_space<vmem>>, vector<1x1x16xf32>,
        %get3A_470 = arith.constant 0 : i32
        %get3A_471 = arith.index_cast %get3A_470 : i32 to index
        %get3A_472 = arith.index_cast %scan3A_245 : i32 to index
        %get3A_473 = arith.constant 240 : index
        %get3A_474 = tpu.vector_load %arg4[%get3A_471, %get3A_472, %get3A_473] {strides = array<i32>} : memref<2x64x256xf32, #tpu.memory_space<vmem>>, vector<1x1x16xf32>,
        %get3A_475 = vector.shape_cast %get3A_474 : vector<1x1x16xf32> to vector<16xf32>
        %add3A_476 = arith.addf %scan3A_261, %get3A_475 : vector<16xf32>
        %swap3A_477 = arith.constant 0 : i32
        %swap3A_478 = arith.index_cast %swap3A_477 : i32 to index
        %swap3A_479 = arith.index_cast %scan3A_245 : i32 to index
        %swap3A_480 = arith.constant 240 : index
        %swap3A_481 = tpu.vector_load %arg5[%swap3A_478, %swap3A_479, %swap3A_480] {strides = array<i32>} : memref<2x64x256xf32, #tpu.memory_space<vmem>>, vector<1x1x16xf32>,
        %swap3A_482 = vector.shape_cast %swap3A_481 : vector<1x1x16xf32> to vector<16xf32>
        %swap3A_483 = vector.shape_cast %add3A_476 : vector<16xf32> to vector<1x1x16xf32>
        tpu.vector_store %arg5[%swap3A_478, %swap3A_479, %swap3A_480], %swap3A_483 {strides = array<i32>} : memref<2x64x256xf32, #tpu.memory_space<vmem>>, vector<1x1x16xf32>,
        %scan3A_484 = arith.constant 1 : i32
        %scan3A_485 = arith.addi %scan3A_245, %scan3A_484 : i32
        %get3A_486 = arith.constant 0 : i32
        %get3A_487 = arith.index_cast %get3A_486 : i32 to index
        %get3A_488 = arith.index_cast %scan3A_485 : i32 to index
        %get3A_489 = arith.constant 0 : index
        %get3A_490 = tpu.vector_load %arg4[%get3A_487, %get3A_488, %get3A_489] {strides = array<i32>} : memref<2x64x256xf32, #tpu.memory_space<vmem>>, vector<1x1x16xf32>,
        %get3A_491 = vector.shape_cast %get3A_490 : vector<1x1x16xf32> to vector<16xf32>
        %add3A_492 = arith.addf %add3A_267, %get3A_491 : vector<16xf32>
        %swap3A_493 = arith.constant 0 : i32
        %swap3A_494 = arith.index_cast %swap3A_493 : i32 to index
        %swap3A_495 = arith.index_cast %scan3A_485 : i32 to index
        %swap3A_496 = arith.constant 0 : index
        %swap3A_497 = tpu.vector_load %arg5[%swap3A_494, %swap3A_495, %swap3A_496] {strides = array<i32>} : memref<2x64x256xf32, #tpu.memory_space<vmem>>, vector<1x1x16xf32>,
        %swap3A_498 = vector.shape_cast %swap3A_497 : vector<1x1x16xf32> to vector<16xf32>
        %swap3A_499 = vector.shape_cast %add3A_492 : vector<16xf32> to vector<1x1x16xf32>
        tpu.vector_store %arg5[%swap3A_494, %swap3A_495, %swap3A_496], %swap3A_499 {strides = array<i32>} : memref<2x64x256xf32, #tpu.memory_space<vmem>>, vector<1x1x16xf32>,
        %get3A_500 = arith.constant 0 : i32
        %get3A_501 = arith.index_cast %get3A_500 : i32 to index
        %get3A_502 = arith.index_cast %scan3A_485 : i32 to index
        %get3A_503 = arith.constant 16 : index
        %get3A_504 = tpu.vector_load %arg4[%get3A_501, %get3A_502, %get3A_503] {strides = array<i32>} : memref<2x64x256xf32, #tpu.memory_space<vmem>>, vector<1x1x16xf32>,
        %get3A_505 = vector.shape_cast %get3A_504 : vector<1x1x16xf32> to vector<16xf32>
        %add3A_506 = arith.addf %add3A_280, %get3A_505 : vector<16xf32>
        %swap3A_507 = arith.constant 0 : i32
        %swap3A_508 = arith.index_cast %swap3A_507 : i32 to index
        %swap3A_509 = arith.index_cast %scan3A_485 : i32 to index
        %swap3A_510 = arith.constant 16 : index
        %swap3A_511 = tpu.vector_load %arg5[%swap3A_508, %swap3A_509, %swap3A_510] {strides = array<i32>} : memref<2x64x256xf32, #tpu.memory_space<vmem>>, vector<1x1x16xf32>,
        %swap3A_512 = vector.shape_cast %swap3A_511 : vector<1x1x16xf32> to vector<16xf32>
        %swap3A_513 = vector.shape_cast %add3A_506 : vector<16xf32> to vector<1x1x16xf32>
        tpu.vector_store %arg5[%swap3A_508, %swap3A_509, %swap3A_510], %swap3A_513 {strides = array<i32>} : memref<2x64x256xf32, #tpu.memory_space<vmem>>, vector<1x1x16xf32>,
        %get3A_514 = arith.constant 0 : i32
        %get3A_515 = arith.index_cast %get3A_514 : i32 to index
        %get3A_516 = arith.index_cast %scan3A_485 : i32 to index
        %get3A_517 = arith.constant 32 : index
        %get3A_518 = tpu.vector_load %arg4[%get3A_515, %get3A_516, %get3A_517] {strides = array<i32>} : memref<2x64x256xf32, #tpu.memory_space<vmem>>, vector<1x1x16xf32>,
        %get3A_519 = vector.shape_cast %get3A_518 : vector<1x1x16xf32> to vector<16xf32>
        %add3A_520 = arith.addf %add3A_294, %get3A_519 : vector<16xf32>
        %swap3A_521 = arith.constant 0 : i32
        %swap3A_522 = arith.index_cast %swap3A_521 : i32 to index
        %swap3A_523 = arith.index_cast %scan3A_485 : i32 to index
        %swap3A_524 = arith.constant 32 : index
        %swap3A_525 = tpu.vector_load %arg5[%swap3A_522, %swap3A_523, %swap3A_524] {strides = array<i32>} : memref<2x64x256xf32, #tpu.memory_space<vmem>>, vector<1x1x16xf32>,
        %swap3A_526 = vector.shape_cast %swap3A_525 : vector<1x1x16xf32> to vector<16xf32>
        %swap3A_527 = vector.shape_cast %add3A_520 : vector<16xf32> to vector<1x1x16xf32>
        tpu.vector_store %arg5[%swap3A_522, %swap3A_523, %swap3A_524], %swap3A_527 {strides = array<i32>} : memref<2x64x256xf32, #tpu.memory_space<vmem>>, vector<1x1x16xf32>,
        %get3A_528 = arith.constant 0 : i32
        %get3A_529 = arith.index_cast %get3A_528 : i32 to index
        %get3A_530 = arith.index_cast %scan3A_485 : i32 to index
        %get3A_531 = arith.constant 48 : index
        %get3A_532 = tpu.vector_load %arg4[%get3A_529, %get3A_530, %get3A_531] {strides = array<i32>} : memref<2x64x256xf32, #tpu.memory_space<vmem>>, vector<1x1x16xf32>,
        %get3A_533 = vector.shape_cast %get3A_532 : vector<1x1x16xf32> to vector<16xf32>
        %add3A_534 = arith.addf %add3A_308, %get3A_533 : vector<16xf32>
        %swap3A_535 = arith.constant 0 : i32
        %swap3A_536 = arith.index_cast %swap3A_535 : i32 to index
        %swap3A_537 = arith.index_cast %scan3A_485 : i32 to index
        %swap3A_538 = arith.constant 48 : index
        %swap3A_539 = tpu.vector_load %arg5[%swap3A_536, %swap3A_537, %swap3A_538] {strides = array<i32>} : memref<2x64x256xf32, #tpu.memory_space<vmem>>, vector<1x1x16xf32>,
        %swap3A_540 = vector.shape_cast %swap3A_539 : vector<1x1x16xf32> to vector<16xf32>
        %swap3A_541 = vector.shape_cast %add3A_534 : vector<16xf32> to vector<1x1x16xf32>
        tpu.vector_store %arg5[%swap3A_536, %swap3A_537, %swap3A_538], %swap3A_541 {strides = array<i32>} : memref<2x64x256xf32, #tpu.memory_space<vmem>>, vector<1x1x16xf32>,
        %get3A_542 = arith.constant 0 : i32
        %get3A_543 = arith.index_cast %get3A_542 : i32 to index
        %get3A_544 = arith.index_cast %scan3A_485 : i32 to index
        %get3A_545 = arith.constant 64 : index
        %get3A_546 = tpu.vector_load %arg4[%get3A_543, %get3A_544, %get3A_545] {strides = array<i32>} : memref<2x64x256xf32, #tpu.memory_space<vmem>>, vector<1x1x16xf32>,
        %get3A_547 = vector.shape_cast %get3A_546 : vector<1x1x16xf32> to vector<16xf32>
        %add3A_548 = arith.addf %add3A_322, %get3A_547 : vector<16xf32>
        %swap3A_549 = arith.constant 0 : i32
        %swap3A_550 = arith.index_cast %swap3A_549 : i32 to index
        %swap3A_551 = arith.index_cast %scan3A_485 : i32 to index
        %swap3A_552 = arith.constant 64 : index
        %swap3A_553 = tpu.vector_load %arg5[%swap3A_550, %swap3A_551, %swap3A_552] {strides = array<i32>} : memref<2x64x256xf32, #tpu.memory_space<vmem>>, vector<1x1x16xf32>,
        %swap3A_554 = vector.shape_cast %swap3A_553 : vector<1x1x16xf32> to vector<16xf32>
        %swap3A_555 = vector.shape_cast %add3A_548 : vector<16xf32> to vector<1x1x16xf32>
        tpu.vector_store %arg5[%swap3A_550, %swap3A_551, %swap3A_552], %swap3A_555 {strides = array<i32>} : memref<2x64x256xf32, #tpu.memory_space<vmem>>, vector<1x1x16xf32>,
        %get3A_556 = arith.constant 0 : i32
        %get3A_557 = arith.index_cast %get3A_556 : i32 to index
        %get3A_558 = arith.index_cast %scan3A_485 : i32 to index
        %get3A_559 = arith.constant 80 : index
        %get3A_560 = tpu.vector_load %arg4[%get3A_557, %get3A_558, %get3A_559] {strides = array<i32>} : memref<2x64x256xf32, #tpu.memory_space<vmem>>, vector<1x1x16xf32>,
        %get3A_561 = vector.shape_cast %get3A_560 : vector<1x1x16xf32> to vector<16xf32>
        %add3A_562 = arith.addf %add3A_336, %get3A_561 : vector<16xf32>
        %swap3A_563 = arith.constant 0 : i32
        %swap3A_564 = arith.index_cast %swap3A_563 : i32 to index
        %swap3A_565 = arith.index_cast %scan3A_485 : i32 to index
        %swap3A_566 = arith.constant 80 : index
        %swap3A_567 = tpu.vector_load %arg5[%swap3A_564, %swap3A_565, %swap3A_566] {strides = array<i32>} : memref<2x64x256xf32, #tpu.memory_space<vmem>>, vector<1x1x16xf32>,
        %swap3A_568 = vector.shape_cast %swap3A_567 : vector<1x1x16xf32> to vector<16xf32>
        %swap3A_569 = vector.shape_cast %add3A_562 : vector<16xf32> to vector<1x1x16xf32>
        tpu.vector_store %arg5[%swap3A_564, %swap3A_565, %swap3A_566], %swap3A_569 {strides = array<i32>} : memref<2x64x256xf32, #tpu.memory_space<vmem>>, vector<1x1x16xf32>,
        %get3A_570 = arith.constant 0 : i32
        %get3A_571 = arith.index_cast %get3A_570 : i32 to index
        %get3A_572 = arith.index_cast %scan3A_485 : i32 to index
        %get3A_573 = arith.constant 96 : index
        %get3A_574 = tpu.vector_load %arg4[%get3A_571, %get3A_572, %get3A_573] {strides = array<i32>} : memref<2x64x256xf32, #tpu.memory_space<vmem>>, vector<1x1x16xf32>,
        %get3A_575 = vector.shape_cast %get3A_574 : vector<1x1x16xf32> to vector<16xf32>
        %add3A_576 = arith.addf %add3A_350, %get3A_575 : vector<16xf32>
        %swap3A_577 = arith.constant 0 : i32
        %swap3A_578 = arith.index_cast %swap3A_577 : i32 to index
        %swap3A_579 = arith.index_cast %scan3A_485 : i32 to index
        %swap3A_580 = arith.constant 96 : index
        %swap3A_581 = tpu.vector_load %arg5[%swap3A_578, %swap3A_579, %swap3A_580] {strides = array<i32>} : memref<2x64x256xf32, #tpu.memory_space<vmem>>, vector<1x1x16xf32>,
        %swap3A_582 = vector.shape_cast %swap3A_581 : vector<1x1x16xf32> to vector<16xf32>
        %swap3A_583 = vector.shape_cast %add3A_576 : vector<16xf32> to vector<1x1x16xf32>
        tpu.vector_store %arg5[%swap3A_578, %swap3A_579, %swap3A_580], %swap3A_583 {strides = array<i32>} : memref<2x64x256xf32, #tpu.memory_space<vmem>>, vector<1x1x16xf32>,
        %get3A_584 = arith.constant 0 : i32
        %get3A_585 = arith.index_cast %get3A_584 : i32 to index
        %get3A_586 = arith.index_cast %scan3A_485 : i32 to index
        %get3A_587 = arith.constant 112 : index
        %get3A_588 = tpu.vector_load %arg4[%get3A_585, %get3A_586, %get3A_587] {strides = array<i32>} : memref<2x64x256xf32, #tpu.memory_space<vmem>>, vector<1x1x16xf32>,
        %get3A_589 = vector.shape_cast %get3A_588 : vector<1x1x16xf32> to vector<16xf32>
        %add3A_590 = arith.addf %add3A_364, %get3A_589 : vector<16xf32>
        %swap3A_591 = arith.constant 0 : i32
        %swap3A_592 = arith.index_cast %swap3A_591 : i32 to index
        %swap3A_593 = arith.index_cast %scan3A_485 : i32 to index
        %swap3A_594 = arith.constant 112 : index
        %swap3A_595 = tpu.vector_load %arg5[%swap3A_592, %swap3A_593, %swap3A_594] {strides = array<i32>} : memref<2x64x256xf32, #tpu.memory_space<vmem>>, vector<1x1x16xf32>,
        %swap3A_596 = vector.shape_cast %swap3A_595 : vector<1x1x16xf32> to vector<16xf32>
        %swap3A_597 = vector.shape_cast %add3A_590 : vector<16xf32> to vector<1x1x16xf32>
        tpu.vector_store %arg5[%swap3A_592, %swap3A_593, %swap3A_594], %swap3A_597 {strides = array<i32>} : memref<2x64x256xf32, #tpu.memory_space<vmem>>, vector<1x1x16xf32>,
        %get3A_598 = arith.constant 0 : i32
        %get3A_599 = arith.index_cast %get3A_598 : i32 to index
        %get3A_600 = arith.index_cast %scan3A_485 : i32 to index
        %get3A_601 = arith.constant 128 : index
        %get3A_602 = tpu.vector_load %arg4[%get3A_599, %get3A_600, %get3A_601] {strides = array<i32>} : memref<2x64x256xf32, #tpu.memory_space<vmem>>, vector<1x1x16xf32>,
        %get3A_603 = vector.shape_cast %get3A_602 : vector<1x1x16xf32> to vector<16xf32>
        %add3A_604 = arith.addf %add3A_378, %get3A_603 : vector<16xf32>
        %swap3A_605 = arith.constant 0 : i32
        %swap3A_606 = arith.index_cast %swap3A_605 : i32 to index
        %swap3A_607 = arith.index_cast %scan3A_485 : i32 to index
        %swap3A_608 = arith.constant 128 : index
        %swap3A_609 = tpu.vector_load %arg5[%swap3A_606, %swap3A_607, %swap3A_608] {strides = array<i32>} : memref<2x64x256xf32, #tpu.memory_space<vmem>>, vector<1x1x16xf32>,
        %swap3A_610 = vector.shape_cast %swap3A_609 : vector<1x1x16xf32> to vector<16xf32>
        %swap3A_611 = vector.shape_cast %add3A_604 : vector<16xf32> to vector<1x1x16xf32>
        tpu.vector_store %arg5[%swap3A_606, %swap3A_607, %swap3A_608], %swap3A_611 {strides = array<i32>} : memref<2x64x256xf32, #tpu.memory_space<vmem>>, vector<1x1x16xf32>,
        %get3A_612 = arith.constant 0 : i32
        %get3A_613 = arith.index_cast %get3A_612 : i32 to index
        %get3A_614 = arith.index_cast %scan3A_485 : i32 to index
        %get3A_615 = arith.constant 144 : index
        %get3A_616 = tpu.vector_load %arg4[%get3A_613, %get3A_614, %get3A_615] {strides = array<i32>} : memref<2x64x256xf32, #tpu.memory_space<vmem>>, vector<1x1x16xf32>,
        %get3A_617 = vector.shape_cast %get3A_616 : vector<1x1x16xf32> to vector<16xf32>
        %add3A_618 = arith.addf %add3A_392, %get3A_617 : vector<16xf32>
        %swap3A_619 = arith.constant 0 : i32
        %swap3A_620 = arith.index_cast %swap3A_619 : i32 to index
        %swap3A_621 = arith.index_cast %scan3A_485 : i32 to index
        %swap3A_622 = arith.constant 144 : index
        %swap3A_623 = tpu.vector_load %arg5[%swap3A_620, %swap3A_621, %swap3A_622] {strides = array<i32>} : memref<2x64x256xf32, #tpu.memory_space<vmem>>, vector<1x1x16xf32>,
        %swap3A_624 = vector.shape_cast %swap3A_623 : vector<1x1x16xf32> to vector<16xf32>
        %swap3A_625 = vector.shape_cast %add3A_618 : vector<16xf32> to vector<1x1x16xf32>
        tpu.vector_store %arg5[%swap3A_620, %swap3A_621, %swap3A_622], %swap3A_625 {strides = array<i32>} : memref<2x64x256xf32, #tpu.memory_space<vmem>>, vector<1x1x16xf32>,
        %get3A_626 = arith.constant 0 : i32
        %get3A_627 = arith.index_cast %get3A_626 : i32 to index
        %get3A_628 = arith.index_cast %scan3A_485 : i32 to index
        %get3A_629 = arith.constant 160 : index
        %get3A_630 = tpu.vector_load %arg4[%get3A_627, %get3A_628, %get3A_629] {strides = array<i32>} : memref<2x64x256xf32, #tpu.memory_space<vmem>>, vector<1x1x16xf32>,
        %get3A_631 = vector.shape_cast %get3A_630 : vector<1x1x16xf32> to vector<16xf32>
        %add3A_632 = arith.addf %add3A_406, %get3A_631 : vector<16xf32>
        %swap3A_633 = arith.constant 0 : i32
        %swap3A_634 = arith.index_cast %swap3A_633 : i32 to index
        %swap3A_635 = arith.index_cast %scan3A_485 : i32 to index
        %swap3A_636 = arith.constant 160 : index
        %swap3A_637 = tpu.vector_load %arg5[%swap3A_634, %swap3A_635, %swap3A_636] {strides = array<i32>} : memref<2x64x256xf32, #tpu.memory_space<vmem>>, vector<1x1x16xf32>,
        %swap3A_638 = vector.shape_cast %swap3A_637 : vector<1x1x16xf32> to vector<16xf32>
        %swap3A_639 = vector.shape_cast %add3A_632 : vector<16xf32> to vector<1x1x16xf32>
        tpu.vector_store %arg5[%swap3A_634, %swap3A_635, %swap3A_636], %swap3A_639 {strides = array<i32>} : memref<2x64x256xf32, #tpu.memory_space<vmem>>, vector<1x1x16xf32>,
        %get3A_640 = arith.constant 0 : i32
        %get3A_641 = arith.index_cast %get3A_640 : i32 to index
        %get3A_642 = arith.index_cast %scan3A_485 : i32 to index
        %get3A_643 = arith.constant 176 : index
        %get3A_644 = tpu.vector_load %arg4[%get3A_641, %get3A_642, %get3A_643] {strides = array<i32>} : memref<2x64x256xf32, #tpu.memory_space<vmem>>, vector<1x1x16xf32>,
        %get3A_645 = vector.shape_cast %get3A_644 : vector<1x1x16xf32> to vector<16xf32>
        %add3A_646 = arith.addf %add3A_420, %get3A_645 : vector<16xf32>
        %swap3A_647 = arith.constant 0 : i32
        %swap3A_648 = arith.index_cast %swap3A_647 : i32 to index
        %swap3A_649 = arith.index_cast %scan3A_485 : i32 to index
        %swap3A_650 = arith.constant 176 : index
        %swap3A_651 = tpu.vector_load %arg5[%swap3A_648, %swap3A_649, %swap3A_650] {strides = array<i32>} : memref<2x64x256xf32, #tpu.memory_space<vmem>>, vector<1x1x16xf32>,
        %swap3A_652 = vector.shape_cast %swap3A_651 : vector<1x1x16xf32> to vector<16xf32>
        %swap3A_653 = vector.shape_cast %add3A_646 : vector<16xf32> to vector<1x1x16xf32>
        tpu.vector_store %arg5[%swap3A_648, %swap3A_649, %swap3A_650], %swap3A_653 {strides = array<i32>} : memref<2x64x256xf32, #tpu.memory_space<vmem>>, vector<1x1x16xf32>,
        %get3A_654 = arith.constant 0 : i32
        %get3A_655 = arith.index_cast %get3A_654 : i32 to index
        %get3A_656 = arith.index_cast %scan3A_485 : i32 to index
        %get3A_657 = arith.constant 192 : index
        %get3A_658 = tpu.vector_load %arg4[%get3A_655, %get3A_656, %get3A_657] {strides = array<i32>} : memref<2x64x256xf32, #tpu.memory_space<vmem>>, vector<1x1x16xf32>,
        %get3A_659 = vector.shape_cast %get3A_658 : vector<1x1x16xf32> to vector<16xf32>
        %add3A_660 = arith.addf %add3A_434, %get3A_659 : vector<16xf32>
        %swap3A_661 = arith.constant 0 : i32
        %swap3A_662 = arith.index_cast %swap3A_661 : i32 to index
        %swap3A_663 = arith.index_cast %scan3A_485 : i32 to index
        %swap3A_664 = arith.constant 192 : index
        %swap3A_665 = tpu.vector_load %arg5[%swap3A_662, %swap3A_663, %swap3A_664] {strides = array<i32>} : memref<2x64x256xf32, #tpu.memory_space<vmem>>, vector<1x1x16xf32>,
        %swap3A_666 = vector.shape_cast %swap3A_665 : vector<1x1x16xf32> to vector<16xf32>
        %swap3A_667 = vector.shape_cast %add3A_660 : vector<16xf32> to vector<1x1x16xf32>
        tpu.vector_store %arg5[%swap3A_662, %swap3A_663, %swap3A_664], %swap3A_667 {strides = array<i32>} : memref<2x64x256xf32, #tpu.memory_space<vmem>>, vector<1x1x16xf32>,
        %get3A_668 = arith.constant 0 : i32
        %get3A_669 = arith.index_cast %get3A_668 : i32 to index
        %get3A_670 = arith.index_cast %scan3A_485 : i32 to index
        %get3A_671 = arith.constant 208 : index
        %get3A_672 = tpu.vector_load %arg4[%get3A_669, %get3A_670, %get3A_671] {strides = array<i32>} : memref<2x64x256xf32, #tpu.memory_space<vmem>>, vector<1x1x16xf32>,
        %get3A_673 = vector.shape_cast %get3A_672 : vector<1x1x16xf32> to vector<16xf32>
        %add3A_674 = arith.addf %add3A_448, %get3A_673 : vector<16xf32>
        %swap3A_675 = arith.constant 0 : i32
        %swap3A_676 = arith.index_cast %swap3A_675 : i32 to index
        %swap3A_677 = arith.index_cast %scan3A_485 : i32 to index
        %swap3A_678 = arith.constant 208 : index
        %swap3A_679 = tpu.vector_load %arg5[%swap3A_676, %swap3A_677, %swap3A_678] {strides = array<i32>} : memref<2x64x256xf32, #tpu.memory_space<vmem>>, vector<1x1x16xf32>,
        %swap3A_680 = vector.shape_cast %swap3A_679 : vector<1x1x16xf32> to vector<16xf32>
        %swap3A_681 = vector.shape_cast %add3A_674 : vector<16xf32> to vector<1x1x16xf32>
        tpu.vector_store %arg5[%swap3A_676, %swap3A_677, %swap3A_678], %swap3A_681 {strides = array<i32>} : memref<2x64x256xf32, #tpu.memory_space<vmem>>, vector<1x1x16xf32>,
        %get3A_682 = arith.constant 0 : i32
        %get3A_683 = arith.index_cast %get3A_682 : i32 to index
        %get3A_684 = arith.index_cast %scan3A_485 : i32 to index
        %get3A_685 = arith.constant 224 : index
        %get3A_686 = tpu.vector_load %arg4[%get3A_683, %get3A_684, %get3A_685] {strides = array<i32>} : memref<2x64x256xf32, #tpu.memory_space<vmem>>, vector<1x1x16xf32>,
        %get3A_687 = vector.shape_cast %get3A_686 : vector<1x1x16xf32> to vector<16xf32>
        %add3A_688 = arith.addf %add3A_462, %get3A_687 : vector<16xf32>
        %swap3A_689 = arith.constant 0 : i32
        %swap3A_690 = arith.index_cast %swap3A_689 : i32 to index
        %swap3A_691 = arith.index_cast %scan3A_485 : i32 to index
        %swap3A_692 = arith.constant 224 : index
        %swap3A_693 = tpu.vector_load %arg5[%swap3A_690, %swap3A_691, %swap3A_692] {strides = array<i32>} : memref<2x64x256xf32, #tpu.memory_space<vmem>>, vector<1x1x16xf32>,
        %swap3A_694 = vector.shape_cast %swap3A_693 : vector<1x1x16xf32> to vector<16xf32>
        %swap3A_695 = vector.shape_cast %add3A_688 : vector<16xf32> to vector<1x1x16xf32>
        tpu.vector_store %arg5[%swap3A_690, %swap3A_691, %swap3A_692], %swap3A_695 {strides = array<i32>} : memref<2x64x256xf32, #tpu.memory_space<vmem>>, vector<1x1x16xf32>,
        %get3A_696 = arith.constant 0 : i32
        %get3A_697 = arith.index_cast %get3A_696 : i32 to index
        %get3A_698 = arith.index_cast %scan3A_485 : i32 to index
        %get3A_699 = arith.constant 240 : index
        %get3A_700 = tpu.vector_load %arg4[%get3A_697, %get3A_698, %get3A_699] {strides = array<i32>} : memref<2x64x256xf32, #tpu.memory_space<vmem>>, vector<1x1x16xf32>,
        %get3A_701 = vector.shape_cast %get3A_700 : vector<1x1x16xf32> to vector<16xf32>
        %add3A_702 = arith.addf %add3A_476, %get3A_701 : vector<16xf32>
        %swap3A_703 = arith.constant 0 : i32
        %swap3A_704 = arith.index_cast %swap3A_703 : i32 to index
        %swap3A_705 = arith.index_cast %scan3A_485 : i32 to index
        %swap3A_706 = arith.constant 240 : index
        %swap3A_707 = tpu.vector_load %arg5[%swap3A_704, %swap3A_705, %swap3A_706] {strides = array<i32>} : memref<2x64x256xf32, #tpu.memory_space<vmem>>, vector<1x1x16xf32>,
        %swap3A_708 = vector.shape_cast %swap3A_707 : vector<1x1x16xf32> to vector<16xf32>
        %swap3A_709 = vector.shape_cast %add3A_702 : vector<16xf32> to vector<1x1x16xf32>
        tpu.vector_store %arg5[%swap3A_704, %swap3A_705, %swap3A_706], %swap3A_709 {strides = array<i32>} : memref<2x64x256xf32, #tpu.memory_space<vmem>>, vector<1x1x16xf32>,
        %scan3A_710 = arith.constant 2 : i32
        %scan3A_711 = arith.addi %scan3A_245, %scan3A_710 : i32
        %get3A_712 = arith.constant 0 : i32
        %get3A_713 = arith.index_cast %get3A_712 : i32 to index
        %get3A_714 = arith.index_cast %scan3A_711 : i32 to index
        %get3A_715 = arith.constant 0 : index
        %get3A_716 = tpu.vector_load %arg4[%get3A_713, %get3A_714, %get3A_715] {strides = array<i32>} : memref<2x64x256xf32, #tpu.memory_space<vmem>>, vector<1x1x16xf32>,
        %get3A_717 = vector.shape_cast %get3A_716 : vector<1x1x16xf32> to vector<16xf32>
        %add3A_718 = arith.addf %add3A_492, %get3A_717 : vector<16xf32>
        %swap3A_719 = arith.constant 0 : i32
        %swap3A_720 = arith.index_cast %swap3A_719 : i32 to index
        %swap3A_721 = arith.index_cast %scan3A_711 : i32 to index
        %swap3A_722 = arith.constant 0 : index
        %swap3A_723 = tpu.vector_load %arg5[%swap3A_720, %swap3A_721, %swap3A_722] {strides = array<i32>} : memref<2x64x256xf32, #tpu.memory_space<vmem>>, vector<1x1x16xf32>,
        %swap3A_724 = vector.shape_cast %swap3A_723 : vector<1x1x16xf32> to vector<16xf32>
        %swap3A_725 = vector.shape_cast %add3A_718 : vector<16xf32> to vector<1x1x16xf32>
        tpu.vector_store %arg5[%swap3A_720, %swap3A_721, %swap3A_722], %swap3A_725 {strides = array<i32>} : memref<2x64x256xf32, #tpu.memory_space<vmem>>, vector<1x1x16xf32>,
        %get3A_726 = arith.constant 0 : i32
        %get3A_727 = arith.index_cast %get3A_726 : i32 to index
        %get3A_728 = arith.index_cast %scan3A_711 : i32 to index
        %get3A_729 = arith.constant 16 : index
        %get3A_730 = tpu.vector_load %arg4[%get3A_727, %get3A_728, %get3A_729] {strides = array<i32>} : memref<2x64x256xf32, #tpu.memory_space<vmem>>, vector<1x1x16xf32>,
        %get3A_731 = vector.shape_cast %get3A_730 : vector<1x1x16xf32> to vector<16xf32>
        %add3A_732 = arith.addf %add3A_506, %get3A_731 : vector<16xf32>
        %swap3A_733 = arith.constant 0 : i32
        %swap3A_734 = arith.index_cast %swap3A_733 : i32 to index
        %swap3A_735 = arith.index_cast %scan3A_711 : i32 to index
        %swap3A_736 = arith.constant 16 : index
        %swap3A_737 = tpu.vector_load %arg5[%swap3A_734, %swap3A_735, %swap3A_736] {strides = array<i32>} : memref<2x64x256xf32, #tpu.memory_space<vmem>>, vector<1x1x16xf32>,
        %swap3A_738 = vector.shape_cast %swap3A_737 : vector<1x1x16xf32> to vector<16xf32>
        %swap3A_739 = vector.shape_cast %add3A_732 : vector<16xf32> to vector<1x1x16xf32>
        tpu.vector_store %arg5[%swap3A_734, %swap3A_735, %swap3A_736], %swap3A_739 {strides = array<i32>} : memref<2x64x256xf32, #tpu.memory_space<vmem>>, vector<1x1x16xf32>,
        %get3A_740 = arith.constant 0 : i32
        %get3A_741 = arith.index_cast %get3A_740 : i32 to index
        %get3A_742 = arith.index_cast %scan3A_711 : i32 to index
        %get3A_743 = arith.constant 32 : index
        %get3A_744 = tpu.vector_load %arg4[%get3A_741, %get3A_742, %get3A_743] {strides = array<i32>} : memref<2x64x256xf32, #tpu.memory_space<vmem>>, vector<1x1x16xf32>,
        %get3A_745 = vector.shape_cast %get3A_744 : vector<1x1x16xf32> to vector<16xf32>
        %add3A_746 = arith.addf %add3A_520, %get3A_745 : vector<16xf32>
        %swap3A_747 = arith.constant 0 : i32
        %swap3A_748 = arith.index_cast %swap3A_747 : i32 to index
        %swap3A_749 = arith.index_cast %scan3A_711 : i32 to index
        %swap3A_750 = arith.constant 32 : index
        %swap3A_751 = tpu.vector_load %arg5[%swap3A_748, %swap3A_749, %swap3A_750] {strides = array<i32>} : memref<2x64x256xf32, #tpu.memory_space<vmem>>, vector<1x1x16xf32>,
        %swap3A_752 = vector.shape_cast %swap3A_751 : vector<1x1x16xf32> to vector<16xf32>
        %swap3A_753 = vector.shape_cast %add3A_746 : vector<16xf32> to vector<1x1x16xf32>
        tpu.vector_store %arg5[%swap3A_748, %swap3A_749, %swap3A_750], %swap3A_753 {strides = array<i32>} : memref<2x64x256xf32, #tpu.memory_space<vmem>>, vector<1x1x16xf32>,
        %get3A_754 = arith.constant 0 : i32
        %get3A_755 = arith.index_cast %get3A_754 : i32 to index
        %get3A_756 = arith.index_cast %scan3A_711 : i32 to index
        %get3A_757 = arith.constant 48 : index
        %get3A_758 = tpu.vector_load %arg4[%get3A_755, %get3A_756, %get3A_757] {strides = array<i32>} : memref<2x64x256xf32, #tpu.memory_space<vmem>>, vector<1x1x16xf32>,
        %get3A_759 = vector.shape_cast %get3A_758 : vector<1x1x16xf32> to vector<16xf32>
        %add3A_760 = arith.addf %add3A_534, %get3A_759 : vector<16xf32>
        %swap3A_761 = arith.constant 0 : i32
        %swap3A_762 = arith.index_cast %swap3A_761 : i32 to index
        %swap3A_763 = arith.index_cast %scan3A_711 : i32 to index
        %swap3A_764 = arith.constant 48 : index
        %swap3A_765 = tpu.vector_load %arg5[%swap3A_762, %swap3A_763, %swap3A_764] {strides = array<i32>} : memref<2x64x256xf32, #tpu.memory_space<vmem>>, vector<1x1x16xf32>,
        %swap3A_766 = vector.shape_cast %swap3A_765 : vector<1x1x16xf32> to vector<16xf32>
        %swap3A_767 = vector.shape_cast %add3A_760 : vector<16xf32> to vector<1x1x16xf32>
        tpu.vector_store %arg5[%swap3A_762, %swap3A_763, %swap3A_764], %swap3A_767 {strides = array<i32>} : memref<2x64x256xf32, #tpu.memory_space<vmem>>, vector<1x1x16xf32>,
        %get3A_768 = arith.constant 0 : i32
        %get3A_769 = arith.index_cast %get3A_768 : i32 to index
        %get3A_770 = arith.index_cast %scan3A_711 : i32 to index
        %get3A_771 = arith.constant 64 : index
        %get3A_772 = tpu.vector_load %arg4[%get3A_769, %get3A_770, %get3A_771] {strides = array<i32>} : memref<2x64x256xf32, #tpu.memory_space<vmem>>, vector<1x1x16xf32>,
        %get3A_773 = vector.shape_cast %get3A_772 : vector<1x1x16xf32> to vector<16xf32>
        %add3A_774 = arith.addf %add3A_548, %get3A_773 : vector<16xf32>
        %swap3A_775 = arith.constant 0 : i32
        %swap3A_776 = arith.index_cast %swap3A_775 : i32 to index
        %swap3A_777 = arith.index_cast %scan3A_711 : i32 to index
        %swap3A_778 = arith.constant 64 : index
        %swap3A_779 = tpu.vector_load %arg5[%swap3A_776, %swap3A_777, %swap3A_778] {strides = array<i32>} : memref<2x64x256xf32, #tpu.memory_space<vmem>>, vector<1x1x16xf32>,
        %swap3A_780 = vector.shape_cast %swap3A_779 : vector<1x1x16xf32> to vector<16xf32>
        %swap3A_781 = vector.shape_cast %add3A_774 : vector<16xf32> to vector<1x1x16xf32>
        tpu.vector_store %arg5[%swap3A_776, %swap3A_777, %swap3A_778], %swap3A_781 {strides = array<i32>} : memref<2x64x256xf32, #tpu.memory_space<vmem>>, vector<1x1x16xf32>,
        %get3A_782 = arith.constant 0 : i32
        %get3A_783 = arith.index_cast %get3A_782 : i32 to index
        %get3A_784 = arith.index_cast %scan3A_711 : i32 to index
        %get3A_785 = arith.constant 80 : index
        %get3A_786 = tpu.vector_load %arg4[%get3A_783, %get3A_784, %get3A_785] {strides = array<i32>} : memref<2x64x256xf32, #tpu.memory_space<vmem>>, vector<1x1x16xf32>,
        %get3A_787 = vector.shape_cast %get3A_786 : vector<1x1x16xf32> to vector<16xf32>
        %add3A_788 = arith.addf %add3A_562, %get3A_787 : vector<16xf32>
        %swap3A_789 = arith.constant 0 : i32
        %swap3A_790 = arith.index_cast %swap3A_789 : i32 to index
        %swap3A_791 = arith.index_cast %scan3A_711 : i32 to index
        %swap3A_792 = arith.constant 80 : index
        %swap3A_793 = tpu.vector_load %arg5[%swap3A_790, %swap3A_791, %swap3A_792] {strides = array<i32>} : memref<2x64x256xf32, #tpu.memory_space<vmem>>, vector<1x1x16xf32>,
        %swap3A_794 = vector.shape_cast %swap3A_793 : vector<1x1x16xf32> to vector<16xf32>
        %swap3A_795 = vector.shape_cast %add3A_788 : vector<16xf32> to vector<1x1x16xf32>
        tpu.vector_store %arg5[%swap3A_790, %swap3A_791, %swap3A_792], %swap3A_795 {strides = array<i32>} : memref<2x64x256xf32, #tpu.memory_space<vmem>>, vector<1x1x16xf32>,
        %get3A_796 = arith.constant 0 : i32
        %get3A_797 = arith.index_cast %get3A_796 : i32 to index
        %get3A_798 = arith.index_cast %scan3A_711 : i32 to index
        %get3A_799 = arith.constant 96 : index
        %get3A_800 = tpu.vector_load %arg4[%get3A_797, %get3A_798, %get3A_799] {strides = array<i32>} : memref<2x64x256xf32, #tpu.memory_space<vmem>>, vector<1x1x16xf32>,
        %get3A_801 = vector.shape_cast %get3A_800 : vector<1x1x16xf32> to vector<16xf32>
        %add3A_802 = arith.addf %add3A_576, %get3A_801 : vector<16xf32>
        %swap3A_803 = arith.constant 0 : i32
        %swap3A_804 = arith.index_cast %swap3A_803 : i32 to index
        %swap3A_805 = arith.index_cast %scan3A_711 : i32 to index
        %swap3A_806 = arith.constant 96 : index
        %swap3A_807 = tpu.vector_load %arg5[%swap3A_804, %swap3A_805, %swap3A_806] {strides = array<i32>} : memref<2x64x256xf32, #tpu.memory_space<vmem>>, vector<1x1x16xf32>,
        %swap3A_808 = vector.shape_cast %swap3A_807 : vector<1x1x16xf32> to vector<16xf32>
        %swap3A_809 = vector.shape_cast %add3A_802 : vector<16xf32> to vector<1x1x16xf32>
        tpu.vector_store %arg5[%swap3A_804, %swap3A_805, %swap3A_806], %swap3A_809 {strides = array<i32>} : memref<2x64x256xf32, #tpu.memory_space<vmem>>, vector<1x1x16xf32>,
        %get3A_810 = arith.constant 0 : i32
        %get3A_811 = arith.index_cast %get3A_810 : i32 to index
        %get3A_812 = arith.index_cast %scan3A_711 : i32 to index
        %get3A_813 = arith.constant 112 : index
        %get3A_814 = tpu.vector_load %arg4[%get3A_811, %get3A_812, %get3A_813] {strides = array<i32>} : memref<2x64x256xf32, #tpu.memory_space<vmem>>, vector<1x1x16xf32>,
        %get3A_815 = vector.shape_cast %get3A_814 : vector<1x1x16xf32> to vector<16xf32>
        %add3A_816 = arith.addf %add3A_590, %get3A_815 : vector<16xf32>
        %swap3A_817 = arith.constant 0 : i32
        %swap3A_818 = arith.index_cast %swap3A_817 : i32 to index
        %swap3A_819 = arith.index_cast %scan3A_711 : i32 to index
        %swap3A_820 = arith.constant 112 : index
        %swap3A_821 = tpu.vector_load %arg5[%swap3A_818, %swap3A_819, %swap3A_820] {strides = array<i32>} : memref<2x64x256xf32, #tpu.memory_space<vmem>>, vector<1x1x16xf32>,
        %swap3A_822 = vector.shape_cast %swap3A_821 : vector<1x1x16xf32> to vector<16xf32>
        %swap3A_823 = vector.shape_cast %add3A_816 : vector<16xf32> to vector<1x1x16xf32>
        tpu.vector_store %arg5[%swap3A_818, %swap3A_819, %swap3A_820], %swap3A_823 {strides = array<i32>} : memref<2x64x256xf32, #tpu.memory_space<vmem>>, vector<1x1x16xf32>,
        %get3A_824 = arith.constant 0 : i32
        %get3A_825 = arith.index_cast %get3A_824 : i32 to index
        %get3A_826 = arith.index_cast %scan3A_711 : i32 to index
        %get3A_827 = arith.constant 128 : index
        %get3A_828 = tpu.vector_load %arg4[%get3A_825, %get3A_826, %get3A_827] {strides = array<i32>} : memref<2x64x256xf32, #tpu.memory_space<vmem>>, vector<1x1x16xf32>,
        %get3A_829 = vector.shape_cast %get3A_828 : vector<1x1x16xf32> to vector<16xf32>
        %add3A_830 = arith.addf %add3A_604, %get3A_829 : vector<16xf32>
        %swap3A_831 = arith.constant 0 : i32
        %swap3A_832 = arith.index_cast %swap3A_831 : i32 to index
        %swap3A_833 = arith.index_cast %scan3A_711 : i32 to index
        %swap3A_834 = arith.constant 128 : index
        %swap3A_835 = tpu.vector_load %arg5[%swap3A_832, %swap3A_833, %swap3A_834] {strides = array<i32>} : memref<2x64x256xf32, #tpu.memory_space<vmem>>, vector<1x1x16xf32>,
        %swap3A_836 = vector.shape_cast %swap3A_835 : vector<1x1x16xf32> to vector<16xf32>
        %swap3A_837 = vector.shape_cast %add3A_830 : vector<16xf32> to vector<1x1x16xf32>
        tpu.vector_store %arg5[%swap3A_832, %swap3A_833, %swap3A_834], %swap3A_837 {strides = array<i32>} : memref<2x64x256xf32, #tpu.memory_space<vmem>>, vector<1x1x16xf32>,
        %get3A_838 = arith.constant 0 : i32
        %get3A_839 = arith.index_cast %get3A_838 : i32 to index
        %get3A_840 = arith.index_cast %scan3A_711 : i32 to index
        %get3A_841 = arith.constant 144 : index
        %get3A_842 = tpu.vector_load %arg4[%get3A_839, %get3A_840, %get3A_841] {strides = array<i32>} : memref<2x64x256xf32, #tpu.memory_space<vmem>>, vector<1x1x16xf32>,
        %get3A_843 = vector.shape_cast %get3A_842 : vector<1x1x16xf32> to vector<16xf32>
        %add3A_844 = arith.addf %add3A_618, %get3A_843 : vector<16xf32>
        %swap3A_845 = arith.constant 0 : i32
        %swap3A_846 = arith.index_cast %swap3A_845 : i32 to index
        %swap3A_847 = arith.index_cast %scan3A_711 : i32 to index
        %swap3A_848 = arith.constant 144 : index
        %swap3A_849 = tpu.vector_load %arg5[%swap3A_846, %swap3A_847, %swap3A_848] {strides = array<i32>} : memref<2x64x256xf32, #tpu.memory_space<vmem>>, vector<1x1x16xf32>,
        %swap3A_850 = vector.shape_cast %swap3A_849 : vector<1x1x16xf32> to vector<16xf32>
        %swap3A_851 = vector.shape_cast %add3A_844 : vector<16xf32> to vector<1x1x16xf32>
        tpu.vector_store %arg5[%swap3A_846, %swap3A_847, %swap3A_848], %swap3A_851 {strides = array<i32>} : memref<2x64x256xf32, #tpu.memory_space<vmem>>, vector<1x1x16xf32>,
        %get3A_852 = arith.constant 0 : i32
        %get3A_853 = arith.index_cast %get3A_852 : i32 to index
        %get3A_854 = arith.index_cast %scan3A_711 : i32 to index
        %get3A_855 = arith.constant 160 : index
        %get3A_856 = tpu.vector_load %arg4[%get3A_853, %get3A_854, %get3A_855] {strides = array<i32>} : memref<2x64x256xf32, #tpu.memory_space<vmem>>, vector<1x1x16xf32>,
        %get3A_857 = vector.shape_cast %get3A_856 : vector<1x1x16xf32> to vector<16xf32>
        %add3A_858 = arith.addf %add3A_632, %get3A_857 : vector<16xf32>
        %swap3A_859 = arith.constant 0 : i32
        %swap3A_860 = arith.index_cast %swap3A_859 : i32 to index
        %swap3A_861 = arith.index_cast %scan3A_711 : i32 to index
        %swap3A_862 = arith.constant 160 : index
        %swap3A_863 = tpu.vector_load %arg5[%swap3A_860, %swap3A_861, %swap3A_862] {strides = array<i32>} : memref<2x64x256xf32, #tpu.memory_space<vmem>>, vector<1x1x16xf32>,
        %swap3A_864 = vector.shape_cast %swap3A_863 : vector<1x1x16xf32> to vector<16xf32>
        %swap3A_865 = vector.shape_cast %add3A_858 : vector<16xf32> to vector<1x1x16xf32>
        tpu.vector_store %arg5[%swap3A_860, %swap3A_861, %swap3A_862], %swap3A_865 {strides = array<i32>} : memref<2x64x256xf32, #tpu.memory_space<vmem>>, vector<1x1x16xf32>,
        %get3A_866 = arith.constant 0 : i32
        %get3A_867 = arith.index_cast %get3A_866 : i32 to index
        %get3A_868 = arith.index_cast %scan3A_711 : i32 to index
        %get3A_869 = arith.constant 176 : index
        %get3A_870 = tpu.vector_load %arg4[%get3A_867, %get3A_868, %get3A_869] {strides = array<i32>} : memref<2x64x256xf32, #tpu.memory_space<vmem>>, vector<1x1x16xf32>,
        %get3A_871 = vector.shape_cast %get3A_870 : vector<1x1x16xf32> to vector<16xf32>
        %add3A_872 = arith.addf %add3A_646, %get3A_871 : vector<16xf32>
        %swap3A_873 = arith.constant 0 : i32
        %swap3A_874 = arith.index_cast %swap3A_873 : i32 to index
        %swap3A_875 = arith.index_cast %scan3A_711 : i32 to index
        %swap3A_876 = arith.constant 176 : index
        %swap3A_877 = tpu.vector_load %arg5[%swap3A_874, %swap3A_875, %swap3A_876] {strides = array<i32>} : memref<2x64x256xf32, #tpu.memory_space<vmem>>, vector<1x1x16xf32>,
        %swap3A_878 = vector.shape_cast %swap3A_877 : vector<1x1x16xf32> to vector<16xf32>
        %swap3A_879 = vector.shape_cast %add3A_872 : vector<16xf32> to vector<1x1x16xf32>
        tpu.vector_store %arg5[%swap3A_874, %swap3A_875, %swap3A_876], %swap3A_879 {strides = array<i32>} : memref<2x64x256xf32, #tpu.memory_space<vmem>>, vector<1x1x16xf32>,
        %get3A_880 = arith.constant 0 : i32
        %get3A_881 = arith.index_cast %get3A_880 : i32 to index
        %get3A_882 = arith.index_cast %scan3A_711 : i32 to index
        %get3A_883 = arith.constant 192 : index
        %get3A_884 = tpu.vector_load %arg4[%get3A_881, %get3A_882, %get3A_883] {strides = array<i32>} : memref<2x64x256xf32, #tpu.memory_space<vmem>>, vector<1x1x16xf32>,
        %get3A_885 = vector.shape_cast %get3A_884 : vector<1x1x16xf32> to vector<16xf32>
        %add3A_886 = arith.addf %add3A_660, %get3A_885 : vector<16xf32>
        %swap3A_887 = arith.constant 0 : i32
        %swap3A_888 = arith.index_cast %swap3A_887 : i32 to index
        %swap3A_889 = arith.index_cast %scan3A_711 : i32 to index
        %swap3A_890 = arith.constant 192 : index
        %swap3A_891 = tpu.vector_load %arg5[%swap3A_888, %swap3A_889, %swap3A_890] {strides = array<i32>} : memref<2x64x256xf32, #tpu.memory_space<vmem>>, vector<1x1x16xf32>,
        %swap3A_892 = vector.shape_cast %swap3A_891 : vector<1x1x16xf32> to vector<16xf32>
        %swap3A_893 = vector.shape_cast %add3A_886 : vector<16xf32> to vector<1x1x16xf32>
        tpu.vector_store %arg5[%swap3A_888, %swap3A_889, %swap3A_890], %swap3A_893 {strides = array<i32>} : memref<2x64x256xf32, #tpu.memory_space<vmem>>, vector<1x1x16xf32>,
        %get3A_894 = arith.constant 0 : i32
        %get3A_895 = arith.index_cast %get3A_894 : i32 to index
        %get3A_896 = arith.index_cast %scan3A_711 : i32 to index
        %get3A_897 = arith.constant 208 : index
        %get3A_898 = tpu.vector_load %arg4[%get3A_895, %get3A_896, %get3A_897] {strides = array<i32>} : memref<2x64x256xf32, #tpu.memory_space<vmem>>, vector<1x1x16xf32>,
        %get3A_899 = vector.shape_cast %get3A_898 : vector<1x1x16xf32> to vector<16xf32>
        %add3A_900 = arith.addf %add3A_674, %get3A_899 : vector<16xf32>
        %swap3A_901 = arith.constant 0 : i32
        %swap3A_902 = arith.index_cast %swap3A_901 : i32 to index
        %swap3A_903 = arith.index_cast %scan3A_711 : i32 to index
        %swap3A_904 = arith.constant 208 : index
        %swap3A_905 = tpu.vector_load %arg5[%swap3A_902, %swap3A_903, %swap3A_904] {strides = array<i32>} : memref<2x64x256xf32, #tpu.memory_space<vmem>>, vector<1x1x16xf32>,
        %swap3A_906 = vector.shape_cast %swap3A_905 : vector<1x1x16xf32> to vector<16xf32>
        %swap3A_907 = vector.shape_cast %add3A_900 : vector<16xf32> to vector<1x1x16xf32>
        tpu.vector_store %arg5[%swap3A_902, %swap3A_903, %swap3A_904], %swap3A_907 {strides = array<i32>} : memref<2x64x256xf32, #tpu.memory_space<vmem>>, vector<1x1x16xf32>,
        %get3A_908 = arith.constant 0 : i32
        %get3A_909 = arith.index_cast %get3A_908 : i32 to index
        %get3A_910 = arith.index_cast %scan3A_711 : i32 to index
        %get3A_911 = arith.constant 224 : index
        %get3A_912 = tpu.vector_load %arg4[%get3A_909, %get3A_910, %get3A_911] {strides = array<i32>} : memref<2x64x256xf32, #tpu.memory_space<vmem>>, vector<1x1x16xf32>,
        %get3A_913 = vector.shape_cast %get3A_912 : vector<1x1x16xf32> to vector<16xf32>
        %add3A_914 = arith.addf %add3A_688, %get3A_913 : vector<16xf32>
        %swap3A_915 = arith.constant 0 : i32
        %swap3A_916 = arith.index_cast %swap3A_915 : i32 to index
        %swap3A_917 = arith.index_cast %scan3A_711 : i32 to index
        %swap3A_918 = arith.constant 224 : index
        %swap3A_919 = tpu.vector_load %arg5[%swap3A_916, %swap3A_917, %swap3A_918] {strides = array<i32>} : memref<2x64x256xf32, #tpu.memory_space<vmem>>, vector<1x1x16xf32>,
        %swap3A_920 = vector.shape_cast %swap3A_919 : vector<1x1x16xf32> to vector<16xf32>
        %swap3A_921 = vector.shape_cast %add3A_914 : vector<16xf32> to vector<1x1x16xf32>
        tpu.vector_store %arg5[%swap3A_916, %swap3A_917, %swap3A_918], %swap3A_921 {strides = array<i32>} : memref<2x64x256xf32, #tpu.memory_space<vmem>>, vector<1x1x16xf32>,
        %get3A_922 = arith.constant 0 : i32
        %get3A_923 = arith.index_cast %get3A_922 : i32 to index
        %get3A_924 = arith.index_cast %scan3A_711 : i32 to index
        %get3A_925 = arith.constant 240 : index
        %get3A_926 = tpu.vector_load %arg4[%get3A_923, %get3A_924, %get3A_925] {strides = array<i32>} : memref<2x64x256xf32, #tpu.memory_space<vmem>>, vector<1x1x16xf32>,
        %get3A_927 = vector.shape_cast %get3A_926 : vector<1x1x16xf32> to vector<16xf32>
        %add3A_928 = arith.addf %add3A_702, %get3A_927 : vector<16xf32>
        %swap3A_929 = arith.constant 0 : i32
        %swap3A_930 = arith.index_cast %swap3A_929 : i32 to index
        %swap3A_931 = arith.index_cast %scan3A_711 : i32 to index
        %swap3A_932 = arith.constant 240 : index
        %swap3A_933 = tpu.vector_load %arg5[%swap3A_930, %swap3A_931, %swap3A_932] {strides = array<i32>} : memref<2x64x256xf32, #tpu.memory_space<vmem>>, vector<1x1x16xf32>,
        %swap3A_934 = vector.shape_cast %swap3A_933 : vector<1x1x16xf32> to vector<16xf32>
        %swap3A_935 = vector.shape_cast %add3A_928 : vector<16xf32> to vector<1x1x16xf32>
        tpu.vector_store %arg5[%swap3A_930, %swap3A_931, %swap3A_932], %swap3A_935 {strides = array<i32>} : memref<2x64x256xf32, #tpu.memory_space<vmem>>, vector<1x1x16xf32>,
        %scan3A_936 = arith.constant 3 : i32
        %scan3A_937 = arith.addi %scan3A_245, %scan3A_936 : i32
        %get3A_938 = arith.constant 0 : i32
        %get3A_939 = arith.index_cast %get3A_938 : i32 to index
        %get3A_940 = arith.index_cast %scan3A_937 : i32 to index
        %get3A_941 = arith.constant 0 : index
        %get3A_942 = tpu.vector_load %arg4[%get3A_939, %get3A_940, %get3A_941] {strides = array<i32>} : memref<2x64x256xf32, #tpu.memory_space<vmem>>, vector<1x1x16xf32>,
        %get3A_943 = vector.shape_cast %get3A_942 : vector<1x1x16xf32> to vector<16xf32>
        %add3A_944 = arith.addf %add3A_718, %get3A_943 : vector<16xf32>
        %swap3A_945 = arith.constant 0 : i32
        %swap3A_946 = arith.index_cast %swap3A_945 : i32 to index
        %swap3A_947 = arith.index_cast %scan3A_937 : i32 to index
        %swap3A_948 = arith.constant 0 : index
        %swap3A_949 = tpu.vector_load %arg5[%swap3A_946, %swap3A_947, %swap3A_948] {strides = array<i32>} : memref<2x64x256xf32, #tpu.memory_space<vmem>>, vector<1x1x16xf32>,
        %swap3A_950 = vector.shape_cast %swap3A_949 : vector<1x1x16xf32> to vector<16xf32>
        %swap3A_951 = vector.shape_cast %add3A_944 : vector<16xf32> to vector<1x1x16xf32>
        tpu.vector_store %arg5[%swap3A_946, %swap3A_947, %swap3A_948], %swap3A_951 {strides = array<i32>} : memref<2x64x256xf32, #tpu.memory_space<vmem>>, vector<1x1x16xf32>,
        %get3A_952 = arith.constant 0 : i32
        %get3A_953 = arith.index_cast %get3A_952 : i32 to index
        %get3A_954 = arith.index_cast %scan3A_937 : i32 to index
        %get3A_955 = arith.constant 16 : index
        %get3A_956 = tpu.vector_load %arg4[%get3A_953, %get3A_954, %get3A_955] {strides = array<i32>} : memref<2x64x256xf32, #tpu.memory_space<vmem>>, vector<1x1x16xf32>,
        %get3A_957 = vector.shape_cast %get3A_956 : vector<1x1x16xf32> to vector<16xf32>
        %add3A_958 = arith.addf %add3A_732, %get3A_957 : vector<16xf32>
        %swap3A_959 = arith.constant 0 : i32
        %swap3A_960 = arith.index_cast %swap3A_959 : i32 to index
        %swap3A_961 = arith.index_cast %scan3A_937 : i32 to index
        %swap3A_962 = arith.constant 16 : index
        %swap3A_963 = tpu.vector_load %arg5[%swap3A_960, %swap3A_961, %swap3A_962] {strides = array<i32>} : memref<2x64x256xf32, #tpu.memory_space<vmem>>, vector<1x1x16xf32>,
        %swap3A_964 = vector.shape_cast %swap3A_963 : vector<1x1x16xf32> to vector<16xf32>
        %swap3A_965 = vector.shape_cast %add3A_958 : vector<16xf32> to vector<1x1x16xf32>
        tpu.vector_store %arg5[%swap3A_960, %swap3A_961, %swap3A_962], %swap3A_965 {strides = array<i32>} : memref<2x64x256xf32, #tpu.memory_space<vmem>>, vector<1x1x16xf32>,
        %get3A_966 = arith.constant 0 : i32
        %get3A_967 = arith.index_cast %get3A_966 : i32 to index
        %get3A_968 = arith.index_cast %scan3A_937 : i32 to index
        %get3A_969 = arith.constant 32 : index
        %get3A_970 = tpu.vector_load %arg4[%get3A_967, %get3A_968, %get3A_969] {strides = array<i32>} : memref<2x64x256xf32, #tpu.memory_space<vmem>>, vector<1x1x16xf32>,
        %get3A_971 = vector.shape_cast %get3A_970 : vector<1x1x16xf32> to vector<16xf32>
        %add3A_972 = arith.addf %add3A_746, %get3A_971 : vector<16xf32>
        %swap3A_973 = arith.constant 0 : i32
        %swap3A_974 = arith.index_cast %swap3A_973 : i32 to index
        %swap3A_975 = arith.index_cast %scan3A_937 : i32 to index
        %swap3A_976 = arith.constant 32 : index
        %swap3A_977 = tpu.vector_load %arg5[%swap3A_974, %swap3A_975, %swap3A_976] {strides = array<i32>} : memref<2x64x256xf32, #tpu.memory_space<vmem>>, vector<1x1x16xf32>,
        %swap3A_978 = vector.shape_cast %swap3A_977 : vector<1x1x16xf32> to vector<16xf32>
        %swap3A_979 = vector.shape_cast %add3A_972 : vector<16xf32> to vector<1x1x16xf32>
        tpu.vector_store %arg5[%swap3A_974, %swap3A_975, %swap3A_976], %swap3A_979 {strides = array<i32>} : memref<2x64x256xf32, #tpu.memory_space<vmem>>, vector<1x1x16xf32>,
        %get3A_980 = arith.constant 0 : i32
        %get3A_981 = arith.index_cast %get3A_980 : i32 to index
        %get3A_982 = arith.index_cast %scan3A_937 : i32 to index
        %get3A_983 = arith.constant 48 : index
        %get3A_984 = tpu.vector_load %arg4[%get3A_981, %get3A_982, %get3A_983] {strides = array<i32>} : memref<2x64x256xf32, #tpu.memory_space<vmem>>, vector<1x1x16xf32>,
        %get3A_985 = vector.shape_cast %get3A_984 : vector<1x1x16xf32> to vector<16xf32>
        %add3A_986 = arith.addf %add3A_760, %get3A_985 : vector<16xf32>
        %swap3A_987 = arith.constant 0 : i32
        %swap3A_988 = arith.index_cast %swap3A_987 : i32 to index
        %swap3A_989 = arith.index_cast %scan3A_937 : i32 to index
        %swap3A_990 = arith.constant 48 : index
        %swap3A_991 = tpu.vector_load %arg5[%swap3A_988, %swap3A_989, %swap3A_990] {strides = array<i32>} : memref<2x64x256xf32, #tpu.memory_space<vmem>>, vector<1x1x16xf32>,
        %swap3A_992 = vector.shape_cast %swap3A_991 : vector<1x1x16xf32> to vector<16xf32>
        %swap3A_993 = vector.shape_cast %add3A_986 : vector<16xf32> to vector<1x1x16xf32>
        tpu.vector_store %arg5[%swap3A_988, %swap3A_989, %swap3A_990], %swap3A_993 {strides = array<i32>} : memref<2x64x256xf32, #tpu.memory_space<vmem>>, vector<1x1x16xf32>,
        %get3A_994 = arith.constant 0 : i32
        %get3A_995 = arith.index_cast %get3A_994 : i32 to index
        %get3A_996 = arith.index_cast %scan3A_937 : i32 to index
        %get3A_997 = arith.constant 64 : index
        %get3A_998 = tpu.vector_load %arg4[%get3A_995, %get3A_996, %get3A_997] {strides = array<i32>} : memref<2x64x256xf32, #tpu.memory_space<vmem>>, vector<1x1x16xf32>,
        %get3A_999 = vector.shape_cast %get3A_998 : vector<1x1x16xf32> to vector<16xf32>
        %add3A_1000 = arith.addf %add3A_774, %get3A_999 : vector<16xf32>
        %swap3A_1001 = arith.constant 0 : i32
        %swap3A_1002 = arith.index_cast %swap3A_1001 : i32 to index
        %swap3A_1003 = arith.index_cast %scan3A_937 : i32 to index
        %swap3A_1004 = arith.constant 64 : index
        %swap3A_1005 = tpu.vector_load %arg5[%swap3A_1002, %swap3A_1003, %swap3A_1004] {strides = array<i32>} : memref<2x64x256xf32, #tpu.memory_space<vmem>>, vector<1x1x16xf32>,
        %swap3A_1006 = vector.shape_cast %swap3A_1005 : vector<1x1x16xf32> to vector<16xf32>
        %swap3A_1007 = vector.shape_cast %add3A_1000 : vector<16xf32> to vector<1x1x16xf32>
        tpu.vector_store %arg5[%swap3A_1002, %swap3A_1003, %swap3A_1004], %swap3A_1007 {strides = array<i32>} : memref<2x64x256xf32, #tpu.memory_space<vmem>>, vector<1x1x16xf32>,
        %get3A_1008 = arith.constant 0 : i32
        %get3A_1009 = arith.index_cast %get3A_1008 : i32 to index
        %get3A_1010 = arith.index_cast %scan3A_937 : i32 to index
        %get3A_1011 = arith.constant 80 : index
        %get3A_1012 = tpu.vector_load %arg4[%get3A_1009, %get3A_1010, %get3A_1011] {strides = array<i32>} : memref<2x64x256xf32, #tpu.memory_space<vmem>>, vector<1x1x16xf32>,
        %get3A_1013 = vector.shape_cast %get3A_1012 : vector<1x1x16xf32> to vector<16xf32>
        %add3A_1014 = arith.addf %add3A_788, %get3A_1013 : vector<16xf32>
        %swap3A_1015 = arith.constant 0 : i32
        %swap3A_1016 = arith.index_cast %swap3A_1015 : i32 to index
        %swap3A_1017 = arith.index_cast %scan3A_937 : i32 to index
        %swap3A_1018 = arith.constant 80 : index
        %swap3A_1019 = tpu.vector_load %arg5[%swap3A_1016, %swap3A_1017, %swap3A_1018] {strides = array<i32>} : memref<2x64x256xf32, #tpu.memory_space<vmem>>, vector<1x1x16xf32>,
        %swap3A_1020 = vector.shape_cast %swap3A_1019 : vector<1x1x16xf32> to vector<16xf32>
        %swap3A_1021 = vector.shape_cast %add3A_1014 : vector<16xf32> to vector<1x1x16xf32>
        tpu.vector_store %arg5[%swap3A_1016, %swap3A_1017, %swap3A_1018], %swap3A_1021 {strides = array<i32>} : memref<2x64x256xf32, #tpu.memory_space<vmem>>, vector<1x1x16xf32>,
        %get3A_1022 = arith.constant 0 : i32
        %get3A_1023 = arith.index_cast %get3A_1022 : i32 to index
        %get3A_1024 = arith.index_cast %scan3A_937 : i32 to index
        %get3A_1025 = arith.constant 96 : index
        %get3A_1026 = tpu.vector_load %arg4[%get3A_1023, %get3A_1024, %get3A_1025] {strides = array<i32>} : memref<2x64x256xf32, #tpu.memory_space<vmem>>, vector<1x1x16xf32>,
        %get3A_1027 = vector.shape_cast %get3A_1026 : vector<1x1x16xf32> to vector<16xf32>
        %add3A_1028 = arith.addf %add3A_802, %get3A_1027 : vector<16xf32>
        %swap3A_1029 = arith.constant 0 : i32
        %swap3A_1030 = arith.index_cast %swap3A_1029 : i32 to index
        %swap3A_1031 = arith.index_cast %scan3A_937 : i32 to index
        %swap3A_1032 = arith.constant 96 : index
        %swap3A_1033 = tpu.vector_load %arg5[%swap3A_1030, %swap3A_1031, %swap3A_1032] {strides = array<i32>} : memref<2x64x256xf32, #tpu.memory_space<vmem>>, vector<1x1x16xf32>,
        %swap3A_1034 = vector.shape_cast %swap3A_1033 : vector<1x1x16xf32> to vector<16xf32>
        %swap3A_1035 = vector.shape_cast %add3A_1028 : vector<16xf32> to vector<1x1x16xf32>
        tpu.vector_store %arg5[%swap3A_1030, %swap3A_1031, %swap3A_1032], %swap3A_1035 {strides = array<i32>} : memref<2x64x256xf32, #tpu.memory_space<vmem>>, vector<1x1x16xf32>,
        %get3A_1036 = arith.constant 0 : i32
        %get3A_1037 = arith.index_cast %get3A_1036 : i32 to index
        %get3A_1038 = arith.index_cast %scan3A_937 : i32 to index
        %get3A_1039 = arith.constant 112 : index
        %get3A_1040 = tpu.vector_load %arg4[%get3A_1037, %get3A_1038, %get3A_1039] {strides = array<i32>} : memref<2x64x256xf32, #tpu.memory_space<vmem>>, vector<1x1x16xf32>,
        %get3A_1041 = vector.shape_cast %get3A_1040 : vector<1x1x16xf32> to vector<16xf32>
        %add3A_1042 = arith.addf %add3A_816, %get3A_1041 : vector<16xf32>
        %swap3A_1043 = arith.constant 0 : i32
        %swap3A_1044 = arith.index_cast %swap3A_1043 : i32 to index
        %swap3A_1045 = arith.index_cast %scan3A_937 : i32 to index
        %swap3A_1046 = arith.constant 112 : index
        %swap3A_1047 = tpu.vector_load %arg5[%swap3A_1044, %swap3A_1045, %swap3A_1046] {strides = array<i32>} : memref<2x64x256xf32, #tpu.memory_space<vmem>>, vector<1x1x16xf32>,
        %swap3A_1048 = vector.shape_cast %swap3A_1047 : vector<1x1x16xf32> to vector<16xf32>
        %swap3A_1049 = vector.shape_cast %add3A_1042 : vector<16xf32> to vector<1x1x16xf32>
        tpu.vector_store %arg5[%swap3A_1044, %swap3A_1045, %swap3A_1046], %swap3A_1049 {strides = array<i32>} : memref<2x64x256xf32, #tpu.memory_space<vmem>>, vector<1x1x16xf32>,
        %get3A_1050 = arith.constant 0 : i32
        %get3A_1051 = arith.index_cast %get3A_1050 : i32 to index
        %get3A_1052 = arith.index_cast %scan3A_937 : i32 to index
        %get3A_1053 = arith.constant 128 : index
        %get3A_1054 = tpu.vector_load %arg4[%get3A_1051, %get3A_1052, %get3A_1053] {strides = array<i32>} : memref<2x64x256xf32, #tpu.memory_space<vmem>>, vector<1x1x16xf32>,
        %get3A_1055 = vector.shape_cast %get3A_1054 : vector<1x1x16xf32> to vector<16xf32>
        %add3A_1056 = arith.addf %add3A_830, %get3A_1055 : vector<16xf32>
        %swap3A_1057 = arith.constant 0 : i32
        %swap3A_1058 = arith.index_cast %swap3A_1057 : i32 to index
        %swap3A_1059 = arith.index_cast %scan3A_937 : i32 to index
        %swap3A_1060 = arith.constant 128 : index
        %swap3A_1061 = tpu.vector_load %arg5[%swap3A_1058, %swap3A_1059, %swap3A_1060] {strides = array<i32>} : memref<2x64x256xf32, #tpu.memory_space<vmem>>, vector<1x1x16xf32>,
        %swap3A_1062 = vector.shape_cast %swap3A_1061 : vector<1x1x16xf32> to vector<16xf32>
        %swap3A_1063 = vector.shape_cast %add3A_1056 : vector<16xf32> to vector<1x1x16xf32>
        tpu.vector_store %arg5[%swap3A_1058, %swap3A_1059, %swap3A_1060], %swap3A_1063 {strides = array<i32>} : memref<2x64x256xf32, #tpu.memory_space<vmem>>, vector<1x1x16xf32>,
        %get3A_1064 = arith.constant 0 : i32
        %get3A_1065 = arith.index_cast %get3A_1064 : i32 to index
        %get3A_1066 = arith.index_cast %scan3A_937 : i32 to index
        %get3A_1067 = arith.constant 144 : index
        %get3A_1068 = tpu.vector_load %arg4[%get3A_1065, %get3A_1066, %get3A_1067] {strides = array<i32>} : memref<2x64x256xf32, #tpu.memory_space<vmem>>, vector<1x1x16xf32>,
        %get3A_1069 = vector.shape_cast %get3A_1068 : vector<1x1x16xf32> to vector<16xf32>
        %add3A_1070 = arith.addf %add3A_844, %get3A_1069 : vector<16xf32>
        %swap3A_1071 = arith.constant 0 : i32
        %swap3A_1072 = arith.index_cast %swap3A_1071 : i32 to index
        %swap3A_1073 = arith.index_cast %scan3A_937 : i32 to index
        %swap3A_1074 = arith.constant 144 : index
        %swap3A_1075 = tpu.vector_load %arg5[%swap3A_1072, %swap3A_1073, %swap3A_1074] {strides = array<i32>} : memref<2x64x256xf32, #tpu.memory_space<vmem>>, vector<1x1x16xf32>,
        %swap3A_1076 = vector.shape_cast %swap3A_1075 : vector<1x1x16xf32> to vector<16xf32>
        %swap3A_1077 = vector.shape_cast %add3A_1070 : vector<16xf32> to vector<1x1x16xf32>
        tpu.vector_store %arg5[%swap3A_1072, %swap3A_1073, %swap3A_1074], %swap3A_1077 {strides = array<i32>} : memref<2x64x256xf32, #tpu.memory_space<vmem>>, vector<1x1x16xf32>,
        %get3A_1078 = arith.constant 0 : i32
        %get3A_1079 = arith.index_cast %get3A_1078 : i32 to index
        %get3A_1080 = arith.index_cast %scan3A_937 : i32 to index
        %get3A_1081 = arith.constant 160 : index
        %get3A_1082 = tpu.vector_load %arg4[%get3A_1079, %get3A_1080, %get3A_1081] {strides = array<i32>} : memref<2x64x256xf32, #tpu.memory_space<vmem>>, vector<1x1x16xf32>,
        %get3A_1083 = vector.shape_cast %get3A_1082 : vector<1x1x16xf32> to vector<16xf32>
        %add3A_1084 = arith.addf %add3A_858, %get3A_1083 : vector<16xf32>
        %swap3A_1085 = arith.constant 0 : i32
        %swap3A_1086 = arith.index_cast %swap3A_1085 : i32 to index
        %swap3A_1087 = arith.index_cast %scan3A_937 : i32 to index
        %swap3A_1088 = arith.constant 160 : index
        %swap3A_1089 = tpu.vector_load %arg5[%swap3A_1086, %swap3A_1087, %swap3A_1088] {strides = array<i32>} : memref<2x64x256xf32, #tpu.memory_space<vmem>>, vector<1x1x16xf32>,
        %swap3A_1090 = vector.shape_cast %swap3A_1089 : vector<1x1x16xf32> to vector<16xf32>
        %swap3A_1091 = vector.shape_cast %add3A_1084 : vector<16xf32> to vector<1x1x16xf32>
        tpu.vector_store %arg5[%swap3A_1086, %swap3A_1087, %swap3A_1088], %swap3A_1091 {strides = array<i32>} : memref<2x64x256xf32, #tpu.memory_space<vmem>>, vector<1x1x16xf32>,
        %get3A_1092 = arith.constant 0 : i32
        %get3A_1093 = arith.index_cast %get3A_1092 : i32 to index
        %get3A_1094 = arith.index_cast %scan3A_937 : i32 to index
        %get3A_1095 = arith.constant 176 : index
        %get3A_1096 = tpu.vector_load %arg4[%get3A_1093, %get3A_1094, %get3A_1095] {strides = array<i32>} : memref<2x64x256xf32, #tpu.memory_space<vmem>>, vector<1x1x16xf32>,
        %get3A_1097 = vector.shape_cast %get3A_1096 : vector<1x1x16xf32> to vector<16xf32>
        %add3A_1098 = arith.addf %add3A_872, %get3A_1097 : vector<16xf32>
        %swap3A_1099 = arith.constant 0 : i32
        %swap3A_1100 = arith.index_cast %swap3A_1099 : i32 to index
        %swap3A_1101 = arith.index_cast %scan3A_937 : i32 to index
        %swap3A_1102 = arith.constant 176 : index
        %swap3A_1103 = tpu.vector_load %arg5[%swap3A_1100, %swap3A_1101, %swap3A_1102] {strides = array<i32>} : memref<2x64x256xf32, #tpu.memory_space<vmem>>, vector<1x1x16xf32>,
        %swap3A_1104 = vector.shape_cast %swap3A_1103 : vector<1x1x16xf32> to vector<16xf32>
        %swap3A_1105 = vector.shape_cast %add3A_1098 : vector<16xf32> to vector<1x1x16xf32>
        tpu.vector_store %arg5[%swap3A_1100, %swap3A_1101, %swap3A_1102], %swap3A_1105 {strides = array<i32>} : memref<2x64x256xf32, #tpu.memory_space<vmem>>, vector<1x1x16xf32>,
        %get3A_1106 = arith.constant 0 : i32
        %get3A_1107 = arith.index_cast %get3A_1106 : i32 to index
        %get3A_1108 = arith.index_cast %scan3A_937 : i32 to index
        %get3A_1109 = arith.constant 192 : index
        %get3A_1110 = tpu.vector_load %arg4[%get3A_1107, %get3A_1108, %get3A_1109] {strides = array<i32>} : memref<2x64x256xf32, #tpu.memory_space<vmem>>, vector<1x1x16xf32>,
        %get3A_1111 = vector.shape_cast %get3A_1110 : vector<1x1x16xf32> to vector<16xf32>
        %add3A_1112 = arith.addf %add3A_886, %get3A_1111 : vector<16xf32>
        %swap3A_1113 = arith.constant 0 : i32
        %swap3A_1114 = arith.index_cast %swap3A_1113 : i32 to index
        %swap3A_1115 = arith.index_cast %scan3A_937 : i32 to index
        %swap3A_1116 = arith.constant 192 : index
        %swap3A_1117 = tpu.vector_load %arg5[%swap3A_1114, %swap3A_1115, %swap3A_1116] {strides = array<i32>} : memref<2x64x256xf32, #tpu.memory_space<vmem>>, vector<1x1x16xf32>,
        %swap3A_1118 = vector.shape_cast %swap3A_1117 : vector<1x1x16xf32> to vector<16xf32>
        %swap3A_1119 = vector.shape_cast %add3A_1112 : vector<16xf32> to vector<1x1x16xf32>
        tpu.vector_store %arg5[%swap3A_1114, %swap3A_1115, %swap3A_1116], %swap3A_1119 {strides = array<i32>} : memref<2x64x256xf32, #tpu.memory_space<vmem>>, vector<1x1x16xf32>,
        %get3A_1120 = arith.constant 0 : i32
        %get3A_1121 = arith.index_cast %get3A_1120 : i32 to index
        %get3A_1122 = arith.index_cast %scan3A_937 : i32 to index
        %get3A_1123 = arith.constant 208 : index
        %get3A_1124 = tpu.vector_load %arg4[%get3A_1121, %get3A_1122, %get3A_1123] {strides = array<i32>} : memref<2x64x256xf32, #tpu.memory_space<vmem>>, vector<1x1x16xf32>,
        %get3A_1125 = vector.shape_cast %get3A_1124 : vector<1x1x16xf32> to vector<16xf32>
        %add3A_1126 = arith.addf %add3A_900, %get3A_1125 : vector<16xf32>
        %swap3A_1127 = arith.constant 0 : i32
        %swap3A_1128 = arith.index_cast %swap3A_1127 : i32 to index
        %swap3A_1129 = arith.index_cast %scan3A_937 : i32 to index
        %swap3A_1130 = arith.constant 208 : index
        %swap3A_1131 = tpu.vector_load %arg5[%swap3A_1128, %swap3A_1129, %swap3A_1130] {strides = array<i32>} : memref<2x64x256xf32, #tpu.memory_space<vmem>>, vector<1x1x16xf32>,
        %swap3A_1132 = vector.shape_cast %swap3A_1131 : vector<1x1x16xf32> to vector<16xf32>
        %swap3A_1133 = vector.shape_cast %add3A_1126 : vector<16xf32> to vector<1x1x16xf32>
        tpu.vector_store %arg5[%swap3A_1128, %swap3A_1129, %swap3A_1130], %swap3A_1133 {strides = array<i32>} : memref<2x64x256xf32, #tpu.memory_space<vmem>>, vector<1x1x16xf32>,
        %get3A_1134 = arith.constant 0 : i32
        %get3A_1135 = arith.index_cast %get3A_1134 : i32 to index
        %get3A_1136 = arith.index_cast %scan3A_937 : i32 to index
        %get3A_1137 = arith.constant 224 : index
        %get3A_1138 = tpu.vector_load %arg4[%get3A_1135, %get3A_1136, %get3A_1137] {strides = array<i32>} : memref<2x64x256xf32, #tpu.memory_space<vmem>>, vector<1x1x16xf32>,
        %get3A_1139 = vector.shape_cast %get3A_1138 : vector<1x1x16xf32> to vector<16xf32>
        %add3A_1140 = arith.addf %add3A_914, %get3A_1139 : vector<16xf32>
        %swap3A_1141 = arith.constant 0 : i32
        %swap3A_1142 = arith.index_cast %swap3A_1141 : i32 to index
        %swap3A_1143 = arith.index_cast %scan3A_937 : i32 to index
        %swap3A_1144 = arith.constant 224 : index
        %swap3A_1145 = tpu.vector_load %arg5[%swap3A_1142, %swap3A_1143, %swap3A_1144] {strides = array<i32>} : memref<2x64x256xf32, #tpu.memory_space<vmem>>, vector<1x1x16xf32>,
        %swap3A_1146 = vector.shape_cast %swap3A_1145 : vector<1x1x16xf32> to vector<16xf32>
        %swap3A_1147 = vector.shape_cast %add3A_1140 : vector<16xf32> to vector<1x1x16xf32>
        tpu.vector_store %arg5[%swap3A_1142, %swap3A_1143, %swap3A_1144], %swap3A_1147 {strides = array<i32>} : memref<2x64x256xf32, #tpu.memory_space<vmem>>, vector<1x1x16xf32>,
        %get3A_1148 = arith.constant 0 : i32
        %get3A_1149 = arith.index_cast %get3A_1148 : i32 to index
        %get3A_1150 = arith.index_cast %scan3A_937 : i32 to index
        %get3A_1151 = arith.constant 240 : index
        %get3A_1152 = tpu.vector_load %arg4[%get3A_1149, %get3A_1150, %get3A_1151] {strides = array<i32>} : memref<2x64x256xf32, #tpu.memory_space<vmem>>, vector<1x1x16xf32>,
        %get3A_1153 = vector.shape_cast %get3A_1152 : vector<1x1x16xf32> to vector<16xf32>
        %add3A_1154 = arith.addf %add3A_928, %get3A_1153 : vector<16xf32>
        %swap3A_1155 = arith.constant 0 : i32
        %swap3A_1156 = arith.index_cast %swap3A_1155 : i32 to index
        %swap3A_1157 = arith.index_cast %scan3A_937 : i32 to index
        %swap3A_1158 = arith.constant 240 : index
        %swap3A_1159 = tpu.vector_load %arg5[%swap3A_1156, %swap3A_1157, %swap3A_1158] {strides = array<i32>} : memref<2x64x256xf32, #tpu.memory_space<vmem>>, vector<1x1x16xf32>,
        %swap3A_1160 = vector.shape_cast %swap3A_1159 : vector<1x1x16xf32> to vector<16xf32>
        %swap3A_1161 = vector.shape_cast %add3A_1154 : vector<16xf32> to vector<1x1x16xf32>
        tpu.vector_store %arg5[%swap3A_1156, %swap3A_1157, %swap3A_1158], %swap3A_1161 {strides = array<i32>} : memref<2x64x256xf32, #tpu.memory_space<vmem>>, vector<1x1x16xf32>,
        scf.yield %add3A_944, %add3A_958, %add3A_972, %add3A_986, %add3A_1000, %add3A_1014, %add3A_1028, %add3A_1042, %add3A_1056, %add3A_1070, %add3A_1084, %add3A_1098, %add3A_1112, %add3A_1126, %add3A_1140, %add3A_1154 : vector<16xf32>, vector<16xf32>, vector<16xf32>, vector<16xf32>, vector<16xf32>, vector<16xf32>, vector<16xf32>, vector<16xf32>, vector<16xf32>, vector<16xf32>, vector<16xf32>, vector<16xf32>, vector<16xf32>, vector<16xf32>, vector<16xf32>, vector<16xf32>
      }
      %scan3A_170 = arith.constant 64 : i32
      %mul3A_171 = arith.constant 64 : i32
      %mul3A_172 = arith.muli %add3A_147, %mul3A_171 : i32
      %dma_start3A_173 = arith.constant 0 : i32
      %dma_start3A_174 = arith.constant 0 : i32
      %dma_start3A_175 = arith.constant 0 : i32
      %dma_start3A_176 = tpu.memref_slice %arg5[%dma_start3A_173, %dma_start3A_174, %dma_start3A_175] : memref<2x64x256xf32, #tpu.memory_space<vmem>> -> memref<1x64x256xf32, #tpu.memory_space<vmem>>
      %dma_start3A_177 = tpu.memref_squeeze %dma_start3A_176 : memref<1x64x256xf32, #tpu.memory_space<vmem>> -> memref<64x256xf32, #tpu.memory_space<vmem>>
      %dma_start3A_178 = tpu.memref_slice %arg3[%select_n3A, %mul3A_172, %mul3A_32] : memref<4x8192x2048xf32, #tpu.memory_space<hbm>> -> memref<1x64x256xf32, #tpu.memory_space<hbm>>
      %dma_start3A_179 = tpu.memref_squeeze %dma_start3A_178 : memref<1x64x256xf32, #tpu.memory_space<hbm>> -> memref<64x256xf32, #tpu.memory_space<hbm>>
      %dma_start3A_180 = tpu.memref_slice %arg3[%select_n3A, %mul3A_172, %mul3A_32] : memref<4x8192x2048xf32, #tpu.memory_space<hbm>> -> memref<1x64x256xf32, #tpu.memory_space<hbm>>
      %dma_start3A_181 = tpu.memref_squeeze %dma_start3A_180 : memref<1x64x256xf32, #tpu.memory_space<hbm>> -> memref<64x256xf32, #tpu.memory_space<hbm>>
      %dma_start3A_182 = arith.constant 0 : i32
      %dma_start3A_183 = arith.constant 0 : i32
      %dma_start3A_184 = tpu.memref_slice %arg5[%dma_start3A_173, %dma_start3A_182, %dma_start3A_183] : memref<2x64x256xf32, #tpu.memory_space<vmem>> -> memref<1x64x256xf32, #tpu.memory_space<vmem>>
      %dma_start3A_185 = tpu.memref_squeeze %dma_start3A_184 : memref<1x64x256xf32, #tpu.memory_space<vmem>> -> memref<64x256xf32, #tpu.memory_space<vmem>>
      tpu.enqueue_dma source(%dma_start3A_185 : memref<64x256xf32, #tpu.memory_space<vmem>>) target(%dma_start3A_181 : memref<64x256xf32, #tpu.memory_space<hbm>>) target_semaphore(%arg8 : memref<!tpu.dma_semaphore, #tpu.memory_space<semaphore_mem>>)
      %add3A_186 = arith.constant 1 : i32
      %add3A_187 = arith.addi %scan3A_127, %add3A_186 : i32
      %lt3A_188 = arith.constant 64 : i32
      %lt3A_189 = arith.cmpi slt, %add3A_187, %lt3A_188 : i32
      %convert_element_type3A_190 = arith.extui %lt3A_189 : i1 to i32
      %cond3A_191 = arith.constant 0 : i32
      %cond3A_192 = arith.cmpi ne, %convert_element_type3A_190, %cond3A_191 : i32
      scf.if %cond3A_192 {
        %add3A_245 = arith.constant 2 : i32
        %add3A_246 = arith.addi %add3A_147, %add3A_245 : i32
        %mul3A_247 = arith.constant 64 : i32
        %mul3A_248 = arith.muli %add3A_246, %mul3A_247 : i32
        %dma_start3A_249 = arith.constant 0 : i32
        %dma_start3A_250 = arith.constant 0 : i32
        %dma_start3A_251 = arith.constant 0 : i32
        %dma_start3A_252 = tpu.memref_slice %arg4[%dma_start3A_249, %dma_start3A_250, %dma_start3A_251] : memref<2x64x256xf32, #tpu.memory_space<vmem>> -> memref<1x64x256xf32, #tpu.memory_space<vmem>>
        %dma_start3A_253 = tpu.memref_squeeze %dma_start3A_252 : memref<1x64x256xf32, #tpu.memory_space<vmem>> -> memref<64x256xf32, #tpu.memory_space<vmem>>
        %dma_start3A_254 = tpu.memref_slice %arg2[%select_n3A, %mul3A_248, %mul3A_32] : memref<4x8192x2048xf32, #tpu.memory_space<hbm>> -> memref<1x64x256xf32, #tpu.memory_space<hbm>>
        %dma_start3A_255 = tpu.memref_squeeze %dma_start3A_254 : memref<1x64x256xf32, #tpu.memory_space<hbm>> -> memref<64x256xf32, #tpu.memory_space<hbm>>
        %dma_start3A_256 = arith.constant 0 : i32
        %dma_start3A_257 = arith.constant 0 : i32
        %dma_start3A_258 = tpu.memref_slice %arg4[%dma_start3A_249, %dma_start3A_256, %dma_start3A_257] : memref<2x64x256xf32, #tpu.memory_space<vmem>> -> memref<1x64x256xf32, #tpu.memory_space<vmem>>
        %dma_start3A_259 = tpu.memref_squeeze %dma_start3A_258 : memref<1x64x256xf32, #tpu.memory_space<vmem>> -> memref<64x256xf32, #tpu.memory_space<vmem>>
        %dma_start3A_260 = tpu.memref_slice %arg2[%select_n3A, %mul3A_248, %mul3A_32] : memref<4x8192x2048xf32, #tpu.memory_space<hbm>> -> memref<1x64x256xf32, #tpu.memory_space<hbm>>
        %dma_start3A_261 = tpu.memref_squeeze %dma_start3A_260 : memref<1x64x256xf32, #tpu.memory_space<hbm>> -> memref<64x256xf32, #tpu.memory_space<hbm>>
        tpu.enqueue_dma source(%dma_start3A_261 : memref<64x256xf32, #tpu.memory_space<hbm>>) target(%dma_start3A_259 : memref<64x256xf32, #tpu.memory_space<vmem>>) target_semaphore(%arg6 : memref<!tpu.dma_semaphore, #tpu.memory_space<semaphore_mem>>)
      } else {
      }
      %mul3A_193 = arith.constant 2 : i32
      %mul3A_194 = arith.muli %mul3A_193, %scan3A_127 : i32
      %add3A_195 = arith.constant 1 : i32
      %add3A_196 = arith.addi %mul3A_194, %add3A_195 : i32
      %mul3A_197 = arith.constant 64 : i32
      %mul3A_198 = arith.muli %add3A_196, %mul3A_197 : i32
      %dma_wait3A_199 = arith.constant 1 : i32
      %dma_wait3A_200 = arith.constant 0 : i32
      %dma_wait3A_201 = arith.constant 0 : i32
      %dma_wait3A_202 = tpu.memref_slice %arg4[%dma_wait3A_199, %dma_wait3A_200, %dma_wait3A_201] : memref<2x64x256xf32, #tpu.memory_space<vmem>> -> memref<1x64x256xf32, #tpu.memory_space<vmem>>
      %dma_wait3A_203 = tpu.memref_squeeze %dma_wait3A_202 : memref<1x64x256xf32, #tpu.memory_space<vmem>> -> memref<64x256xf32, #tpu.memory_space<vmem>>
      %dma_wait3A_204 = tpu.memref_slice %arg2[%select_n3A, %mul3A_198, %mul3A_32] : memref<4x8192x2048xf32, #tpu.memory_space<hbm>> -> memref<1x64x256xf32, #tpu.memory_space<hbm>>
      %dma_wait3A_205 = tpu.memref_squeeze %dma_wait3A_204 : memref<1x64x256xf32, #tpu.memory_space<hbm>> -> memref<64x256xf32, #tpu.memory_space<hbm>>
      %dma_wait3A_206 = arith.constant 0 : i32
      %dma_wait3A_207 = arith.constant 0 : i32
      %dma_wait3A_208 = tpu.memref_slice %arg4[%dma_wait3A_199, %dma_wait3A_206, %dma_wait3A_207] : memref<2x64x256xf32, #tpu.memory_space<vmem>> -> memref<1x64x256xf32, #tpu.memory_space<vmem>>
      %dma_wait3A_209 = tpu.memref_squeeze %dma_wait3A_208 : memref<1x64x256xf32, #tpu.memory_space<vmem>> -> memref<64x256xf32, #tpu.memory_space<vmem>>
      %dma_wait3A_210 = tpu.memref_slice %arg2[%select_n3A, %mul3A_198, %mul3A_32] : memref<4x8192x2048xf32, #tpu.memory_space<hbm>> -> memref<1x64x256xf32, #tpu.memory_space<hbm>>
      %dma_wait3A_211 = tpu.memref_squeeze %dma_wait3A_210 : memref<1x64x256xf32, #tpu.memory_space<hbm>> -> memref<64x256xf32, #tpu.memory_space<hbm>>
      tpu.wait_dma2 semaphore(%arg7 : memref<!tpu.dma_semaphore, #tpu.memory_space<semaphore_mem>>) src(%dma_wait3A_211 : memref<64x256xf32, #tpu.memory_space<hbm>>) dst(%dma_wait3A_209 : memref<64x256xf32, #tpu.memory_space<vmem>>)
      %ge3A_212 = arith.constant 1 : i32
      %ge3A_213 = arith.cmpi sge, %scan3A_127, %ge3A_212 : i32
      %convert_element_type3A_214 = arith.extui %ge3A_213 : i1 to i32
      %cond3A_215 = arith.constant 0 : i32
      %cond3A_216 = arith.cmpi ne, %convert_element_type3A_214, %cond3A_215 : i32
      scf.if %cond3A_216 {
        %sub3A_245 = arith.constant 2 : i32
        %sub3A_246 = arith.subi %add3A_196, %sub3A_245 : i32
        %mul3A_247 = arith.constant 64 : i32
        %mul3A_248 = arith.muli %sub3A_246, %mul3A_247 : i32
        %dma_wait3A_249 = arith.constant 1 : i32
        %dma_wait3A_250 = arith.constant 0 : i32
        %dma_wait3A_251 = arith.constant 0 : i32
        %dma_wait3A_252 = tpu.memref_slice %arg5[%dma_wait3A_249, %dma_wait3A_250, %dma_wait3A_251] : memref<2x64x256xf32, #tpu.memory_space<vmem>> -> memref<1x64x256xf32, #tpu.memory_space<vmem>>
        %dma_wait3A_253 = tpu.memref_squeeze %dma_wait3A_252 : memref<1x64x256xf32, #tpu.memory_space<vmem>> -> memref<64x256xf32, #tpu.memory_space<vmem>>
        %dma_wait3A_254 = tpu.memref_slice %arg3[%select_n3A, %mul3A_248, %mul3A_32] : memref<4x8192x2048xf32, #tpu.memory_space<hbm>> -> memref<1x64x256xf32, #tpu.memory_space<hbm>>
        %dma_wait3A_255 = tpu.memref_squeeze %dma_wait3A_254 : memref<1x64x256xf32, #tpu.memory_space<hbm>> -> memref<64x256xf32, #tpu.memory_space<hbm>>
        %dma_wait3A_256 = tpu.memref_slice %arg3[%select_n3A, %mul3A_248, %mul3A_32] : memref<4x8192x2048xf32, #tpu.memory_space<hbm>> -> memref<1x64x256xf32, #tpu.memory_space<hbm>>
        %dma_wait3A_257 = tpu.memref_squeeze %dma_wait3A_256 : memref<1x64x256xf32, #tpu.memory_space<hbm>> -> memref<64x256xf32, #tpu.memory_space<hbm>>
        %dma_wait3A_258 = arith.constant 0 : i32
        %dma_wait3A_259 = arith.constant 0 : i32
        %dma_wait3A_260 = tpu.memref_slice %arg5[%dma_wait3A_249, %dma_wait3A_258, %dma_wait3A_259] : memref<2x64x256xf32, #tpu.memory_space<vmem>> -> memref<1x64x256xf32, #tpu.memory_space<vmem>>
        %dma_wait3A_261 = tpu.memref_squeeze %dma_wait3A_260 : memref<1x64x256xf32, #tpu.memory_space<vmem>> -> memref<64x256xf32, #tpu.memory_space<vmem>>
        tpu.wait_dma2 semaphore(%arg9 : memref<!tpu.dma_semaphore, #tpu.memory_space<semaphore_mem>>) src(%dma_wait3A_261 : memref<64x256xf32, #tpu.memory_space<vmem>>) dst(%dma_wait3A_257 : memref<64x256xf32, #tpu.memory_space<hbm>>)
      } else {
      }
      %scan3A_217 = arith.constant 0 : i32
      %scan3A_218 = arith.constant 64 : i32
      %scan3A_219 = arith.addi %scan3A_217, %scan3A_218 : i32
      %scan3A_220 = arith.constant 4 : i32
      %scan3A_221:16 = scf.for %scan3A_245 = %scan3A_217 to %scan3A_219 step %scan3A_220 iter_args(%scan3A_246 = %scan3A_169#0, %scan3A_247 = %scan3A_169#1, %scan3A_248 = %scan3A_169#2, %scan3A_249 = %scan3A_169#3, %scan3A_250 = %scan3A_169#4, %scan3A_251 = %scan3A_169#5, %scan3A_252 = %scan3A_169#6, %scan3A_253 = %scan3A_169#7, %scan3A_254 = %scan3A_169#8, %scan3A_255 = %scan3A_169#9, %scan3A_256 = %scan3A_169#10, %scan3A_257 = %scan3A_169#11, %scan3A_258 = %scan3A_169#12, %scan3A_259 = %scan3A_169#13, %scan3A_260 = %scan3A_169#14, %scan3A_261 = %scan3A_169#15) -> (vector<16xf32>, vector<16xf32>, vector<16xf32>, vector<16xf32>, vector<16xf32>, vector<16xf32>, vector<16xf32>, vector<16xf32>, vector<16xf32>, vector<16xf32>, vector<16xf32>, vector<16xf32>, vector<16xf32>, vector<16xf32>, vector<16xf32>, vector<16xf32>)  : i32 {
        %get3A = arith.constant 1 : i32
        %get3A_262 = arith.index_cast %get3A : i32 to index
        %get3A_263 = arith.index_cast %scan3A_245 : i32 to index
        %get3A_264 = arith.constant 0 : index
        %get3A_265 = tpu.vector_load %arg4[%get3A_262, %get3A_263, %get3A_264] {strides = array<i32>} : memref<2x64x256xf32, #tpu.memory_space<vmem>>, vector<1x1x16xf32>,
        %get3A_266 = vector.shape_cast %get3A_265 : vector<1x1x16xf32> to vector<16xf32>
        %add3A_267 = arith.addf %scan3A_246, %get3A_266 : vector<16xf32>
        %swap3A = arith.constant 1 : i32
        %swap3A_268 = arith.index_cast %swap3A : i32 to index
        %swap3A_269 = arith.index_cast %scan3A_245 : i32 to index
        %swap3A_270 = arith.constant 0 : index
        %swap3A_271 = tpu.vector_load %arg5[%swap3A_268, %swap3A_269, %swap3A_270] {strides = array<i32>} : memref<2x64x256xf32, #tpu.memory_space<vmem>>, vector<1x1x16xf32>,
        %swap3A_272 = vector.shape_cast %swap3A_271 : vector<1x1x16xf32> to vector<16xf32>
        %swap3A_273 = vector.shape_cast %add3A_267 : vector<16xf32> to vector<1x1x16xf32>
        tpu.vector_store %arg5[%swap3A_268, %swap3A_269, %swap3A_270], %swap3A_273 {strides = array<i32>} : memref<2x64x256xf32, #tpu.memory_space<vmem>>, vector<1x1x16xf32>,
        %get3A_274 = arith.constant 1 : i32
        %get3A_275 = arith.index_cast %get3A_274 : i32 to index
        %get3A_276 = arith.index_cast %scan3A_245 : i32 to index
        %get3A_277 = arith.constant 16 : index
        %get3A_278 = tpu.vector_load %arg4[%get3A_275, %get3A_276, %get3A_277] {strides = array<i32>} : memref<2x64x256xf32, #tpu.memory_space<vmem>>, vector<1x1x16xf32>,
        %get3A_279 = vector.shape_cast %get3A_278 : vector<1x1x16xf32> to vector<16xf32>
        %add3A_280 = arith.addf %scan3A_247, %get3A_279 : vector<16xf32>
        %swap3A_281 = arith.constant 1 : i32
        %swap3A_282 = arith.index_cast %swap3A_281 : i32 to index
        %swap3A_283 = arith.index_cast %scan3A_245 : i32 to index
        %swap3A_284 = arith.constant 16 : index
        %swap3A_285 = tpu.vector_load %arg5[%swap3A_282, %swap3A_283, %swap3A_284] {strides = array<i32>} : memref<2x64x256xf32, #tpu.memory_space<vmem>>, vector<1x1x16xf32>,
        %swap3A_286 = vector.shape_cast %swap3A_285 : vector<1x1x16xf32> to vector<16xf32>
        %swap3A_287 = vector.shape_cast %add3A_280 : vector<16xf32> to vector<1x1x16xf32>
        tpu.vector_store %arg5[%swap3A_282, %swap3A_283, %swap3A_284], %swap3A_287 {strides = array<i32>} : memref<2x64x256xf32, #tpu.memory_space<vmem>>, vector<1x1x16xf32>,
        %get3A_288 = arith.constant 1 : i32
        %get3A_289 = arith.index_cast %get3A_288 : i32 to index
        %get3A_290 = arith.index_cast %scan3A_245 : i32 to index
        %get3A_291 = arith.constant 32 : index
        %get3A_292 = tpu.vector_load %arg4[%get3A_289, %get3A_290, %get3A_291] {strides = array<i32>} : memref<2x64x256xf32, #tpu.memory_space<vmem>>, vector<1x1x16xf32>,
        %get3A_293 = vector.shape_cast %get3A_292 : vector<1x1x16xf32> to vector<16xf32>
        %add3A_294 = arith.addf %scan3A_248, %get3A_293 : vector<16xf32>
        %swap3A_295 = arith.constant 1 : i32
        %swap3A_296 = arith.index_cast %swap3A_295 : i32 to index
        %swap3A_297 = arith.index_cast %scan3A_245 : i32 to index
        %swap3A_298 = arith.constant 32 : index
        %swap3A_299 = tpu.vector_load %arg5[%swap3A_296, %swap3A_297, %swap3A_298] {strides = array<i32>} : memref<2x64x256xf32, #tpu.memory_space<vmem>>, vector<1x1x16xf32>,
        %swap3A_300 = vector.shape_cast %swap3A_299 : vector<1x1x16xf32> to vector<16xf32>
        %swap3A_301 = vector.shape_cast %add3A_294 : vector<16xf32> to vector<1x1x16xf32>
        tpu.vector_store %arg5[%swap3A_296, %swap3A_297, %swap3A_298], %swap3A_301 {strides = array<i32>} : memref<2x64x256xf32, #tpu.memory_space<vmem>>, vector<1x1x16xf32>,
        %get3A_302 = arith.constant 1 : i32
        %get3A_303 = arith.index_cast %get3A_302 : i32 to index
        %get3A_304 = arith.index_cast %scan3A_245 : i32 to index
        %get3A_305 = arith.constant 48 : index
        %get3A_306 = tpu.vector_load %arg4[%get3A_303, %get3A_304, %get3A_305] {strides = array<i32>} : memref<2x64x256xf32, #tpu.memory_space<vmem>>, vector<1x1x16xf32>,
        %get3A_307 = vector.shape_cast %get3A_306 : vector<1x1x16xf32> to vector<16xf32>
        %add3A_308 = arith.addf %scan3A_249, %get3A_307 : vector<16xf32>
        %swap3A_309 = arith.constant 1 : i32
        %swap3A_310 = arith.index_cast %swap3A_309 : i32 to index
        %swap3A_311 = arith.index_cast %scan3A_245 : i32 to index
        %swap3A_312 = arith.constant 48 : index
        %swap3A_313 = tpu.vector_load %arg5[%swap3A_310, %swap3A_311, %swap3A_312] {strides = array<i32>} : memref<2x64x256xf32, #tpu.memory_space<vmem>>, vector<1x1x16xf32>,
        %swap3A_314 = vector.shape_cast %swap3A_313 : vector<1x1x16xf32> to vector<16xf32>
        %swap3A_315 = vector.shape_cast %add3A_308 : vector<16xf32> to vector<1x1x16xf32>
        tpu.vector_store %arg5[%swap3A_310, %swap3A_311, %swap3A_312], %swap3A_315 {strides = array<i32>} : memref<2x64x256xf32, #tpu.memory_space<vmem>>, vector<1x1x16xf32>,
        %get3A_316 = arith.constant 1 : i32
        %get3A_317 = arith.index_cast %get3A_316 : i32 to index
        %get3A_318 = arith.index_cast %scan3A_245 : i32 to index
        %get3A_319 = arith.constant 64 : index
        %get3A_320 = tpu.vector_load %arg4[%get3A_317, %get3A_318, %get3A_319] {strides = array<i32>} : memref<2x64x256xf32, #tpu.memory_space<vmem>>, vector<1x1x16xf32>,
        %get3A_321 = vector.shape_cast %get3A_320 : vector<1x1x16xf32> to vector<16xf32>
        %add3A_322 = arith.addf %scan3A_250, %get3A_321 : vector<16xf32>
        %swap3A_323 = arith.constant 1 : i32
        %swap3A_324 = arith.index_cast %swap3A_323 : i32 to index
        %swap3A_325 = arith.index_cast %scan3A_245 : i32 to index
        %swap3A_326 = arith.constant 64 : index
        %swap3A_327 = tpu.vector_load %arg5[%swap3A_324, %swap3A_325, %swap3A_326] {strides = array<i32>} : memref<2x64x256xf32, #tpu.memory_space<vmem>>, vector<1x1x16xf32>,
        %swap3A_328 = vector.shape_cast %swap3A_327 : vector<1x1x16xf32> to vector<16xf32>
        %swap3A_329 = vector.shape_cast %add3A_322 : vector<16xf32> to vector<1x1x16xf32>
        tpu.vector_store %arg5[%swap3A_324, %swap3A_325, %swap3A_326], %swap3A_329 {strides = array<i32>} : memref<2x64x256xf32, #tpu.memory_space<vmem>>, vector<1x1x16xf32>,
        %get3A_330 = arith.constant 1 : i32
        %get3A_331 = arith.index_cast %get3A_330 : i32 to index
        %get3A_332 = arith.index_cast %scan3A_245 : i32 to index
        %get3A_333 = arith.constant 80 : index
        %get3A_334 = tpu.vector_load %arg4[%get3A_331, %get3A_332, %get3A_333] {strides = array<i32>} : memref<2x64x256xf32, #tpu.memory_space<vmem>>, vector<1x1x16xf32>,
        %get3A_335 = vector.shape_cast %get3A_334 : vector<1x1x16xf32> to vector<16xf32>
        %add3A_336 = arith.addf %scan3A_251, %get3A_335 : vector<16xf32>
        %swap3A_337 = arith.constant 1 : i32
        %swap3A_338 = arith.index_cast %swap3A_337 : i32 to index
        %swap3A_339 = arith.index_cast %scan3A_245 : i32 to index
        %swap3A_340 = arith.constant 80 : index
        %swap3A_341 = tpu.vector_load %arg5[%swap3A_338, %swap3A_339, %swap3A_340] {strides = array<i32>} : memref<2x64x256xf32, #tpu.memory_space<vmem>>, vector<1x1x16xf32>,
        %swap3A_342 = vector.shape_cast %swap3A_341 : vector<1x1x16xf32> to vector<16xf32>
        %swap3A_343 = vector.shape_cast %add3A_336 : vector<16xf32> to vector<1x1x16xf32>
        tpu.vector_store %arg5[%swap3A_338, %swap3A_339, %swap3A_340], %swap3A_343 {strides = array<i32>} : memref<2x64x256xf32, #tpu.memory_space<vmem>>, vector<1x1x16xf32>,
        %get3A_344 = arith.constant 1 : i32
        %get3A_345 = arith.index_cast %get3A_344 : i32 to index
        %get3A_346 = arith.index_cast %scan3A_245 : i32 to index
        %get3A_347 = arith.constant 96 : index
        %get3A_348 = tpu.vector_load %arg4[%get3A_345, %get3A_346, %get3A_347] {strides = array<i32>} : memref<2x64x256xf32, #tpu.memory_space<vmem>>, vector<1x1x16xf32>,
        %get3A_349 = vector.shape_cast %get3A_348 : vector<1x1x16xf32> to vector<16xf32>
        %add3A_350 = arith.addf %scan3A_252, %get3A_349 : vector<16xf32>
        %swap3A_351 = arith.constant 1 : i32
        %swap3A_352 = arith.index_cast %swap3A_351 : i32 to index
        %swap3A_353 = arith.index_cast %scan3A_245 : i32 to index
        %swap3A_354 = arith.constant 96 : index
        %swap3A_355 = tpu.vector_load %arg5[%swap3A_352, %swap3A_353, %swap3A_354] {strides = array<i32>} : memref<2x64x256xf32, #tpu.memory_space<vmem>>, vector<1x1x16xf32>,
        %swap3A_356 = vector.shape_cast %swap3A_355 : vector<1x1x16xf32> to vector<16xf32>
        %swap3A_357 = vector.shape_cast %add3A_350 : vector<16xf32> to vector<1x1x16xf32>
        tpu.vector_store %arg5[%swap3A_352, %swap3A_353, %swap3A_354], %swap3A_357 {strides = array<i32>} : memref<2x64x256xf32, #tpu.memory_space<vmem>>, vector<1x1x16xf32>,
        %get3A_358 = arith.constant 1 : i32
        %get3A_359 = arith.index_cast %get3A_358 : i32 to index
        %get3A_360 = arith.index_cast %scan3A_245 : i32 to index
        %get3A_361 = arith.constant 112 : index
        %get3A_362 = tpu.vector_load %arg4[%get3A_359, %get3A_360, %get3A_361] {strides = array<i32>} : memref<2x64x256xf32, #tpu.memory_space<vmem>>, vector<1x1x16xf32>,
        %get3A_363 = vector.shape_cast %get3A_362 : vector<1x1x16xf32> to vector<16xf32>
        %add3A_364 = arith.addf %scan3A_253, %get3A_363 : vector<16xf32>
        %swap3A_365 = arith.constant 1 : i32
        %swap3A_366 = arith.index_cast %swap3A_365 : i32 to index
        %swap3A_367 = arith.index_cast %scan3A_245 : i32 to index
        %swap3A_368 = arith.constant 112 : index
        %swap3A_369 = tpu.vector_load %arg5[%swap3A_366, %swap3A_367, %swap3A_368] {strides = array<i32>} : memref<2x64x256xf32, #tpu.memory_space<vmem>>, vector<1x1x16xf32>,
        %swap3A_370 = vector.shape_cast %swap3A_369 : vector<1x1x16xf32> to vector<16xf32>
        %swap3A_371 = vector.shape_cast %add3A_364 : vector<16xf32> to vector<1x1x16xf32>
        tpu.vector_store %arg5[%swap3A_366, %swap3A_367, %swap3A_368], %swap3A_371 {strides = array<i32>} : memref<2x64x256xf32, #tpu.memory_space<vmem>>, vector<1x1x16xf32>,
        %get3A_372 = arith.constant 1 : i32
        %get3A_373 = arith.index_cast %get3A_372 : i32 to index
        %get3A_374 = arith.index_cast %scan3A_245 : i32 to index
        %get3A_375 = arith.constant 128 : index
        %get3A_376 = tpu.vector_load %arg4[%get3A_373, %get3A_374, %get3A_375] {strides = array<i32>} : memref<2x64x256xf32, #tpu.memory_space<vmem>>, vector<1x1x16xf32>,
        %get3A_377 = vector.shape_cast %get3A_376 : vector<1x1x16xf32> to vector<16xf32>
        %add3A_378 = arith.addf %scan3A_254, %get3A_377 : vector<16xf32>
        %swap3A_379 = arith.constant 1 : i32
        %swap3A_380 = arith.index_cast %swap3A_379 : i32 to index
        %swap3A_381 = arith.index_cast %scan3A_245 : i32 to index
        %swap3A_382 = arith.constant 128 : index
        %swap3A_383 = tpu.vector_load %arg5[%swap3A_380, %swap3A_381, %swap3A_382] {strides = array<i32>} : memref<2x64x256xf32, #tpu.memory_space<vmem>>, vector<1x1x16xf32>,
        %swap3A_384 = vector.shape_cast %swap3A_383 : vector<1x1x16xf32> to vector<16xf32>
        %swap3A_385 = vector.shape_cast %add3A_378 : vector<16xf32> to vector<1x1x16xf32>
        tpu.vector_store %arg5[%swap3A_380, %swap3A_381, %swap3A_382], %swap3A_385 {strides = array<i32>} : memref<2x64x256xf32, #tpu.memory_space<vmem>>, vector<1x1x16xf32>,
        %get3A_386 = arith.constant 1 : i32
        %get3A_387 = arith.index_cast %get3A_386 : i32 to index
        %get3A_388 = arith.index_cast %scan3A_245 : i32 to index
        %get3A_389 = arith.constant 144 : index
        %get3A_390 = tpu.vector_load %arg4[%get3A_387, %get3A_388, %get3A_389] {strides = array<i32>} : memref<2x64x256xf32, #tpu.memory_space<vmem>>, vector<1x1x16xf32>,
        %get3A_391 = vector.shape_cast %get3A_390 : vector<1x1x16xf32> to vector<16xf32>
        %add3A_392 = arith.addf %scan3A_255, %get3A_391 : vector<16xf32>
        %swap3A_393 = arith.constant 1 : i32
        %swap3A_394 = arith.index_cast %swap3A_393 : i32 to index
        %swap3A_395 = arith.index_cast %scan3A_245 : i32 to index
        %swap3A_396 = arith.constant 144 : index
        %swap3A_397 = tpu.vector_load %arg5[%swap3A_394, %swap3A_395, %swap3A_396] {strides = array<i32>} : memref<2x64x256xf32, #tpu.memory_space<vmem>>, vector<1x1x16xf32>,
        %swap3A_398 = vector.shape_cast %swap3A_397 : vector<1x1x16xf32> to vector<16xf32>
        %swap3A_399 = vector.shape_cast %add3A_392 : vector<16xf32> to vector<1x1x16xf32>
        tpu.vector_store %arg5[%swap3A_394, %swap3A_395, %swap3A_396], %swap3A_399 {strides = array<i32>} : memref<2x64x256xf32, #tpu.memory_space<vmem>>, vector<1x1x16xf32>,
        %get3A_400 = arith.constant 1 : i32
        %get3A_401 = arith.index_cast %get3A_400 : i32 to index
        %get3A_402 = arith.index_cast %scan3A_245 : i32 to index
        %get3A_403 = arith.constant 160 : index
        %get3A_404 = tpu.vector_load %arg4[%get3A_401, %get3A_402, %get3A_403] {strides = array<i32>} : memref<2x64x256xf32, #tpu.memory_space<vmem>>, vector<1x1x16xf32>,
        %get3A_405 = vector.shape_cast %get3A_404 : vector<1x1x16xf32> to vector<16xf32>
        %add3A_406 = arith.addf %scan3A_256, %get3A_405 : vector<16xf32>
        %swap3A_407 = arith.constant 1 : i32
        %swap3A_408 = arith.index_cast %swap3A_407 : i32 to index
        %swap3A_409 = arith.index_cast %scan3A_245 : i32 to index
        %swap3A_410 = arith.constant 160 : index
        %swap3A_411 = tpu.vector_load %arg5[%swap3A_408, %swap3A_409, %swap3A_410] {strides = array<i32>} : memref<2x64x256xf32, #tpu.memory_space<vmem>>, vector<1x1x16xf32>,
        %swap3A_412 = vector.shape_cast %swap3A_411 : vector<1x1x16xf32> to vector<16xf32>
        %swap3A_413 = vector.shape_cast %add3A_406 : vector<16xf32> to vector<1x1x16xf32>
        tpu.vector_store %arg5[%swap3A_408, %swap3A_409, %swap3A_410], %swap3A_413 {strides = array<i32>} : memref<2x64x256xf32, #tpu.memory_space<vmem>>, vector<1x1x16xf32>,
        %get3A_414 = arith.constant 1 : i32
        %get3A_415 = arith.index_cast %get3A_414 : i32 to index
        %get3A_416 = arith.index_cast %scan3A_245 : i32 to index
        %get3A_417 = arith.constant 176 : index
        %get3A_418 = tpu.vector_load %arg4[%get3A_415, %get3A_416, %get3A_417] {strides = array<i32>} : memref<2x64x256xf32, #tpu.memory_space<vmem>>, vector<1x1x16xf32>,
        %get3A_419 = vector.shape_cast %get3A_418 : vector<1x1x16xf32> to vector<16xf32>
        %add3A_420 = arith.addf %scan3A_257, %get3A_419 : vector<16xf32>
        %swap3A_421 = arith.constant 1 : i32
        %swap3A_422 = arith.index_cast %swap3A_421 : i32 to index
        %swap3A_423 = arith.index_cast %scan3A_245 : i32 to index
        %swap3A_424 = arith.constant 176 : index
        %swap3A_425 = tpu.vector_load %arg5[%swap3A_422, %swap3A_423, %swap3A_424] {strides = array<i32>} : memref<2x64x256xf32, #tpu.memory_space<vmem>>, vector<1x1x16xf32>,
        %swap3A_426 = vector.shape_cast %swap3A_425 : vector<1x1x16xf32> to vector<16xf32>
        %swap3A_427 = vector.shape_cast %add3A_420 : vector<16xf32> to vector<1x1x16xf32>
        tpu.vector_store %arg5[%swap3A_422, %swap3A_423, %swap3A_424], %swap3A_427 {strides = array<i32>} : memref<2x64x256xf32, #tpu.memory_space<vmem>>, vector<1x1x16xf32>,
        %get3A_428 = arith.constant 1 : i32
        %get3A_429 = arith.index_cast %get3A_428 : i32 to index
        %get3A_430 = arith.index_cast %scan3A_245 : i32 to index
        %get3A_431 = arith.constant 192 : index
        %get3A_432 = tpu.vector_load %arg4[%get3A_429, %get3A_430, %get3A_431] {strides = array<i32>} : memref<2x64x256xf32, #tpu.memory_space<vmem>>, vector<1x1x16xf32>,
        %get3A_433 = vector.shape_cast %get3A_432 : vector<1x1x16xf32> to vector<16xf32>
        %add3A_434 = arith.addf %scan3A_258, %get3A_433 : vector<16xf32>
        %swap3A_435 = arith.constant 1 : i32
        %swap3A_436 = arith.index_cast %swap3A_435 : i32 to index
        %swap3A_437 = arith.index_cast %scan3A_245 : i32 to index
        %swap3A_438 = arith.constant 192 : index
        %swap3A_439 = tpu.vector_load %arg5[%swap3A_436, %swap3A_437, %swap3A_438] {strides = array<i32>} : memref<2x64x256xf32, #tpu.memory_space<vmem>>, vector<1x1x16xf32>,
        %swap3A_440 = vector.shape_cast %swap3A_439 : vector<1x1x16xf32> to vector<16xf32>
        %swap3A_441 = vector.shape_cast %add3A_434 : vector<16xf32> to vector<1x1x16xf32>
        tpu.vector_store %arg5[%swap3A_436, %swap3A_437, %swap3A_438], %swap3A_441 {strides = array<i32>} : memref<2x64x256xf32, #tpu.memory_space<vmem>>, vector<1x1x16xf32>,
        %get3A_442 = arith.constant 1 : i32
        %get3A_443 = arith.index_cast %get3A_442 : i32 to index
        %get3A_444 = arith.index_cast %scan3A_245 : i32 to index
        %get3A_445 = arith.constant 208 : index
        %get3A_446 = tpu.vector_load %arg4[%get3A_443, %get3A_444, %get3A_445] {strides = array<i32>} : memref<2x64x256xf32, #tpu.memory_space<vmem>>, vector<1x1x16xf32>,
        %get3A_447 = vector.shape_cast %get3A_446 : vector<1x1x16xf32> to vector<16xf32>
        %add3A_448 = arith.addf %scan3A_259, %get3A_447 : vector<16xf32>
        %swap3A_449 = arith.constant 1 : i32
        %swap3A_450 = arith.index_cast %swap3A_449 : i32 to index
        %swap3A_451 = arith.index_cast %scan3A_245 : i32 to index
        %swap3A_452 = arith.constant 208 : index
        %swap3A_453 = tpu.vector_load %arg5[%swap3A_450, %swap3A_451, %swap3A_452] {strides = array<i32>} : memref<2x64x256xf32, #tpu.memory_space<vmem>>, vector<1x1x16xf32>,
        %swap3A_454 = vector.shape_cast %swap3A_453 : vector<1x1x16xf32> to vector<16xf32>
        %swap3A_455 = vector.shape_cast %add3A_448 : vector<16xf32> to vector<1x1x16xf32>
        tpu.vector_store %arg5[%swap3A_450, %swap3A_451, %swap3A_452], %swap3A_455 {strides = array<i32>} : memref<2x64x256xf32, #tpu.memory_space<vmem>>, vector<1x1x16xf32>,
        %get3A_456 = arith.constant 1 : i32
        %get3A_457 = arith.index_cast %get3A_456 : i32 to index
        %get3A_458 = arith.index_cast %scan3A_245 : i32 to index
        %get3A_459 = arith.constant 224 : index
        %get3A_460 = tpu.vector_load %arg4[%get3A_457, %get3A_458, %get3A_459] {strides = array<i32>} : memref<2x64x256xf32, #tpu.memory_space<vmem>>, vector<1x1x16xf32>,
        %get3A_461 = vector.shape_cast %get3A_460 : vector<1x1x16xf32> to vector<16xf32>
        %add3A_462 = arith.addf %scan3A_260, %get3A_461 : vector<16xf32>
        %swap3A_463 = arith.constant 1 : i32
        %swap3A_464 = arith.index_cast %swap3A_463 : i32 to index
        %swap3A_465 = arith.index_cast %scan3A_245 : i32 to index
        %swap3A_466 = arith.constant 224 : index
        %swap3A_467 = tpu.vector_load %arg5[%swap3A_464, %swap3A_465, %swap3A_466] {strides = array<i32>} : memref<2x64x256xf32, #tpu.memory_space<vmem>>, vector<1x1x16xf32>,
        %swap3A_468 = vector.shape_cast %swap3A_467 : vector<1x1x16xf32> to vector<16xf32>
        %swap3A_469 = vector.shape_cast %add3A_462 : vector<16xf32> to vector<1x1x16xf32>
        tpu.vector_store %arg5[%swap3A_464, %swap3A_465, %swap3A_466], %swap3A_469 {strides = array<i32>} : memref<2x64x256xf32, #tpu.memory_space<vmem>>, vector<1x1x16xf32>,
        %get3A_470 = arith.constant 1 : i32
        %get3A_471 = arith.index_cast %get3A_470 : i32 to index
        %get3A_472 = arith.index_cast %scan3A_245 : i32 to index
        %get3A_473 = arith.constant 240 : index
        %get3A_474 = tpu.vector_load %arg4[%get3A_471, %get3A_472, %get3A_473] {strides = array<i32>} : memref<2x64x256xf32, #tpu.memory_space<vmem>>, vector<1x1x16xf32>,
        %get3A_475 = vector.shape_cast %get3A_474 : vector<1x1x16xf32> to vector<16xf32>
        %add3A_476 = arith.addf %scan3A_261, %get3A_475 : vector<16xf32>
        %swap3A_477 = arith.constant 1 : i32
        %swap3A_478 = arith.index_cast %swap3A_477 : i32 to index
        %swap3A_479 = arith.index_cast %scan3A_245 : i32 to index
        %swap3A_480 = arith.constant 240 : index
        %swap3A_481 = tpu.vector_load %arg5[%swap3A_478, %swap3A_479, %swap3A_480] {strides = array<i32>} : memref<2x64x256xf32, #tpu.memory_space<vmem>>, vector<1x1x16xf32>,
        %swap3A_482 = vector.shape_cast %swap3A_481 : vector<1x1x16xf32> to vector<16xf32>
        %swap3A_483 = vector.shape_cast %add3A_476 : vector<16xf32> to vector<1x1x16xf32>
        tpu.vector_store %arg5[%swap3A_478, %swap3A_479, %swap3A_480], %swap3A_483 {strides = array<i32>} : memref<2x64x256xf32, #tpu.memory_space<vmem>>, vector<1x1x16xf32>,
        %scan3A_484 = arith.constant 1 : i32
        %scan3A_485 = arith.addi %scan3A_245, %scan3A_484 : i32
        %get3A_486 = arith.constant 1 : i32
        %get3A_487 = arith.index_cast %get3A_486 : i32 to index
        %get3A_488 = arith.index_cast %scan3A_485 : i32 to index
        %get3A_489 = arith.constant 0 : index
        %get3A_490 = tpu.vector_load %arg4[%get3A_487, %get3A_488, %get3A_489] {strides = array<i32>} : memref<2x64x256xf32, #tpu.memory_space<vmem>>, vector<1x1x16xf32>,
        %get3A_491 = vector.shape_cast %get3A_490 : vector<1x1x16xf32> to vector<16xf32>
        %add3A_492 = arith.addf %add3A_267, %get3A_491 : vector<16xf32>
        %swap3A_493 = arith.constant 1 : i32
        %swap3A_494 = arith.index_cast %swap3A_493 : i32 to index
        %swap3A_495 = arith.index_cast %scan3A_485 : i32 to index
        %swap3A_496 = arith.constant 0 : index
        %swap3A_497 = tpu.vector_load %arg5[%swap3A_494, %swap3A_495, %swap3A_496] {strides = array<i32>} : memref<2x64x256xf32, #tpu.memory_space<vmem>>, vector<1x1x16xf32>,
        %swap3A_498 = vector.shape_cast %swap3A_497 : vector<1x1x16xf32> to vector<16xf32>
        %swap3A_499 = vector.shape_cast %add3A_492 : vector<16xf32> to vector<1x1x16xf32>
        tpu.vector_store %arg5[%swap3A_494, %swap3A_495, %swap3A_496], %swap3A_499 {strides = array<i32>} : memref<2x64x256xf32, #tpu.memory_space<vmem>>, vector<1x1x16xf32>,
        %get3A_500 = arith.constant 1 : i32
        %get3A_501 = arith.index_cast %get3A_500 : i32 to index
        %get3A_502 = arith.index_cast %scan3A_485 : i32 to index
        %get3A_503 = arith.constant 16 : index
        %get3A_504 = tpu.vector_load %arg4[%get3A_501, %get3A_502, %get3A_503] {strides = array<i32>} : memref<2x64x256xf32, #tpu.memory_space<vmem>>, vector<1x1x16xf32>,
        %get3A_505 = vector.shape_cast %get3A_504 : vector<1x1x16xf32> to vector<16xf32>
        %add3A_506 = arith.addf %add3A_280, %get3A_505 : vector<16xf32>
        %swap3A_507 = arith.constant 1 : i32
        %swap3A_508 = arith.index_cast %swap3A_507 : i32 to index
        %swap3A_509 = arith.index_cast %scan3A_485 : i32 to index
        %swap3A_510 = arith.constant 16 : index
        %swap3A_511 = tpu.vector_load %arg5[%swap3A_508, %swap3A_509, %swap3A_510] {strides = array<i32>} : memref<2x64x256xf32, #tpu.memory_space<vmem>>, vector<1x1x16xf32>,
        %swap3A_512 = vector.shape_cast %swap3A_511 : vector<1x1x16xf32> to vector<16xf32>
        %swap3A_513 = vector.shape_cast %add3A_506 : vector<16xf32> to vector<1x1x16xf32>
        tpu.vector_store %arg5[%swap3A_508, %swap3A_509, %swap3A_510], %swap3A_513 {strides = array<i32>} : memref<2x64x256xf32, #tpu.memory_space<vmem>>, vector<1x1x16xf32>,
        %get3A_514 = arith.constant 1 : i32
        %get3A_515 = arith.index_cast %get3A_514 : i32 to index
        %get3A_516 = arith.index_cast %scan3A_485 : i32 to index
        %get3A_517 = arith.constant 32 : index
        %get3A_518 = tpu.vector_load %arg4[%get3A_515, %get3A_516, %get3A_517] {strides = array<i32>} : memref<2x64x256xf32, #tpu.memory_space<vmem>>, vector<1x1x16xf32>,
        %get3A_519 = vector.shape_cast %get3A_518 : vector<1x1x16xf32> to vector<16xf32>
        %add3A_520 = arith.addf %add3A_294, %get3A_519 : vector<16xf32>
        %swap3A_521 = arith.constant 1 : i32
        %swap3A_522 = arith.index_cast %swap3A_521 : i32 to index
        %swap3A_523 = arith.index_cast %scan3A_485 : i32 to index
        %swap3A_524 = arith.constant 32 : index
        %swap3A_525 = tpu.vector_load %arg5[%swap3A_522, %swap3A_523, %swap3A_524] {strides = array<i32>} : memref<2x64x256xf32, #tpu.memory_space<vmem>>, vector<1x1x16xf32>,
        %swap3A_526 = vector.shape_cast %swap3A_525 : vector<1x1x16xf32> to vector<16xf32>
        %swap3A_527 = vector.shape_cast %add3A_520 : vector<16xf32> to vector<1x1x16xf32>
        tpu.vector_store %arg5[%swap3A_522, %swap3A_523, %swap3A_524], %swap3A_527 {strides = array<i32>} : memref<2x64x256xf32, #tpu.memory_space<vmem>>, vector<1x1x16xf32>,
        %get3A_528 = arith.constant 1 : i32
        %get3A_529 = arith.index_cast %get3A_528 : i32 to index
        %get3A_530 = arith.index_cast %scan3A_485 : i32 to index
        %get3A_531 = arith.constant 48 : index
        %get3A_532 = tpu.vector_load %arg4[%get3A_529, %get3A_530, %get3A_531] {strides = array<i32>} : memref<2x64x256xf32, #tpu.memory_space<vmem>>, vector<1x1x16xf32>,
        %get3A_533 = vector.shape_cast %get3A_532 : vector<1x1x16xf32> to vector<16xf32>
        %add3A_534 = arith.addf %add3A_308, %get3A_533 : vector<16xf32>
        %swap3A_535 = arith.constant 1 : i32
        %swap3A_536 = arith.index_cast %swap3A_535 : i32 to index
        %swap3A_537 = arith.index_cast %scan3A_485 : i32 to index
        %swap3A_538 = arith.constant 48 : index
        %swap3A_539 = tpu.vector_load %arg5[%swap3A_536, %swap3A_537, %swap3A_538] {strides = array<i32>} : memref<2x64x256xf32, #tpu.memory_space<vmem>>, vector<1x1x16xf32>,
        %swap3A_540 = vector.shape_cast %swap3A_539 : vector<1x1x16xf32> to vector<16xf32>
        %swap3A_541 = vector.shape_cast %add3A_534 : vector<16xf32> to vector<1x1x16xf32>
        tpu.vector_store %arg5[%swap3A_536, %swap3A_537, %swap3A_538], %swap3A_541 {strides = array<i32>} : memref<2x64x256xf32, #tpu.memory_space<vmem>>, vector<1x1x16xf32>,
        %get3A_542 = arith.constant 1 : i32
        %get3A_543 = arith.index_cast %get3A_542 : i32 to index
        %get3A_544 = arith.index_cast %scan3A_485 : i32 to index
        %get3A_545 = arith.constant 64 : index
        %get3A_546 = tpu.vector_load %arg4[%get3A_543, %get3A_544, %get3A_545] {strides = array<i32>} : memref<2x64x256xf32, #tpu.memory_space<vmem>>, vector<1x1x16xf32>,
        %get3A_547 = vector.shape_cast %get3A_546 : vector<1x1x16xf32> to vector<16xf32>
        %add3A_548 = arith.addf %add3A_322, %get3A_547 : vector<16xf32>
        %swap3A_549 = arith.constant 1 : i32
        %swap3A_550 = arith.index_cast %swap3A_549 : i32 to index
        %swap3A_551 = arith.index_cast %scan3A_485 : i32 to index
        %swap3A_552 = arith.constant 64 : index
        %swap3A_553 = tpu.vector_load %arg5[%swap3A_550, %swap3A_551, %swap3A_552] {strides = array<i32>} : memref<2x64x256xf32, #tpu.memory_space<vmem>>, vector<1x1x16xf32>,
        %swap3A_554 = vector.shape_cast %swap3A_553 : vector<1x1x16xf32> to vector<16xf32>
        %swap3A_555 = vector.shape_cast %add3A_548 : vector<16xf32> to vector<1x1x16xf32>
        tpu.vector_store %arg5[%swap3A_550, %swap3A_551, %swap3A_552], %swap3A_555 {strides = array<i32>} : memref<2x64x256xf32, #tpu.memory_space<vmem>>, vector<1x1x16xf32>,
        %get3A_556 = arith.constant 1 : i32
        %get3A_557 = arith.index_cast %get3A_556 : i32 to index
        %get3A_558 = arith.index_cast %scan3A_485 : i32 to index
        %get3A_559 = arith.constant 80 : index
        %get3A_560 = tpu.vector_load %arg4[%get3A_557, %get3A_558, %get3A_559] {strides = array<i32>} : memref<2x64x256xf32, #tpu.memory_space<vmem>>, vector<1x1x16xf32>,
        %get3A_561 = vector.shape_cast %get3A_560 : vector<1x1x16xf32> to vector<16xf32>
        %add3A_562 = arith.addf %add3A_336, %get3A_561 : vector<16xf32>
        %swap3A_563 = arith.constant 1 : i32
        %swap3A_564 = arith.index_cast %swap3A_563 : i32 to index
        %swap3A_565 = arith.index_cast %scan3A_485 : i32 to index
        %swap3A_566 = arith.constant 80 : index
        %swap3A_567 = tpu.vector_load %arg5[%swap3A_564, %swap3A_565, %swap3A_566] {strides = array<i32>} : memref<2x64x256xf32, #tpu.memory_space<vmem>>, vector<1x1x16xf32>,
        %swap3A_568 = vector.shape_cast %swap3A_567 : vector<1x1x16xf32> to vector<16xf32>
        %swap3A_569 = vector.shape_cast %add3A_562 : vector<16xf32> to vector<1x1x16xf32>
        tpu.vector_store %arg5[%swap3A_564, %swap3A_565, %swap3A_566], %swap3A_569 {strides = array<i32>} : memref<2x64x256xf32, #tpu.memory_space<vmem>>, vector<1x1x16xf32>,
        %get3A_570 = arith.constant 1 : i32
        %get3A_571 = arith.index_cast %get3A_570 : i32 to index
        %get3A_572 = arith.index_cast %scan3A_485 : i32 to index
        %get3A_573 = arith.constant 96 : index
        %get3A_574 = tpu.vector_load %arg4[%get3A_571, %get3A_572, %get3A_573] {strides = array<i32>} : memref<2x64x256xf32, #tpu.memory_space<vmem>>, vector<1x1x16xf32>,
        %get3A_575 = vector.shape_cast %get3A_574 : vector<1x1x16xf32> to vector<16xf32>
        %add3A_576 = arith.addf %add3A_350, %get3A_575 : vector<16xf32>
        %swap3A_577 = arith.constant 1 : i32
        %swap3A_578 = arith.index_cast %swap3A_577 : i32 to index
        %swap3A_579 = arith.index_cast %scan3A_485 : i32 to index
        %swap3A_580 = arith.constant 96 : index
        %swap3A_581 = tpu.vector_load %arg5[%swap3A_578, %swap3A_579, %swap3A_580] {strides = array<i32>} : memref<2x64x256xf32, #tpu.memory_space<vmem>>, vector<1x1x16xf32>,
        %swap3A_582 = vector.shape_cast %swap3A_581 : vector<1x1x16xf32> to vector<16xf32>
        %swap3A_583 = vector.shape_cast %add3A_576 : vector<16xf32> to vector<1x1x16xf32>
        tpu.vector_store %arg5[%swap3A_578, %swap3A_579, %swap3A_580], %swap3A_583 {strides = array<i32>} : memref<2x64x256xf32, #tpu.memory_space<vmem>>, vector<1x1x16xf32>,
        %get3A_584 = arith.constant 1 : i32
        %get3A_585 = arith.index_cast %get3A_584 : i32 to index
        %get3A_586 = arith.index_cast %scan3A_485 : i32 to index
        %get3A_587 = arith.constant 112 : index
        %get3A_588 = tpu.vector_load %arg4[%get3A_585, %get3A_586, %get3A_587] {strides = array<i32>} : memref<2x64x256xf32, #tpu.memory_space<vmem>>, vector<1x1x16xf32>,
        %get3A_589 = vector.shape_cast %get3A_588 : vector<1x1x16xf32> to vector<16xf32>
        %add3A_590 = arith.addf %add3A_364, %get3A_589 : vector<16xf32>
        %swap3A_591 = arith.constant 1 : i32
        %swap3A_592 = arith.index_cast %swap3A_591 : i32 to index
        %swap3A_593 = arith.index_cast %scan3A_485 : i32 to index
        %swap3A_594 = arith.constant 112 : index
        %swap3A_595 = tpu.vector_load %arg5[%swap3A_592, %swap3A_593, %swap3A_594] {strides = array<i32>} : memref<2x64x256xf32, #tpu.memory_space<vmem>>, vector<1x1x16xf32>,
        %swap3A_596 = vector.shape_cast %swap3A_595 : vector<1x1x16xf32> to vector<16xf32>
        %swap3A_597 = vector.shape_cast %add3A_590 : vector<16xf32> to vector<1x1x16xf32>
        tpu.vector_store %arg5[%swap3A_592, %swap3A_593, %swap3A_594], %swap3A_597 {strides = array<i32>} : memref<2x64x256xf32, #tpu.memory_space<vmem>>, vector<1x1x16xf32>,
        %get3A_598 = arith.constant 1 : i32
        %get3A_599 = arith.index_cast %get3A_598 : i32 to index
        %get3A_600 = arith.index_cast %scan3A_485 : i32 to index
        %get3A_601 = arith.constant 128 : index
        %get3A_602 = tpu.vector_load %arg4[%get3A_599, %get3A_600, %get3A_601] {strides = array<i32>} : memref<2x64x256xf32, #tpu.memory_space<vmem>>, vector<1x1x16xf32>,
        %get3A_603 = vector.shape_cast %get3A_602 : vector<1x1x16xf32> to vector<16xf32>
        %add3A_604 = arith.addf %add3A_378, %get3A_603 : vector<16xf32>
        %swap3A_605 = arith.constant 1 : i32
        %swap3A_606 = arith.index_cast %swap3A_605 : i32 to index
        %swap3A_607 = arith.index_cast %scan3A_485 : i32 to index
        %swap3A_608 = arith.constant 128 : index
        %swap3A_609 = tpu.vector_load %arg5[%swap3A_606, %swap3A_607, %swap3A_608] {strides = array<i32>} : memref<2x64x256xf32, #tpu.memory_space<vmem>>, vector<1x1x16xf32>,
        %swap3A_610 = vector.shape_cast %swap3A_609 : vector<1x1x16xf32> to vector<16xf32>
        %swap3A_611 = vector.shape_cast %add3A_604 : vector<16xf32> to vector<1x1x16xf32>
        tpu.vector_store %arg5[%swap3A_606, %swap3A_607, %swap3A_608], %swap3A_611 {strides = array<i32>} : memref<2x64x256xf32, #tpu.memory_space<vmem>>, vector<1x1x16xf32>,
        %get3A_612 = arith.constant 1 : i32
        %get3A_613 = arith.index_cast %get3A_612 : i32 to index
        %get3A_614 = arith.index_cast %scan3A_485 : i32 to index
        %get3A_615 = arith.constant 144 : index
        %get3A_616 = tpu.vector_load %arg4[%get3A_613, %get3A_614, %get3A_615] {strides = array<i32>} : memref<2x64x256xf32, #tpu.memory_space<vmem>>, vector<1x1x16xf32>,
        %get3A_617 = vector.shape_cast %get3A_616 : vector<1x1x16xf32> to vector<16xf32>
        %add3A_618 = arith.addf %add3A_392, %get3A_617 : vector<16xf32>
        %swap3A_619 = arith.constant 1 : i32
        %swap3A_620 = arith.index_cast %swap3A_619 : i32 to index
        %swap3A_621 = arith.index_cast %scan3A_485 : i32 to index
        %swap3A_622 = arith.constant 144 : index
        %swap3A_623 = tpu.vector_load %arg5[%swap3A_620, %swap3A_621, %swap3A_622] {strides = array<i32>} : memref<2x64x256xf32, #tpu.memory_space<vmem>>, vector<1x1x16xf32>,
        %swap3A_624 = vector.shape_cast %swap3A_623 : vector<1x1x16xf32> to vector<16xf32>
        %swap3A_625 = vector.shape_cast %add3A_618 : vector<16xf32> to vector<1x1x16xf32>
        tpu.vector_store %arg5[%swap3A_620, %swap3A_621, %swap3A_622], %swap3A_625 {strides = array<i32>} : memref<2x64x256xf32, #tpu.memory_space<vmem>>, vector<1x1x16xf32>,
        %get3A_626 = arith.constant 1 : i32
        %get3A_627 = arith.index_cast %get3A_626 : i32 to index
        %get3A_628 = arith.index_cast %scan3A_485 : i32 to index
        %get3A_629 = arith.constant 160 : index
        %get3A_630 = tpu.vector_load %arg4[%get3A_627, %get3A_628, %get3A_629] {strides = array<i32>} : memref<2x64x256xf32, #tpu.memory_space<vmem>>, vector<1x1x16xf32>,
        %get3A_631 = vector.shape_cast %get3A_630 : vector<1x1x16xf32> to vector<16xf32>
        %add3A_632 = arith.addf %add3A_406, %get3A_631 : vector<16xf32>
        %swap3A_633 = arith.constant 1 : i32
        %swap3A_634 = arith.index_cast %swap3A_633 : i32 to index
        %swap3A_635 = arith.index_cast %scan3A_485 : i32 to index
        %swap3A_636 = arith.constant 160 : index
        %swap3A_637 = tpu.vector_load %arg5[%swap3A_634, %swap3A_635, %swap3A_636] {strides = array<i32>} : memref<2x64x256xf32, #tpu.memory_space<vmem>>, vector<1x1x16xf32>,
        %swap3A_638 = vector.shape_cast %swap3A_637 : vector<1x1x16xf32> to vector<16xf32>
        %swap3A_639 = vector.shape_cast %add3A_632 : vector<16xf32> to vector<1x1x16xf32>
        tpu.vector_store %arg5[%swap3A_634, %swap3A_635, %swap3A_636], %swap3A_639 {strides = array<i32>} : memref<2x64x256xf32, #tpu.memory_space<vmem>>, vector<1x1x16xf32>,
        %get3A_640 = arith.constant 1 : i32
        %get3A_641 = arith.index_cast %get3A_640 : i32 to index
        %get3A_642 = arith.index_cast %scan3A_485 : i32 to index
        %get3A_643 = arith.constant 176 : index
        %get3A_644 = tpu.vector_load %arg4[%get3A_641, %get3A_642, %get3A_643] {strides = array<i32>} : memref<2x64x256xf32, #tpu.memory_space<vmem>>, vector<1x1x16xf32>,
        %get3A_645 = vector.shape_cast %get3A_644 : vector<1x1x16xf32> to vector<16xf32>
        %add3A_646 = arith.addf %add3A_420, %get3A_645 : vector<16xf32>
        %swap3A_647 = arith.constant 1 : i32
        %swap3A_648 = arith.index_cast %swap3A_647 : i32 to index
        %swap3A_649 = arith.index_cast %scan3A_485 : i32 to index
        %swap3A_650 = arith.constant 176 : index
        %swap3A_651 = tpu.vector_load %arg5[%swap3A_648, %swap3A_649, %swap3A_650] {strides = array<i32>} : memref<2x64x256xf32, #tpu.memory_space<vmem>>, vector<1x1x16xf32>,
        %swap3A_652 = vector.shape_cast %swap3A_651 : vector<1x1x16xf32> to vector<16xf32>
        %swap3A_653 = vector.shape_cast %add3A_646 : vector<16xf32> to vector<1x1x16xf32>
        tpu.vector_store %arg5[%swap3A_648, %swap3A_649, %swap3A_650], %swap3A_653 {strides = array<i32>} : memref<2x64x256xf32, #tpu.memory_space<vmem>>, vector<1x1x16xf32>,
        %get3A_654 = arith.constant 1 : i32
        %get3A_655 = arith.index_cast %get3A_654 : i32 to index
        %get3A_656 = arith.index_cast %scan3A_485 : i32 to index
        %get3A_657 = arith.constant 192 : index
        %get3A_658 = tpu.vector_load %arg4[%get3A_655, %get3A_656, %get3A_657] {strides = array<i32>} : memref<2x64x256xf32, #tpu.memory_space<vmem>>, vector<1x1x16xf32>,
        %get3A_659 = vector.shape_cast %get3A_658 : vector<1x1x16xf32> to vector<16xf32>
        %add3A_660 = arith.addf %add3A_434, %get3A_659 : vector<16xf32>
        %swap3A_661 = arith.constant 1 : i32
        %swap3A_662 = arith.index_cast %swap3A_661 : i32 to index
        %swap3A_663 = arith.index_cast %scan3A_485 : i32 to index
        %swap3A_664 = arith.constant 192 : index
        %swap3A_665 = tpu.vector_load %arg5[%swap3A_662, %swap3A_663, %swap3A_664] {strides = array<i32>} : memref<2x64x256xf32, #tpu.memory_space<vmem>>, vector<1x1x16xf32>,
        %swap3A_666 = vector.shape_cast %swap3A_665 : vector<1x1x16xf32> to vector<16xf32>
        %swap3A_667 = vector.shape_cast %add3A_660 : vector<16xf32> to vector<1x1x16xf32>
        tpu.vector_store %arg5[%swap3A_662, %swap3A_663, %swap3A_664], %swap3A_667 {strides = array<i32>} : memref<2x64x256xf32, #tpu.memory_space<vmem>>, vector<1x1x16xf32>,
        %get3A_668 = arith.constant 1 : i32
        %get3A_669 = arith.index_cast %get3A_668 : i32 to index
        %get3A_670 = arith.index_cast %scan3A_485 : i32 to index
        %get3A_671 = arith.constant 208 : index
        %get3A_672 = tpu.vector_load %arg4[%get3A_669, %get3A_670, %get3A_671] {strides = array<i32>} : memref<2x64x256xf32, #tpu.memory_space<vmem>>, vector<1x1x16xf32>,
        %get3A_673 = vector.shape_cast %get3A_672 : vector<1x1x16xf32> to vector<16xf32>
        %add3A_674 = arith.addf %add3A_448, %get3A_673 : vector<16xf32>
        %swap3A_675 = arith.constant 1 : i32
        %swap3A_676 = arith.index_cast %swap3A_675 : i32 to index
        %swap3A_677 = arith.index_cast %scan3A_485 : i32 to index
        %swap3A_678 = arith.constant 208 : index
        %swap3A_679 = tpu.vector_load %arg5[%swap3A_676, %swap3A_677, %swap3A_678] {strides = array<i32>} : memref<2x64x256xf32, #tpu.memory_space<vmem>>, vector<1x1x16xf32>,
        %swap3A_680 = vector.shape_cast %swap3A_679 : vector<1x1x16xf32> to vector<16xf32>
        %swap3A_681 = vector.shape_cast %add3A_674 : vector<16xf32> to vector<1x1x16xf32>
        tpu.vector_store %arg5[%swap3A_676, %swap3A_677, %swap3A_678], %swap3A_681 {strides = array<i32>} : memref<2x64x256xf32, #tpu.memory_space<vmem>>, vector<1x1x16xf32>,
        %get3A_682 = arith.constant 1 : i32
        %get3A_683 = arith.index_cast %get3A_682 : i32 to index
        %get3A_684 = arith.index_cast %scan3A_485 : i32 to index
        %get3A_685 = arith.constant 224 : index
        %get3A_686 = tpu.vector_load %arg4[%get3A_683, %get3A_684, %get3A_685] {strides = array<i32>} : memref<2x64x256xf32, #tpu.memory_space<vmem>>, vector<1x1x16xf32>,
        %get3A_687 = vector.shape_cast %get3A_686 : vector<1x1x16xf32> to vector<16xf32>
        %add3A_688 = arith.addf %add3A_462, %get3A_687 : vector<16xf32>
        %swap3A_689 = arith.constant 1 : i32
        %swap3A_690 = arith.index_cast %swap3A_689 : i32 to index
        %swap3A_691 = arith.index_cast %scan3A_485 : i32 to index
        %swap3A_692 = arith.constant 224 : index
        %swap3A_693 = tpu.vector_load %arg5[%swap3A_690, %swap3A_691, %swap3A_692] {strides = array<i32>} : memref<2x64x256xf32, #tpu.memory_space<vmem>>, vector<1x1x16xf32>,
        %swap3A_694 = vector.shape_cast %swap3A_693 : vector<1x1x16xf32> to vector<16xf32>
        %swap3A_695 = vector.shape_cast %add3A_688 : vector<16xf32> to vector<1x1x16xf32>
        tpu.vector_store %arg5[%swap3A_690, %swap3A_691, %swap3A_692], %swap3A_695 {strides = array<i32>} : memref<2x64x256xf32, #tpu.memory_space<vmem>>, vector<1x1x16xf32>,
        %get3A_696 = arith.constant 1 : i32
        %get3A_697 = arith.index_cast %get3A_696 : i32 to index
        %get3A_698 = arith.index_cast %scan3A_485 : i32 to index
        %get3A_699 = arith.constant 240 : index
        %get3A_700 = tpu.vector_load %arg4[%get3A_697, %get3A_698, %get3A_699] {strides = array<i32>} : memref<2x64x256xf32, #tpu.memory_space<vmem>>, vector<1x1x16xf32>,
        %get3A_701 = vector.shape_cast %get3A_700 : vector<1x1x16xf32> to vector<16xf32>
        %add3A_702 = arith.addf %add3A_476, %get3A_701 : vector<16xf32>
        %swap3A_703 = arith.constant 1 : i32
        %swap3A_704 = arith.index_cast %swap3A_703 : i32 to index
        %swap3A_705 = arith.index_cast %scan3A_485 : i32 to index
        %swap3A_706 = arith.constant 240 : index
        %swap3A_707 = tpu.vector_load %arg5[%swap3A_704, %swap3A_705, %swap3A_706] {strides = array<i32>} : memref<2x64x256xf32, #tpu.memory_space<vmem>>, vector<1x1x16xf32>,
        %swap3A_708 = vector.shape_cast %swap3A_707 : vector<1x1x16xf32> to vector<16xf32>
        %swap3A_709 = vector.shape_cast %add3A_702 : vector<16xf32> to vector<1x1x16xf32>
        tpu.vector_store %arg5[%swap3A_704, %swap3A_705, %swap3A_706], %swap3A_709 {strides = array<i32>} : memref<2x64x256xf32, #tpu.memory_space<vmem>>, vector<1x1x16xf32>,
        %scan3A_710 = arith.constant 2 : i32
        %scan3A_711 = arith.addi %scan3A_245, %scan3A_710 : i32
        %get3A_712 = arith.constant 1 : i32
        %get3A_713 = arith.index_cast %get3A_712 : i32 to index
        %get3A_714 = arith.index_cast %scan3A_711 : i32 to index
        %get3A_715 = arith.constant 0 : index
        %get3A_716 = tpu.vector_load %arg4[%get3A_713, %get3A_714, %get3A_715] {strides = array<i32>} : memref<2x64x256xf32, #tpu.memory_space<vmem>>, vector<1x1x16xf32>,
        %get3A_717 = vector.shape_cast %get3A_716 : vector<1x1x16xf32> to vector<16xf32>
        %add3A_718 = arith.addf %add3A_492, %get3A_717 : vector<16xf32>
        %swap3A_719 = arith.constant 1 : i32
        %swap3A_720 = arith.index_cast %swap3A_719 : i32 to index
        %swap3A_721 = arith.index_cast %scan3A_711 : i32 to index
        %swap3A_722 = arith.constant 0 : index
        %swap3A_723 = tpu.vector_load %arg5[%swap3A_720, %swap3A_721, %swap3A_722] {strides = array<i32>} : memref<2x64x256xf32, #tpu.memory_space<vmem>>, vector<1x1x16xf32>,
        %swap3A_724 = vector.shape_cast %swap3A_723 : vector<1x1x16xf32> to vector<16xf32>
        %swap3A_725 = vector.shape_cast %add3A_718 : vector<16xf32> to vector<1x1x16xf32>
        tpu.vector_store %arg5[%swap3A_720, %swap3A_721, %swap3A_722], %swap3A_725 {strides = array<i32>} : memref<2x64x256xf32, #tpu.memory_space<vmem>>, vector<1x1x16xf32>,
        %get3A_726 = arith.constant 1 : i32
        %get3A_727 = arith.index_cast %get3A_726 : i32 to index
        %get3A_728 = arith.index_cast %scan3A_711 : i32 to index
        %get3A_729 = arith.constant 16 : index
        %get3A_730 = tpu.vector_load %arg4[%get3A_727, %get3A_728, %get3A_729] {strides = array<i32>} : memref<2x64x256xf32, #tpu.memory_space<vmem>>, vector<1x1x16xf32>,
        %get3A_731 = vector.shape_cast %get3A_730 : vector<1x1x16xf32> to vector<16xf32>
        %add3A_732 = arith.addf %add3A_506, %get3A_731 : vector<16xf32>
        %swap3A_733 = arith.constant 1 : i32
        %swap3A_734 = arith.index_cast %swap3A_733 : i32 to index
        %swap3A_735 = arith.index_cast %scan3A_711 : i32 to index
        %swap3A_736 = arith.constant 16 : index
        %swap3A_737 = tpu.vector_load %arg5[%swap3A_734, %swap3A_735, %swap3A_736] {strides = array<i32>} : memref<2x64x256xf32, #tpu.memory_space<vmem>>, vector<1x1x16xf32>,
        %swap3A_738 = vector.shape_cast %swap3A_737 : vector<1x1x16xf32> to vector<16xf32>
        %swap3A_739 = vector.shape_cast %add3A_732 : vector<16xf32> to vector<1x1x16xf32>
        tpu.vector_store %arg5[%swap3A_734, %swap3A_735, %swap3A_736], %swap3A_739 {strides = array<i32>} : memref<2x64x256xf32, #tpu.memory_space<vmem>>, vector<1x1x16xf32>,
        %get3A_740 = arith.constant 1 : i32
        %get3A_741 = arith.index_cast %get3A_740 : i32 to index
        %get3A_742 = arith.index_cast %scan3A_711 : i32 to index
        %get3A_743 = arith.constant 32 : index
        %get3A_744 = tpu.vector_load %arg4[%get3A_741, %get3A_742, %get3A_743] {strides = array<i32>} : memref<2x64x256xf32, #tpu.memory_space<vmem>>, vector<1x1x16xf32>,
        %get3A_745 = vector.shape_cast %get3A_744 : vector<1x1x16xf32> to vector<16xf32>
        %add3A_746 = arith.addf %add3A_520, %get3A_745 : vector<16xf32>
        %swap3A_747 = arith.constant 1 : i32
        %swap3A_748 = arith.index_cast %swap3A_747 : i32 to index
        %swap3A_749 = arith.index_cast %scan3A_711 : i32 to index
        %swap3A_750 = arith.constant 32 : index
        %swap3A_751 = tpu.vector_load %arg5[%swap3A_748, %swap3A_749, %swap3A_750] {strides = array<i32>} : memref<2x64x256xf32, #tpu.memory_space<vmem>>, vector<1x1x16xf32>,
        %swap3A_752 = vector.shape_cast %swap3A_751 : vector<1x1x16xf32> to vector<16xf32>
        %swap3A_753 = vector.shape_cast %add3A_746 : vector<16xf32> to vector<1x1x16xf32>
        tpu.vector_store %arg5[%swap3A_748, %swap3A_749, %swap3A_750], %swap3A_753 {strides = array<i32>} : memref<2x64x256xf32, #tpu.memory_space<vmem>>, vector<1x1x16xf32>,
        %get3A_754 = arith.constant 1 : i32
        %get3A_755 = arith.index_cast %get3A_754 : i32 to index
        %get3A_756 = arith.index_cast %scan3A_711 : i32 to index
        %get3A_757 = arith.constant 48 : index
        %get3A_758 = tpu.vector_load %arg4[%get3A_755, %get3A_756, %get3A_757] {strides = array<i32>} : memref<2x64x256xf32, #tpu.memory_space<vmem>>, vector<1x1x16xf32>,
        %get3A_759 = vector.shape_cast %get3A_758 : vector<1x1x16xf32> to vector<16xf32>
        %add3A_760 = arith.addf %add3A_534, %get3A_759 : vector<16xf32>
        %swap3A_761 = arith.constant 1 : i32
        %swap3A_762 = arith.index_cast %swap3A_761 : i32 to index
        %swap3A_763 = arith.index_cast %scan3A_711 : i32 to index
        %swap3A_764 = arith.constant 48 : index
        %swap3A_765 = tpu.vector_load %arg5[%swap3A_762, %swap3A_763, %swap3A_764] {strides = array<i32>} : memref<2x64x256xf32, #tpu.memory_space<vmem>>, vector<1x1x16xf32>,
        %swap3A_766 = vector.shape_cast %swap3A_765 : vector<1x1x16xf32> to vector<16xf32>
        %swap3A_767 = vector.shape_cast %add3A_760 : vector<16xf32> to vector<1x1x16xf32>
        tpu.vector_store %arg5[%swap3A_762, %swap3A_763, %swap3A_764], %swap3A_767 {strides = array<i32>} : memref<2x64x256xf32, #tpu.memory_space<vmem>>, vector<1x1x16xf32>,
        %get3A_768 = arith.constant 1 : i32
        %get3A_769 = arith.index_cast %get3A_768 : i32 to index
        %get3A_770 = arith.index_cast %scan3A_711 : i32 to index
        %get3A_771 = arith.constant 64 : index
        %get3A_772 = tpu.vector_load %arg4[%get3A_769, %get3A_770, %get3A_771] {strides = array<i32>} : memref<2x64x256xf32, #tpu.memory_space<vmem>>, vector<1x1x16xf32>,
        %get3A_773 = vector.shape_cast %get3A_772 : vector<1x1x16xf32> to vector<16xf32>
        %add3A_774 = arith.addf %add3A_548, %get3A_773 : vector<16xf32>
        %swap3A_775 = arith.constant 1 : i32
        %swap3A_776 = arith.index_cast %swap3A_775 : i32 to index
        %swap3A_777 = arith.index_cast %scan3A_711 : i32 to index
        %swap3A_778 = arith.constant 64 : index
        %swap3A_779 = tpu.vector_load %arg5[%swap3A_776, %swap3A_777, %swap3A_778] {strides = array<i32>} : memref<2x64x256xf32, #tpu.memory_space<vmem>>, vector<1x1x16xf32>,
        %swap3A_780 = vector.shape_cast %swap3A_779 : vector<1x1x16xf32> to vector<16xf32>
        %swap3A_781 = vector.shape_cast %add3A_774 : vector<16xf32> to vector<1x1x16xf32>
        tpu.vector_store %arg5[%swap3A_776, %swap3A_777, %swap3A_778], %swap3A_781 {strides = array<i32>} : memref<2x64x256xf32, #tpu.memory_space<vmem>>, vector<1x1x16xf32>,
        %get3A_782 = arith.constant 1 : i32
        %get3A_783 = arith.index_cast %get3A_782 : i32 to index
        %get3A_784 = arith.index_cast %scan3A_711 : i32 to index
        %get3A_785 = arith.constant 80 : index
        %get3A_786 = tpu.vector_load %arg4[%get3A_783, %get3A_784, %get3A_785] {strides = array<i32>} : memref<2x64x256xf32, #tpu.memory_space<vmem>>, vector<1x1x16xf32>,
        %get3A_787 = vector.shape_cast %get3A_786 : vector<1x1x16xf32> to vector<16xf32>
        %add3A_788 = arith.addf %add3A_562, %get3A_787 : vector<16xf32>
        %swap3A_789 = arith.constant 1 : i32
        %swap3A_790 = arith.index_cast %swap3A_789 : i32 to index
        %swap3A_791 = arith.index_cast %scan3A_711 : i32 to index
        %swap3A_792 = arith.constant 80 : index
        %swap3A_793 = tpu.vector_load %arg5[%swap3A_790, %swap3A_791, %swap3A_792] {strides = array<i32>} : memref<2x64x256xf32, #tpu.memory_space<vmem>>, vector<1x1x16xf32>,
        %swap3A_794 = vector.shape_cast %swap3A_793 : vector<1x1x16xf32> to vector<16xf32>
        %swap3A_795 = vector.shape_cast %add3A_788 : vector<16xf32> to vector<1x1x16xf32>
        tpu.vector_store %arg5[%swap3A_790, %swap3A_791, %swap3A_792], %swap3A_795 {strides = array<i32>} : memref<2x64x256xf32, #tpu.memory_space<vmem>>, vector<1x1x16xf32>,
        %get3A_796 = arith.constant 1 : i32
        %get3A_797 = arith.index_cast %get3A_796 : i32 to index
        %get3A_798 = arith.index_cast %scan3A_711 : i32 to index
        %get3A_799 = arith.constant 96 : index
        %get3A_800 = tpu.vector_load %arg4[%get3A_797, %get3A_798, %get3A_799] {strides = array<i32>} : memref<2x64x256xf32, #tpu.memory_space<vmem>>, vector<1x1x16xf32>,
        %get3A_801 = vector.shape_cast %get3A_800 : vector<1x1x16xf32> to vector<16xf32>
        %add3A_802 = arith.addf %add3A_576, %get3A_801 : vector<16xf32>
        %swap3A_803 = arith.constant 1 : i32
        %swap3A_804 = arith.index_cast %swap3A_803 : i32 to index
        %swap3A_805 = arith.index_cast %scan3A_711 : i32 to index
        %swap3A_806 = arith.constant 96 : index
        %swap3A_807 = tpu.vector_load %arg5[%swap3A_804, %swap3A_805, %swap3A_806] {strides = array<i32>} : memref<2x64x256xf32, #tpu.memory_space<vmem>>, vector<1x1x16xf32>,
        %swap3A_808 = vector.shape_cast %swap3A_807 : vector<1x1x16xf32> to vector<16xf32>
        %swap3A_809 = vector.shape_cast %add3A_802 : vector<16xf32> to vector<1x1x16xf32>
        tpu.vector_store %arg5[%swap3A_804, %swap3A_805, %swap3A_806], %swap3A_809 {strides = array<i32>} : memref<2x64x256xf32, #tpu.memory_space<vmem>>, vector<1x1x16xf32>,
        %get3A_810 = arith.constant 1 : i32
        %get3A_811 = arith.index_cast %get3A_810 : i32 to index
        %get3A_812 = arith.index_cast %scan3A_711 : i32 to index
        %get3A_813 = arith.constant 112 : index
        %get3A_814 = tpu.vector_load %arg4[%get3A_811, %get3A_812, %get3A_813] {strides = array<i32>} : memref<2x64x256xf32, #tpu.memory_space<vmem>>, vector<1x1x16xf32>,
        %get3A_815 = vector.shape_cast %get3A_814 : vector<1x1x16xf32> to vector<16xf32>
        %add3A_816 = arith.addf %add3A_590, %get3A_815 : vector<16xf32>
        %swap3A_817 = arith.constant 1 : i32
        %swap3A_818 = arith.index_cast %swap3A_817 : i32 to index
        %swap3A_819 = arith.index_cast %scan3A_711 : i32 to index
        %swap3A_820 = arith.constant 112 : index
        %swap3A_821 = tpu.vector_load %arg5[%swap3A_818, %swap3A_819, %swap3A_820] {strides = array<i32>} : memref<2x64x256xf32, #tpu.memory_space<vmem>>, vector<1x1x16xf32>,
        %swap3A_822 = vector.shape_cast %swap3A_821 : vector<1x1x16xf32> to vector<16xf32>
        %swap3A_823 = vector.shape_cast %add3A_816 : vector<16xf32> to vector<1x1x16xf32>
        tpu.vector_store %arg5[%swap3A_818, %swap3A_819, %swap3A_820], %swap3A_823 {strides = array<i32>} : memref<2x64x256xf32, #tpu.memory_space<vmem>>, vector<1x1x16xf32>,
        %get3A_824 = arith.constant 1 : i32
        %get3A_825 = arith.index_cast %get3A_824 : i32 to index
        %get3A_826 = arith.index_cast %scan3A_711 : i32 to index
        %get3A_827 = arith.constant 128 : index
        %get3A_828 = tpu.vector_load %arg4[%get3A_825, %get3A_826, %get3A_827] {strides = array<i32>} : memref<2x64x256xf32, #tpu.memory_space<vmem>>, vector<1x1x16xf32>,
        %get3A_829 = vector.shape_cast %get3A_828 : vector<1x1x16xf32> to vector<16xf32>
        %add3A_830 = arith.addf %add3A_604, %get3A_829 : vector<16xf32>
        %swap3A_831 = arith.constant 1 : i32
        %swap3A_832 = arith.index_cast %swap3A_831 : i32 to index
        %swap3A_833 = arith.index_cast %scan3A_711 : i32 to index
        %swap3A_834 = arith.constant 128 : index
        %swap3A_835 = tpu.vector_load %arg5[%swap3A_832, %swap3A_833, %swap3A_834] {strides = array<i32>} : memref<2x64x256xf32, #tpu.memory_space<vmem>>, vector<1x1x16xf32>,
        %swap3A_836 = vector.shape_cast %swap3A_835 : vector<1x1x16xf32> to vector<16xf32>
        %swap3A_837 = vector.shape_cast %add3A_830 : vector<16xf32> to vector<1x1x16xf32>
        tpu.vector_store %arg5[%swap3A_832, %swap3A_833, %swap3A_834], %swap3A_837 {strides = array<i32>} : memref<2x64x256xf32, #tpu.memory_space<vmem>>, vector<1x1x16xf32>,
        %get3A_838 = arith.constant 1 : i32
        %get3A_839 = arith.index_cast %get3A_838 : i32 to index
        %get3A_840 = arith.index_cast %scan3A_711 : i32 to index
        %get3A_841 = arith.constant 144 : index
        %get3A_842 = tpu.vector_load %arg4[%get3A_839, %get3A_840, %get3A_841] {strides = array<i32>} : memref<2x64x256xf32, #tpu.memory_space<vmem>>, vector<1x1x16xf32>,
        %get3A_843 = vector.shape_cast %get3A_842 : vector<1x1x16xf32> to vector<16xf32>
        %add3A_844 = arith.addf %add3A_618, %get3A_843 : vector<16xf32>
        %swap3A_845 = arith.constant 1 : i32
        %swap3A_846 = arith.index_cast %swap3A_845 : i32 to index
        %swap3A_847 = arith.index_cast %scan3A_711 : i32 to index
        %swap3A_848 = arith.constant 144 : index
        %swap3A_849 = tpu.vector_load %arg5[%swap3A_846, %swap3A_847, %swap3A_848] {strides = array<i32>} : memref<2x64x256xf32, #tpu.memory_space<vmem>>, vector<1x1x16xf32>,
        %swap3A_850 = vector.shape_cast %swap3A_849 : vector<1x1x16xf32> to vector<16xf32>
        %swap3A_851 = vector.shape_cast %add3A_844 : vector<16xf32> to vector<1x1x16xf32>
        tpu.vector_store %arg5[%swap3A_846, %swap3A_847, %swap3A_848], %swap3A_851 {strides = array<i32>} : memref<2x64x256xf32, #tpu.memory_space<vmem>>, vector<1x1x16xf32>,
        %get3A_852 = arith.constant 1 : i32
        %get3A_853 = arith.index_cast %get3A_852 : i32 to index
        %get3A_854 = arith.index_cast %scan3A_711 : i32 to index
        %get3A_855 = arith.constant 160 : index
        %get3A_856 = tpu.vector_load %arg4[%get3A_853, %get3A_854, %get3A_855] {strides = array<i32>} : memref<2x64x256xf32, #tpu.memory_space<vmem>>, vector<1x1x16xf32>,
        %get3A_857 = vector.shape_cast %get3A_856 : vector<1x1x16xf32> to vector<16xf32>
        %add3A_858 = arith.addf %add3A_632, %get3A_857 : vector<16xf32>
        %swap3A_859 = arith.constant 1 : i32
        %swap3A_860 = arith.index_cast %swap3A_859 : i32 to index
        %swap3A_861 = arith.index_cast %scan3A_711 : i32 to index
        %swap3A_862 = arith.constant 160 : index
        %swap3A_863 = tpu.vector_load %arg5[%swap3A_860, %swap3A_861, %swap3A_862] {strides = array<i32>} : memref<2x64x256xf32, #tpu.memory_space<vmem>>, vector<1x1x16xf32>,
        %swap3A_864 = vector.shape_cast %swap3A_863 : vector<1x1x16xf32> to vector<16xf32>
        %swap3A_865 = vector.shape_cast %add3A_858 : vector<16xf32> to vector<1x1x16xf32>
        tpu.vector_store %arg5[%swap3A_860, %swap3A_861, %swap3A_862], %swap3A_865 {strides = array<i32>} : memref<2x64x256xf32, #tpu.memory_space<vmem>>, vector<1x1x16xf32>,
        %get3A_866 = arith.constant 1 : i32
        %get3A_867 = arith.index_cast %get3A_866 : i32 to index
        %get3A_868 = arith.index_cast %scan3A_711 : i32 to index
        %get3A_869 = arith.constant 176 : index
        %get3A_870 = tpu.vector_load %arg4[%get3A_867, %get3A_868, %get3A_869] {strides = array<i32>} : memref<2x64x256xf32, #tpu.memory_space<vmem>>, vector<1x1x16xf32>,
        %get3A_871 = vector.shape_cast %get3A_870 : vector<1x1x16xf32> to vector<16xf32>
        %add3A_872 = arith.addf %add3A_646, %get3A_871 : vector<16xf32>
        %swap3A_873 = arith.constant 1 : i32
        %swap3A_874 = arith.index_cast %swap3A_873 : i32 to index
        %swap3A_875 = arith.index_cast %scan3A_711 : i32 to index
        %swap3A_876 = arith.constant 176 : index
        %swap3A_877 = tpu.vector_load %arg5[%swap3A_874, %swap3A_875, %swap3A_876] {strides = array<i32>} : memref<2x64x256xf32, #tpu.memory_space<vmem>>, vector<1x1x16xf32>,
        %swap3A_878 = vector.shape_cast %swap3A_877 : vector<1x1x16xf32> to vector<16xf32>
        %swap3A_879 = vector.shape_cast %add3A_872 : vector<16xf32> to vector<1x1x16xf32>
        tpu.vector_store %arg5[%swap3A_874, %swap3A_875, %swap3A_876], %swap3A_879 {strides = array<i32>} : memref<2x64x256xf32, #tpu.memory_space<vmem>>, vector<1x1x16xf32>,
        %get3A_880 = arith.constant 1 : i32
        %get3A_881 = arith.index_cast %get3A_880 : i32 to index
        %get3A_882 = arith.index_cast %scan3A_711 : i32 to index
        %get3A_883 = arith.constant 192 : index
        %get3A_884 = tpu.vector_load %arg4[%get3A_881, %get3A_882, %get3A_883] {strides = array<i32>} : memref<2x64x256xf32, #tpu.memory_space<vmem>>, vector<1x1x16xf32>,
        %get3A_885 = vector.shape_cast %get3A_884 : vector<1x1x16xf32> to vector<16xf32>
        %add3A_886 = arith.addf %add3A_660, %get3A_885 : vector<16xf32>
        %swap3A_887 = arith.constant 1 : i32
        %swap3A_888 = arith.index_cast %swap3A_887 : i32 to index
        %swap3A_889 = arith.index_cast %scan3A_711 : i32 to index
        %swap3A_890 = arith.constant 192 : index
        %swap3A_891 = tpu.vector_load %arg5[%swap3A_888, %swap3A_889, %swap3A_890] {strides = array<i32>} : memref<2x64x256xf32, #tpu.memory_space<vmem>>, vector<1x1x16xf32>,
        %swap3A_892 = vector.shape_cast %swap3A_891 : vector<1x1x16xf32> to vector<16xf32>
        %swap3A_893 = vector.shape_cast %add3A_886 : vector<16xf32> to vector<1x1x16xf32>
        tpu.vector_store %arg5[%swap3A_888, %swap3A_889, %swap3A_890], %swap3A_893 {strides = array<i32>} : memref<2x64x256xf32, #tpu.memory_space<vmem>>, vector<1x1x16xf32>,
        %get3A_894 = arith.constant 1 : i32
        %get3A_895 = arith.index_cast %get3A_894 : i32 to index
        %get3A_896 = arith.index_cast %scan3A_711 : i32 to index
        %get3A_897 = arith.constant 208 : index
        %get3A_898 = tpu.vector_load %arg4[%get3A_895, %get3A_896, %get3A_897] {strides = array<i32>} : memref<2x64x256xf32, #tpu.memory_space<vmem>>, vector<1x1x16xf32>,
        %get3A_899 = vector.shape_cast %get3A_898 : vector<1x1x16xf32> to vector<16xf32>
        %add3A_900 = arith.addf %add3A_674, %get3A_899 : vector<16xf32>
        %swap3A_901 = arith.constant 1 : i32
        %swap3A_902 = arith.index_cast %swap3A_901 : i32 to index
        %swap3A_903 = arith.index_cast %scan3A_711 : i32 to index
        %swap3A_904 = arith.constant 208 : index
        %swap3A_905 = tpu.vector_load %arg5[%swap3A_902, %swap3A_903, %swap3A_904] {strides = array<i32>} : memref<2x64x256xf32, #tpu.memory_space<vmem>>, vector<1x1x16xf32>,
        %swap3A_906 = vector.shape_cast %swap3A_905 : vector<1x1x16xf32> to vector<16xf32>
        %swap3A_907 = vector.shape_cast %add3A_900 : vector<16xf32> to vector<1x1x16xf32>
        tpu.vector_store %arg5[%swap3A_902, %swap3A_903, %swap3A_904], %swap3A_907 {strides = array<i32>} : memref<2x64x256xf32, #tpu.memory_space<vmem>>, vector<1x1x16xf32>,
        %get3A_908 = arith.constant 1 : i32
        %get3A_909 = arith.index_cast %get3A_908 : i32 to index
        %get3A_910 = arith.index_cast %scan3A_711 : i32 to index
        %get3A_911 = arith.constant 224 : index
        %get3A_912 = tpu.vector_load %arg4[%get3A_909, %get3A_910, %get3A_911] {strides = array<i32>} : memref<2x64x256xf32, #tpu.memory_space<vmem>>, vector<1x1x16xf32>,
        %get3A_913 = vector.shape_cast %get3A_912 : vector<1x1x16xf32> to vector<16xf32>
        %add3A_914 = arith.addf %add3A_688, %get3A_913 : vector<16xf32>
        %swap3A_915 = arith.constant 1 : i32
        %swap3A_916 = arith.index_cast %swap3A_915 : i32 to index
        %swap3A_917 = arith.index_cast %scan3A_711 : i32 to index
        %swap3A_918 = arith.constant 224 : index
        %swap3A_919 = tpu.vector_load %arg5[%swap3A_916, %swap3A_917, %swap3A_918] {strides = array<i32>} : memref<2x64x256xf32, #tpu.memory_space<vmem>>, vector<1x1x16xf32>,
        %swap3A_920 = vector.shape_cast %swap3A_919 : vector<1x1x16xf32> to vector<16xf32>
        %swap3A_921 = vector.shape_cast %add3A_914 : vector<16xf32> to vector<1x1x16xf32>
        tpu.vector_store %arg5[%swap3A_916, %swap3A_917, %swap3A_918], %swap3A_921 {strides = array<i32>} : memref<2x64x256xf32, #tpu.memory_space<vmem>>, vector<1x1x16xf32>,
        %get3A_922 = arith.constant 1 : i32
        %get3A_923 = arith.index_cast %get3A_922 : i32 to index
        %get3A_924 = arith.index_cast %scan3A_711 : i32 to index
        %get3A_925 = arith.constant 240 : index
        %get3A_926 = tpu.vector_load %arg4[%get3A_923, %get3A_924, %get3A_925] {strides = array<i32>} : memref<2x64x256xf32, #tpu.memory_space<vmem>>, vector<1x1x16xf32>,
        %get3A_927 = vector.shape_cast %get3A_926 : vector<1x1x16xf32> to vector<16xf32>
        %add3A_928 = arith.addf %add3A_702, %get3A_927 : vector<16xf32>
        %swap3A_929 = arith.constant 1 : i32
        %swap3A_930 = arith.index_cast %swap3A_929 : i32 to index
        %swap3A_931 = arith.index_cast %scan3A_711 : i32 to index
        %swap3A_932 = arith.constant 240 : index
        %swap3A_933 = tpu.vector_load %arg5[%swap3A_930, %swap3A_931, %swap3A_932] {strides = array<i32>} : memref<2x64x256xf32, #tpu.memory_space<vmem>>, vector<1x1x16xf32>,
        %swap3A_934 = vector.shape_cast %swap3A_933 : vector<1x1x16xf32> to vector<16xf32>
        %swap3A_935 = vector.shape_cast %add3A_928 : vector<16xf32> to vector<1x1x16xf32>
        tpu.vector_store %arg5[%swap3A_930, %swap3A_931, %swap3A_932], %swap3A_935 {strides = array<i32>} : memref<2x64x256xf32, #tpu.memory_space<vmem>>, vector<1x1x16xf32>,
        %scan3A_936 = arith.constant 3 : i32
        %scan3A_937 = arith.addi %scan3A_245, %scan3A_936 : i32
        %get3A_938 = arith.constant 1 : i32
        %get3A_939 = arith.index_cast %get3A_938 : i32 to index
        %get3A_940 = arith.index_cast %scan3A_937 : i32 to index
        %get3A_941 = arith.constant 0 : index
        %get3A_942 = tpu.vector_load %arg4[%get3A_939, %get3A_940, %get3A_941] {strides = array<i32>} : memref<2x64x256xf32, #tpu.memory_space<vmem>>, vector<1x1x16xf32>,
        %get3A_943 = vector.shape_cast %get3A_942 : vector<1x1x16xf32> to vector<16xf32>
        %add3A_944 = arith.addf %add3A_718, %get3A_943 : vector<16xf32>
        %swap3A_945 = arith.constant 1 : i32
        %swap3A_946 = arith.index_cast %swap3A_945 : i32 to index
        %swap3A_947 = arith.index_cast %scan3A_937 : i32 to index
        %swap3A_948 = arith.constant 0 : index
        %swap3A_949 = tpu.vector_load %arg5[%swap3A_946, %swap3A_947, %swap3A_948] {strides = array<i32>} : memref<2x64x256xf32, #tpu.memory_space<vmem>>, vector<1x1x16xf32>,
        %swap3A_950 = vector.shape_cast %swap3A_949 : vector<1x1x16xf32> to vector<16xf32>
        %swap3A_951 = vector.shape_cast %add3A_944 : vector<16xf32> to vector<1x1x16xf32>
        tpu.vector_store %arg5[%swap3A_946, %swap3A_947, %swap3A_948], %swap3A_951 {strides = array<i32>} : memref<2x64x256xf32, #tpu.memory_space<vmem>>, vector<1x1x16xf32>,
        %get3A_952 = arith.constant 1 : i32
        %get3A_953 = arith.index_cast %get3A_952 : i32 to index
        %get3A_954 = arith.index_cast %scan3A_937 : i32 to index
        %get3A_955 = arith.constant 16 : index
        %get3A_956 = tpu.vector_load %arg4[%get3A_953, %get3A_954, %get3A_955] {strides = array<i32>} : memref<2x64x256xf32, #tpu.memory_space<vmem>>, vector<1x1x16xf32>,
        %get3A_957 = vector.shape_cast %get3A_956 : vector<1x1x16xf32> to vector<16xf32>
        %add3A_958 = arith.addf %add3A_732, %get3A_957 : vector<16xf32>
        %swap3A_959 = arith.constant 1 : i32
        %swap3A_960 = arith.index_cast %swap3A_959 : i32 to index
        %swap3A_961 = arith.index_cast %scan3A_937 : i32 to index
        %swap3A_962 = arith.constant 16 : index
        %swap3A_963 = tpu.vector_load %arg5[%swap3A_960, %swap3A_961, %swap3A_962] {strides = array<i32>} : memref<2x64x256xf32, #tpu.memory_space<vmem>>, vector<1x1x16xf32>,
        %swap3A_964 = vector.shape_cast %swap3A_963 : vector<1x1x16xf32> to vector<16xf32>
        %swap3A_965 = vector.shape_cast %add3A_958 : vector<16xf32> to vector<1x1x16xf32>
        tpu.vector_store %arg5[%swap3A_960, %swap3A_961, %swap3A_962], %swap3A_965 {strides = array<i32>} : memref<2x64x256xf32, #tpu.memory_space<vmem>>, vector<1x1x16xf32>,
        %get3A_966 = arith.constant 1 : i32
        %get3A_967 = arith.index_cast %get3A_966 : i32 to index
        %get3A_968 = arith.index_cast %scan3A_937 : i32 to index
        %get3A_969 = arith.constant 32 : index
        %get3A_970 = tpu.vector_load %arg4[%get3A_967, %get3A_968, %get3A_969] {strides = array<i32>} : memref<2x64x256xf32, #tpu.memory_space<vmem>>, vector<1x1x16xf32>,
        %get3A_971 = vector.shape_cast %get3A_970 : vector<1x1x16xf32> to vector<16xf32>
        %add3A_972 = arith.addf %add3A_746, %get3A_971 : vector<16xf32>
        %swap3A_973 = arith.constant 1 : i32
        %swap3A_974 = arith.index_cast %swap3A_973 : i32 to index
        %swap3A_975 = arith.index_cast %scan3A_937 : i32 to index
        %swap3A_976 = arith.constant 32 : index
        %swap3A_977 = tpu.vector_load %arg5[%swap3A_974, %swap3A_975, %swap3A_976] {strides = array<i32>} : memref<2x64x256xf32, #tpu.memory_space<vmem>>, vector<1x1x16xf32>,
        %swap3A_978 = vector.shape_cast %swap3A_977 : vector<1x1x16xf32> to vector<16xf32>
        %swap3A_979 = vector.shape_cast %add3A_972 : vector<16xf32> to vector<1x1x16xf32>
        tpu.vector_store %arg5[%swap3A_974, %swap3A_975, %swap3A_976], %swap3A_979 {strides = array<i32>} : memref<2x64x256xf32, #tpu.memory_space<vmem>>, vector<1x1x16xf32>,
        %get3A_980 = arith.constant 1 : i32
        %get3A_981 = arith.index_cast %get3A_980 : i32 to index
        %get3A_982 = arith.index_cast %scan3A_937 : i32 to index
        %get3A_983 = arith.constant 48 : index
        %get3A_984 = tpu.vector_load %arg4[%get3A_981, %get3A_982, %get3A_983] {strides = array<i32>} : memref<2x64x256xf32, #tpu.memory_space<vmem>>, vector<1x1x16xf32>,
        %get3A_985 = vector.shape_cast %get3A_984 : vector<1x1x16xf32> to vector<16xf32>
        %add3A_986 = arith.addf %add3A_760, %get3A_985 : vector<16xf32>
        %swap3A_987 = arith.constant 1 : i32
        %swap3A_988 = arith.index_cast %swap3A_987 : i32 to index
        %swap3A_989 = arith.index_cast %scan3A_937 : i32 to index
        %swap3A_990 = arith.constant 48 : index
        %swap3A_991 = tpu.vector_load %arg5[%swap3A_988, %swap3A_989, %swap3A_990] {strides = array<i32>} : memref<2x64x256xf32, #tpu.memory_space<vmem>>, vector<1x1x16xf32>,
        %swap3A_992 = vector.shape_cast %swap3A_991 : vector<1x1x16xf32> to vector<16xf32>
        %swap3A_993 = vector.shape_cast %add3A_986 : vector<16xf32> to vector<1x1x16xf32>
        tpu.vector_store %arg5[%swap3A_988, %swap3A_989, %swap3A_990], %swap3A_993 {strides = array<i32>} : memref<2x64x256xf32, #tpu.memory_space<vmem>>, vector<1x1x16xf32>,
        %get3A_994 = arith.constant 1 : i32
        %get3A_995 = arith.index_cast %get3A_994 : i32 to index
        %get3A_996 = arith.index_cast %scan3A_937 : i32 to index
        %get3A_997 = arith.constant 64 : index
        %get3A_998 = tpu.vector_load %arg4[%get3A_995, %get3A_996, %get3A_997] {strides = array<i32>} : memref<2x64x256xf32, #tpu.memory_space<vmem>>, vector<1x1x16xf32>,
        %get3A_999 = vector.shape_cast %get3A_998 : vector<1x1x16xf32> to vector<16xf32>
        %add3A_1000 = arith.addf %add3A_774, %get3A_999 : vector<16xf32>
        %swap3A_1001 = arith.constant 1 : i32
        %swap3A_1002 = arith.index_cast %swap3A_1001 : i32 to index
        %swap3A_1003 = arith.index_cast %scan3A_937 : i32 to index
        %swap3A_1004 = arith.constant 64 : index
        %swap3A_1005 = tpu.vector_load %arg5[%swap3A_1002, %swap3A_1003, %swap3A_1004] {strides = array<i32>} : memref<2x64x256xf32, #tpu.memory_space<vmem>>, vector<1x1x16xf32>,
        %swap3A_1006 = vector.shape_cast %swap3A_1005 : vector<1x1x16xf32> to vector<16xf32>
        %swap3A_1007 = vector.shape_cast %add3A_1000 : vector<16xf32> to vector<1x1x16xf32>
        tpu.vector_store %arg5[%swap3A_1002, %swap3A_1003, %swap3A_1004], %swap3A_1007 {strides = array<i32>} : memref<2x64x256xf32, #tpu.memory_space<vmem>>, vector<1x1x16xf32>,
        %get3A_1008 = arith.constant 1 : i32
        %get3A_1009 = arith.index_cast %get3A_1008 : i32 to index
        %get3A_1010 = arith.index_cast %scan3A_937 : i32 to index
        %get3A_1011 = arith.constant 80 : index
        %get3A_1012 = tpu.vector_load %arg4[%get3A_1009, %get3A_1010, %get3A_1011] {strides = array<i32>} : memref<2x64x256xf32, #tpu.memory_space<vmem>>, vector<1x1x16xf32>,
        %get3A_1013 = vector.shape_cast %get3A_1012 : vector<1x1x16xf32> to vector<16xf32>
        %add3A_1014 = arith.addf %add3A_788, %get3A_1013 : vector<16xf32>
        %swap3A_1015 = arith.constant 1 : i32
        %swap3A_1016 = arith.index_cast %swap3A_1015 : i32 to index
        %swap3A_1017 = arith.index_cast %scan3A_937 : i32 to index
        %swap3A_1018 = arith.constant 80 : index
        %swap3A_1019 = tpu.vector_load %arg5[%swap3A_1016, %swap3A_1017, %swap3A_1018] {strides = array<i32>} : memref<2x64x256xf32, #tpu.memory_space<vmem>>, vector<1x1x16xf32>,
        %swap3A_1020 = vector.shape_cast %swap3A_1019 : vector<1x1x16xf32> to vector<16xf32>
        %swap3A_1021 = vector.shape_cast %add3A_1014 : vector<16xf32> to vector<1x1x16xf32>
        tpu.vector_store %arg5[%swap3A_1016, %swap3A_1017, %swap3A_1018], %swap3A_1021 {strides = array<i32>} : memref<2x64x256xf32, #tpu.memory_space<vmem>>, vector<1x1x16xf32>,
        %get3A_1022 = arith.constant 1 : i32
        %get3A_1023 = arith.index_cast %get3A_1022 : i32 to index
        %get3A_1024 = arith.index_cast %scan3A_937 : i32 to index
        %get3A_1025 = arith.constant 96 : index
        %get3A_1026 = tpu.vector_load %arg4[%get3A_1023, %get3A_1024, %get3A_1025] {strides = array<i32>} : memref<2x64x256xf32, #tpu.memory_space<vmem>>, vector<1x1x16xf32>,
        %get3A_1027 = vector.shape_cast %get3A_1026 : vector<1x1x16xf32> to vector<16xf32>
        %add3A_1028 = arith.addf %add3A_802, %get3A_1027 : vector<16xf32>
        %swap3A_1029 = arith.constant 1 : i32
        %swap3A_1030 = arith.index_cast %swap3A_1029 : i32 to index
        %swap3A_1031 = arith.index_cast %scan3A_937 : i32 to index
        %swap3A_1032 = arith.constant 96 : index
        %swap3A_1033 = tpu.vector_load %arg5[%swap3A_1030, %swap3A_1031, %swap3A_1032] {strides = array<i32>} : memref<2x64x256xf32, #tpu.memory_space<vmem>>, vector<1x1x16xf32>,
        %swap3A_1034 = vector.shape_cast %swap3A_1033 : vector<1x1x16xf32> to vector<16xf32>
        %swap3A_1035 = vector.shape_cast %add3A_1028 : vector<16xf32> to vector<1x1x16xf32>
        tpu.vector_store %arg5[%swap3A_1030, %swap3A_1031, %swap3A_1032], %swap3A_1035 {strides = array<i32>} : memref<2x64x256xf32, #tpu.memory_space<vmem>>, vector<1x1x16xf32>,
        %get3A_1036 = arith.constant 1 : i32
        %get3A_1037 = arith.index_cast %get3A_1036 : i32 to index
        %get3A_1038 = arith.index_cast %scan3A_937 : i32 to index
        %get3A_1039 = arith.constant 112 : index
        %get3A_1040 = tpu.vector_load %arg4[%get3A_1037, %get3A_1038, %get3A_1039] {strides = array<i32>} : memref<2x64x256xf32, #tpu.memory_space<vmem>>, vector<1x1x16xf32>,
        %get3A_1041 = vector.shape_cast %get3A_1040 : vector<1x1x16xf32> to vector<16xf32>
        %add3A_1042 = arith.addf %add3A_816, %get3A_1041 : vector<16xf32>
        %swap3A_1043 = arith.constant 1 : i32
        %swap3A_1044 = arith.index_cast %swap3A_1043 : i32 to index
        %swap3A_1045 = arith.index_cast %scan3A_937 : i32 to index
        %swap3A_1046 = arith.constant 112 : index
        %swap3A_1047 = tpu.vector_load %arg5[%swap3A_1044, %swap3A_1045, %swap3A_1046] {strides = array<i32>} : memref<2x64x256xf32, #tpu.memory_space<vmem>>, vector<1x1x16xf32>,
        %swap3A_1048 = vector.shape_cast %swap3A_1047 : vector<1x1x16xf32> to vector<16xf32>
        %swap3A_1049 = vector.shape_cast %add3A_1042 : vector<16xf32> to vector<1x1x16xf32>
        tpu.vector_store %arg5[%swap3A_1044, %swap3A_1045, %swap3A_1046], %swap3A_1049 {strides = array<i32>} : memref<2x64x256xf32, #tpu.memory_space<vmem>>, vector<1x1x16xf32>,
        %get3A_1050 = arith.constant 1 : i32
        %get3A_1051 = arith.index_cast %get3A_1050 : i32 to index
        %get3A_1052 = arith.index_cast %scan3A_937 : i32 to index
        %get3A_1053 = arith.constant 128 : index
        %get3A_1054 = tpu.vector_load %arg4[%get3A_1051, %get3A_1052, %get3A_1053] {strides = array<i32>} : memref<2x64x256xf32, #tpu.memory_space<vmem>>, vector<1x1x16xf32>,
        %get3A_1055 = vector.shape_cast %get3A_1054 : vector<1x1x16xf32> to vector<16xf32>
        %add3A_1056 = arith.addf %add3A_830, %get3A_1055 : vector<16xf32>
        %swap3A_1057 = arith.constant 1 : i32
        %swap3A_1058 = arith.index_cast %swap3A_1057 : i32 to index
        %swap3A_1059 = arith.index_cast %scan3A_937 : i32 to index
        %swap3A_1060 = arith.constant 128 : index
        %swap3A_1061 = tpu.vector_load %arg5[%swap3A_1058, %swap3A_1059, %swap3A_1060] {strides = array<i32>} : memref<2x64x256xf32, #tpu.memory_space<vmem>>, vector<1x1x16xf32>,
        %swap3A_1062 = vector.shape_cast %swap3A_1061 : vector<1x1x16xf32> to vector<16xf32>
        %swap3A_1063 = vector.shape_cast %add3A_1056 : vector<16xf32> to vector<1x1x16xf32>
        tpu.vector_store %arg5[%swap3A_1058, %swap3A_1059, %swap3A_1060], %swap3A_1063 {strides = array<i32>} : memref<2x64x256xf32, #tpu.memory_space<vmem>>, vector<1x1x16xf32>,
        %get3A_1064 = arith.constant 1 : i32
        %get3A_1065 = arith.index_cast %get3A_1064 : i32 to index
        %get3A_1066 = arith.index_cast %scan3A_937 : i32 to index
        %get3A_1067 = arith.constant 144 : index
        %get3A_1068 = tpu.vector_load %arg4[%get3A_1065, %get3A_1066, %get3A_1067] {strides = array<i32>} : memref<2x64x256xf32, #tpu.memory_space<vmem>>, vector<1x1x16xf32>,
        %get3A_1069 = vector.shape_cast %get3A_1068 : vector<1x1x16xf32> to vector<16xf32>
        %add3A_1070 = arith.addf %add3A_844, %get3A_1069 : vector<16xf32>
        %swap3A_1071 = arith.constant 1 : i32
        %swap3A_1072 = arith.index_cast %swap3A_1071 : i32 to index
        %swap3A_1073 = arith.index_cast %scan3A_937 : i32 to index
        %swap3A_1074 = arith.constant 144 : index
        %swap3A_1075 = tpu.vector_load %arg5[%swap3A_1072, %swap3A_1073, %swap3A_1074] {strides = array<i32>} : memref<2x64x256xf32, #tpu.memory_space<vmem>>, vector<1x1x16xf32>,
        %swap3A_1076 = vector.shape_cast %swap3A_1075 : vector<1x1x16xf32> to vector<16xf32>
        %swap3A_1077 = vector.shape_cast %add3A_1070 : vector<16xf32> to vector<1x1x16xf32>
        tpu.vector_store %arg5[%swap3A_1072, %swap3A_1073, %swap3A_1074], %swap3A_1077 {strides = array<i32>} : memref<2x64x256xf32, #tpu.memory_space<vmem>>, vector<1x1x16xf32>,
        %get3A_1078 = arith.constant 1 : i32
        %get3A_1079 = arith.index_cast %get3A_1078 : i32 to index
        %get3A_1080 = arith.index_cast %scan3A_937 : i32 to index
        %get3A_1081 = arith.constant 160 : index
        %get3A_1082 = tpu.vector_load %arg4[%get3A_1079, %get3A_1080, %get3A_1081] {strides = array<i32>} : memref<2x64x256xf32, #tpu.memory_space<vmem>>, vector<1x1x16xf32>,
        %get3A_1083 = vector.shape_cast %get3A_1082 : vector<1x1x16xf32> to vector<16xf32>
        %add3A_1084 = arith.addf %add3A_858, %get3A_1083 : vector<16xf32>
        %swap3A_1085 = arith.constant 1 : i32
        %swap3A_1086 = arith.index_cast %swap3A_1085 : i32 to index
        %swap3A_1087 = arith.index_cast %scan3A_937 : i32 to index
        %swap3A_1088 = arith.constant 160 : index
        %swap3A_1089 = tpu.vector_load %arg5[%swap3A_1086, %swap3A_1087, %swap3A_1088] {strides = array<i32>} : memref<2x64x256xf32, #tpu.memory_space<vmem>>, vector<1x1x16xf32>,
        %swap3A_1090 = vector.shape_cast %swap3A_1089 : vector<1x1x16xf32> to vector<16xf32>
        %swap3A_1091 = vector.shape_cast %add3A_1084 : vector<16xf32> to vector<1x1x16xf32>
        tpu.vector_store %arg5[%swap3A_1086, %swap3A_1087, %swap3A_1088], %swap3A_1091 {strides = array<i32>} : memref<2x64x256xf32, #tpu.memory_space<vmem>>, vector<1x1x16xf32>,
        %get3A_1092 = arith.constant 1 : i32
        %get3A_1093 = arith.index_cast %get3A_1092 : i32 to index
        %get3A_1094 = arith.index_cast %scan3A_937 : i32 to index
        %get3A_1095 = arith.constant 176 : index
        %get3A_1096 = tpu.vector_load %arg4[%get3A_1093, %get3A_1094, %get3A_1095] {strides = array<i32>} : memref<2x64x256xf32, #tpu.memory_space<vmem>>, vector<1x1x16xf32>,
        %get3A_1097 = vector.shape_cast %get3A_1096 : vector<1x1x16xf32> to vector<16xf32>
        %add3A_1098 = arith.addf %add3A_872, %get3A_1097 : vector<16xf32>
        %swap3A_1099 = arith.constant 1 : i32
        %swap3A_1100 = arith.index_cast %swap3A_1099 : i32 to index
        %swap3A_1101 = arith.index_cast %scan3A_937 : i32 to index
        %swap3A_1102 = arith.constant 176 : index
        %swap3A_1103 = tpu.vector_load %arg5[%swap3A_1100, %swap3A_1101, %swap3A_1102] {strides = array<i32>} : memref<2x64x256xf32, #tpu.memory_space<vmem>>, vector<1x1x16xf32>,
        %swap3A_1104 = vector.shape_cast %swap3A_1103 : vector<1x1x16xf32> to vector<16xf32>
        %swap3A_1105 = vector.shape_cast %add3A_1098 : vector<16xf32> to vector<1x1x16xf32>
        tpu.vector_store %arg5[%swap3A_1100, %swap3A_1101, %swap3A_1102], %swap3A_1105 {strides = array<i32>} : memref<2x64x256xf32, #tpu.memory_space<vmem>>, vector<1x1x16xf32>,
        %get3A_1106 = arith.constant 1 : i32
        %get3A_1107 = arith.index_cast %get3A_1106 : i32 to index
        %get3A_1108 = arith.index_cast %scan3A_937 : i32 to index
        %get3A_1109 = arith.constant 192 : index
        %get3A_1110 = tpu.vector_load %arg4[%get3A_1107, %get3A_1108, %get3A_1109] {strides = array<i32>} : memref<2x64x256xf32, #tpu.memory_space<vmem>>, vector<1x1x16xf32>,
        %get3A_1111 = vector.shape_cast %get3A_1110 : vector<1x1x16xf32> to vector<16xf32>
        %add3A_1112 = arith.addf %add3A_886, %get3A_1111 : vector<16xf32>
        %swap3A_1113 = arith.constant 1 : i32
        %swap3A_1114 = arith.index_cast %swap3A_1113 : i32 to index
        %swap3A_1115 = arith.index_cast %scan3A_937 : i32 to index
        %swap3A_1116 = arith.constant 192 : index
        %swap3A_1117 = tpu.vector_load %arg5[%swap3A_1114, %swap3A_1115, %swap3A_1116] {strides = array<i32>} : memref<2x64x256xf32, #tpu.memory_space<vmem>>, vector<1x1x16xf32>,
        %swap3A_1118 = vector.shape_cast %swap3A_1117 : vector<1x1x16xf32> to vector<16xf32>
        %swap3A_1119 = vector.shape_cast %add3A_1112 : vector<16xf32> to vector<1x1x16xf32>
        tpu.vector_store %arg5[%swap3A_1114, %swap3A_1115, %swap3A_1116], %swap3A_1119 {strides = array<i32>} : memref<2x64x256xf32, #tpu.memory_space<vmem>>, vector<1x1x16xf32>,
        %get3A_1120 = arith.constant 1 : i32
        %get3A_1121 = arith.index_cast %get3A_1120 : i32 to index
        %get3A_1122 = arith.index_cast %scan3A_937 : i32 to index
        %get3A_1123 = arith.constant 208 : index
        %get3A_1124 = tpu.vector_load %arg4[%get3A_1121, %get3A_1122, %get3A_1123] {strides = array<i32>} : memref<2x64x256xf32, #tpu.memory_space<vmem>>, vector<1x1x16xf32>,
        %get3A_1125 = vector.shape_cast %get3A_1124 : vector<1x1x16xf32> to vector<16xf32>
        %add3A_1126 = arith.addf %add3A_900, %get3A_1125 : vector<16xf32>
        %swap3A_1127 = arith.constant 1 : i32
        %swap3A_1128 = arith.index_cast %swap3A_1127 : i32 to index
        %swap3A_1129 = arith.index_cast %scan3A_937 : i32 to index
        %swap3A_1130 = arith.constant 208 : index
        %swap3A_1131 = tpu.vector_load %arg5[%swap3A_1128, %swap3A_1129, %swap3A_1130] {strides = array<i32>} : memref<2x64x256xf32, #tpu.memory_space<vmem>>, vector<1x1x16xf32>,
        %swap3A_1132 = vector.shape_cast %swap3A_1131 : vector<1x1x16xf32> to vector<16xf32>
        %swap3A_1133 = vector.shape_cast %add3A_1126 : vector<16xf32> to vector<1x1x16xf32>
        tpu.vector_store %arg5[%swap3A_1128, %swap3A_1129, %swap3A_1130], %swap3A_1133 {strides = array<i32>} : memref<2x64x256xf32, #tpu.memory_space<vmem>>, vector<1x1x16xf32>,
        %get3A_1134 = arith.constant 1 : i32
        %get3A_1135 = arith.index_cast %get3A_1134 : i32 to index
        %get3A_1136 = arith.index_cast %scan3A_937 : i32 to index
        %get3A_1137 = arith.constant 224 : index
        %get3A_1138 = tpu.vector_load %arg4[%get3A_1135, %get3A_1136, %get3A_1137] {strides = array<i32>} : memref<2x64x256xf32, #tpu.memory_space<vmem>>, vector<1x1x16xf32>,
        %get3A_1139 = vector.shape_cast %get3A_1138 : vector<1x1x16xf32> to vector<16xf32>
        %add3A_1140 = arith.addf %add3A_914, %get3A_1139 : vector<16xf32>
        %swap3A_1141 = arith.constant 1 : i32
        %swap3A_1142 = arith.index_cast %swap3A_1141 : i32 to index
        %swap3A_1143 = arith.index_cast %scan3A_937 : i32 to index
        %swap3A_1144 = arith.constant 224 : index
        %swap3A_1145 = tpu.vector_load %arg5[%swap3A_1142, %swap3A_1143, %swap3A_1144] {strides = array<i32>} : memref<2x64x256xf32, #tpu.memory_space<vmem>>, vector<1x1x16xf32>,
        %swap3A_1146 = vector.shape_cast %swap3A_1145 : vector<1x1x16xf32> to vector<16xf32>
        %swap3A_1147 = vector.shape_cast %add3A_1140 : vector<16xf32> to vector<1x1x16xf32>
        tpu.vector_store %arg5[%swap3A_1142, %swap3A_1143, %swap3A_1144], %swap3A_1147 {strides = array<i32>} : memref<2x64x256xf32, #tpu.memory_space<vmem>>, vector<1x1x16xf32>,
        %get3A_1148 = arith.constant 1 : i32
        %get3A_1149 = arith.index_cast %get3A_1148 : i32 to index
        %get3A_1150 = arith.index_cast %scan3A_937 : i32 to index
        %get3A_1151 = arith.constant 240 : index
        %get3A_1152 = tpu.vector_load %arg4[%get3A_1149, %get3A_1150, %get3A_1151] {strides = array<i32>} : memref<2x64x256xf32, #tpu.memory_space<vmem>>, vector<1x1x16xf32>,
        %get3A_1153 = vector.shape_cast %get3A_1152 : vector<1x1x16xf32> to vector<16xf32>
        %add3A_1154 = arith.addf %add3A_928, %get3A_1153 : vector<16xf32>
        %swap3A_1155 = arith.constant 1 : i32
        %swap3A_1156 = arith.index_cast %swap3A_1155 : i32 to index
        %swap3A_1157 = arith.index_cast %scan3A_937 : i32 to index
        %swap3A_1158 = arith.constant 240 : index
        %swap3A_1159 = tpu.vector_load %arg5[%swap3A_1156, %swap3A_1157, %swap3A_1158] {strides = array<i32>} : memref<2x64x256xf32, #tpu.memory_space<vmem>>, vector<1x1x16xf32>,
        %swap3A_1160 = vector.shape_cast %swap3A_1159 : vector<1x1x16xf32> to vector<16xf32>
        %swap3A_1161 = vector.shape_cast %add3A_1154 : vector<16xf32> to vector<1x1x16xf32>
        tpu.vector_store %arg5[%swap3A_1156, %swap3A_1157, %swap3A_1158], %swap3A_1161 {strides = array<i32>} : memref<2x64x256xf32, #tpu.memory_space<vmem>>, vector<1x1x16xf32>,
        scf.yield %add3A_944, %add3A_958, %add3A_972, %add3A_986, %add3A_1000, %add3A_1014, %add3A_1028, %add3A_1042, %add3A_1056, %add3A_1070, %add3A_1084, %add3A_1098, %add3A_1112, %add3A_1126, %add3A_1140, %add3A_1154 : vector<16xf32>, vector<16xf32>, vector<16xf32>, vector<16xf32>, vector<16xf32>, vector<16xf32>, vector<16xf32>, vector<16xf32>, vector<16xf32>, vector<16xf32>, vector<16xf32>, vector<16xf32>, vector<16xf32>, vector<16xf32>, vector<16xf32>, vector<16xf32>
      }
      %scan3A_222 = arith.constant 64 : i32
      %mul3A_223 = arith.constant 64 : i32
      %mul3A_224 = arith.muli %add3A_196, %mul3A_223 : i32
      %dma_start3A_225 = arith.constant 1 : i32
      %dma_start3A_226 = arith.constant 0 : i32
      %dma_start3A_227 = arith.constant 0 : i32
      %dma_start3A_228 = tpu.memref_slice %arg5[%dma_start3A_225, %dma_start3A_226, %dma_start3A_227] : memref<2x64x256xf32, #tpu.memory_space<vmem>> -> memref<1x64x256xf32, #tpu.memory_space<vmem>>
      %dma_start3A_229 = tpu.memref_squeeze %dma_start3A_228 : memref<1x64x256xf32, #tpu.memory_space<vmem>> -> memref<64x256xf32, #tpu.memory_space<vmem>>
      %dma_start3A_230 = tpu.memref_slice %arg3[%select_n3A, %mul3A_224, %mul3A_32] : memref<4x8192x2048xf32, #tpu.memory_space<hbm>> -> memref<1x64x256xf32, #tpu.memory_space<hbm>>
      %dma_start3A_231 = tpu.memref_squeeze %dma_start3A_230 : memref<1x64x256xf32, #tpu.memory_space<hbm>> -> memref<64x256xf32, #tpu.memory_space<hbm>>
      %dma_start3A_232 = tpu.memref_slice %arg3[%select_n3A, %mul3A_224, %mul3A_32] : memref<4x8192x2048xf32, #tpu.memory_space<hbm>> -> memref<1x64x256xf32, #tpu.memory_space<hbm>>
      %dma_start3A_233 = tpu.memref_squeeze %dma_start3A_232 : memref<1x64x256xf32, #tpu.memory_space<hbm>> -> memref<64x256xf32, #tpu.memory_space<hbm>>
      %dma_start3A_234 = arith.constant 0 : i32
      %dma_start3A_235 = arith.constant 0 : i32
      %dma_start3A_236 = tpu.memref_slice %arg5[%dma_start3A_225, %dma_start3A_234, %dma_start3A_235] : memref<2x64x256xf32, #tpu.memory_space<vmem>> -> memref<1x64x256xf32, #tpu.memory_space<vmem>>
      %dma_start3A_237 = tpu.memref_squeeze %dma_start3A_236 : memref<1x64x256xf32, #tpu.memory_space<vmem>> -> memref<64x256xf32, #tpu.memory_space<vmem>>
      tpu.enqueue_dma source(%dma_start3A_237 : memref<64x256xf32, #tpu.memory_space<vmem>>) target(%dma_start3A_233 : memref<64x256xf32, #tpu.memory_space<hbm>>) target_semaphore(%arg9 : memref<!tpu.dma_semaphore, #tpu.memory_space<semaphore_mem>>)
      %add3A_238 = arith.constant 1 : i32
      %add3A_239 = arith.addi %scan3A_127, %add3A_238 : i32
      %lt3A_240 = arith.constant 64 : i32
      %lt3A_241 = arith.cmpi slt, %add3A_239, %lt3A_240 : i32
      %convert_element_type3A_242 = arith.extui %lt3A_241 : i1 to i32
      %cond3A_243 = arith.constant 0 : i32
      %cond3A_244 = arith.cmpi ne, %convert_element_type3A_242, %cond3A_243 : i32
      scf.if %cond3A_244 {
        %add3A_245 = arith.constant 2 : i32
        %add3A_246 = arith.addi %add3A_196, %add3A_245 : i32
        %mul3A_247 = arith.constant 64 : i32
        %mul3A_248 = arith.muli %add3A_246, %mul3A_247 : i32
        %dma_start3A_249 = arith.constant 1 : i32
        %dma_start3A_250 = arith.constant 0 : i32
        %dma_start3A_251 = arith.constant 0 : i32
        %dma_start3A_252 = tpu.memref_slice %arg4[%dma_start3A_249, %dma_start3A_250, %dma_start3A_251] : memref<2x64x256xf32, #tpu.memory_space<vmem>> -> memref<1x64x256xf32, #tpu.memory_space<vmem>>
        %dma_start3A_253 = tpu.memref_squeeze %dma_start3A_252 : memref<1x64x256xf32, #tpu.memory_space<vmem>> -> memref<64x256xf32, #tpu.memory_space<vmem>>
        %dma_start3A_254 = tpu.memref_slice %arg2[%select_n3A, %mul3A_248, %mul3A_32] : memref<4x8192x2048xf32, #tpu.memory_space<hbm>> -> memref<1x64x256xf32, #tpu.memory_space<hbm>>
        %dma_start3A_255 = tpu.memref_squeeze %dma_start3A_254 : memref<1x64x256xf32, #tpu.memory_space<hbm>> -> memref<64x256xf32, #tpu.memory_space<hbm>>
        %dma_start3A_256 = arith.constant 0 : i32
        %dma_start3A_257 = arith.constant 0 : i32
        %dma_start3A_258 = tpu.memref_slice %arg4[%dma_start3A_249, %dma_start3A_256, %dma_start3A_257] : memref<2x64x256xf32, #tpu.memory_space<vmem>> -> memref<1x64x256xf32, #tpu.memory_space<vmem>>
        %dma_start3A_259 = tpu.memref_squeeze %dma_start3A_258 : memref<1x64x256xf32, #tpu.memory_space<vmem>> -> memref<64x256xf32, #tpu.memory_space<vmem>>
        %dma_start3A_260 = tpu.memref_slice %arg2[%select_n3A, %mul3A_248, %mul3A_32] : memref<4x8192x2048xf32, #tpu.memory_space<hbm>> -> memref<1x64x256xf32, #tpu.memory_space<hbm>>
        %dma_start3A_261 = tpu.memref_squeeze %dma_start3A_260 : memref<1x64x256xf32, #tpu.memory_space<hbm>> -> memref<64x256xf32, #tpu.memory_space<hbm>>
        tpu.enqueue_dma source(%dma_start3A_261 : memref<64x256xf32, #tpu.memory_space<hbm>>) target(%dma_start3A_259 : memref<64x256xf32, #tpu.memory_space<vmem>>) target_semaphore(%arg7 : memref<!tpu.dma_semaphore, #tpu.memory_space<semaphore_mem>>)
      } else {
      }
      scf.yield %scan3A_221#0, %scan3A_221#1, %scan3A_221#2, %scan3A_221#3, %scan3A_221#4, %scan3A_221#5, %scan3A_221#6, %scan3A_221#7, %scan3A_221#8, %scan3A_221#9, %scan3A_221#10, %scan3A_221#11, %scan3A_221#12, %scan3A_221#13, %scan3A_221#14, %scan3A_221#15 : vector<16xf32>, vector<16xf32>, vector<16xf32>, vector<16xf32>, vector<16xf32>, vector<16xf32>, vector<16xf32>, vector<16xf32>, vector<16xf32>, vector<16xf32>, vector<16xf32>, vector<16xf32>, vector<16xf32>, vector<16xf32>, vector<16xf32>, vector<16xf32>
    }
    %scan3A_97 = arith.constant 64 : i32
    %dma_wait3A = arith.constant 0 : i32
    %dma_wait3A_98 = arith.constant 0 : i32
    %dma_wait3A_99 = arith.constant 0 : i32
    %dma_wait3A_100 = tpu.memref_slice %arg5[%dma_wait3A, %dma_wait3A_98, %dma_wait3A_99] : memref<2x64x256xf32, #tpu.memory_space<vmem>> -> memref<1x64x256xf32, #tpu.memory_space<vmem>>
    %dma_wait3A_101 = tpu.memref_squeeze %dma_wait3A_100 : memref<1x64x256xf32, #tpu.memory_space<vmem>> -> memref<64x256xf32, #tpu.memory_space<vmem>>
    %dma_wait3A_102 = arith.constant 8064 : i32
    %dma_wait3A_103 = tpu.memref_slice %arg3[%select_n3A, %dma_wait3A_102, %mul3A_32] : memref<4x8192x2048xf32, #tpu.memory_space<hbm>> -> memref<1x64x256xf32, #tpu.memory_space<hbm>>
    %dma_wait3A_104 = tpu.memref_squeeze %dma_wait3A_103 : memref<1x64x256xf32, #tpu.memory_space<hbm>> -> memref<64x256xf32, #tpu.memory_space<hbm>>
    %dma_wait3A_105 = arith.constant 8064 : i32
    %dma_wait3A_106 = tpu.memref_slice %arg3[%select_n3A, %dma_wait3A_105, %mul3A_32] : memref<4x8192x2048xf32, #tpu.memory_space<hbm>> -> memref<1x64x256xf32, #tpu.memory_space<hbm>>
    %dma_wait3A_107 = tpu.memref_squeeze %dma_wait3A_106 : memref<1x64x256xf32, #tpu.memory_space<hbm>> -> memref<64x256xf32, #tpu.memory_space<hbm>>
    %dma_wait3A_108 = arith.constant 0 : i32
    %dma_wait3A_109 = arith.constant 0 : i32
    %dma_wait3A_110 = tpu.memref_slice %arg5[%dma_wait3A, %dma_wait3A_108, %dma_wait3A_109] : memref<2x64x256xf32, #tpu.memory_space<vmem>> -> memref<1x64x256xf32, #tpu.memory_space<vmem>>
    %dma_wait3A_111 = tpu.memref_squeeze %dma_wait3A_110 : memref<1x64x256xf32, #tpu.memory_space<vmem>> -> memref<64x256xf32, #tpu.memory_space<vmem>>
    tpu.wait_dma2 semaphore(%arg8 : memref<!tpu.dma_semaphore, #tpu.memory_space<semaphore_mem>>) src(%dma_wait3A_111 : memref<64x256xf32, #tpu.memory_space<vmem>>) dst(%dma_wait3A_107 : memref<64x256xf32, #tpu.memory_space<hbm>>)
    %dma_wait3A_112 = arith.constant 1 : i32
    %dma_wait3A_113 = arith.constant 0 : i32
    %dma_wait3A_114 = arith.constant 0 : i32
    %dma_wait3A_115 = tpu.memref_slice %arg5[%dma_wait3A_112, %dma_wait3A_113, %dma_wait3A_114] : memref<2x64x256xf32, #tpu.memory_space<vmem>> -> memref<1x64x256xf32, #tpu.memory_space<vmem>>
    %dma_wait3A_116 = tpu.memref_squeeze %dma_wait3A_115 : memref<1x64x256xf32, #tpu.memory_space<vmem>> -> memref<64x256xf32, #tpu.memory_space<vmem>>
    %dma_wait3A_117 = arith.constant 8128 : i32
    %dma_wait3A_118 = tpu.memref_slice %arg3[%select_n3A, %dma_wait3A_117, %mul3A_32] : memref<4x8192x2048xf32, #tpu.memory_space<hbm>> -> memref<1x64x256xf32, #tpu.memory_space<hbm>>
    %dma_wait3A_119 = tpu.memref_squeeze %dma_wait3A_118 : memref<1x64x256xf32, #tpu.memory_space<hbm>> -> memref<64x256xf32, #tpu.memory_space<hbm>>
    %dma_wait3A_120 = arith.constant 8128 : i32
    %dma_wait3A_121 = tpu.memref_slice %arg3[%select_n3A, %dma_wait3A_120, %mul3A_32] : memref<4x8192x2048xf32, #tpu.memory_space<hbm>> -> memref<1x64x256xf32, #tpu.memory_space<hbm>>
    %dma_wait3A_122 = tpu.memref_squeeze %dma_wait3A_121 : memref<1x64x256xf32, #tpu.memory_space<hbm>> -> memref<64x256xf32, #tpu.memory_space<hbm>>
    %dma_wait3A_123 = arith.constant 0 : i32
    %dma_wait3A_124 = arith.constant 0 : i32
    %dma_wait3A_125 = tpu.memref_slice %arg5[%dma_wait3A_112, %dma_wait3A_123, %dma_wait3A_124] : memref<2x64x256xf32, #tpu.memory_space<vmem>> -> memref<1x64x256xf32, #tpu.memory_space<vmem>>
    %dma_wait3A_126 = tpu.memref_squeeze %dma_wait3A_125 : memref<1x64x256xf32, #tpu.memory_space<vmem>> -> memref<64x256xf32, #tpu.memory_space<vmem>>
    tpu.wait_dma2 semaphore(%arg9 : memref<!tpu.dma_semaphore, #tpu.memory_space<semaphore_mem>>) src(%dma_wait3A_126 : memref<64x256xf32, #tpu.memory_space<vmem>>) dst(%dma_wait3A_122 : memref<64x256xf32, #tpu.memory_space<hbm>>)
    return
  }
}

</mosaic_0001>

<sc_bundles>
// kernel: kernel.3.cloned.1.call-start
scs
__scs_entry_jumppad:
0x0: {  	(pc) =	sbr.rel $0x88, $3  }
0x1: {  	(tag) =	ssettag $0x0;
	lr =	simm.s32 $0x1  }
0x2: {  	[smem:$0x3FA0] =	sst lr;
	_ =	strace $0xD0000000  }
0x3: {  	_ = 	snop  }
0x4: {  	_ = 	snop  }
0x5: {  	_ = 	snop  }
0x6: {  	_ = 	snop  }
0x7: {  	_ = 	snop  }
__scs_overlays_trampoline_lowered:
0x8: {  	[smem:$0x3FAF] =	sst s0  }
0x9: {  	[smem:$0x3FB0] =	sst s1  }
0xa: {  	[smem:$0x3FB1] =	sst s2  }
0xb: {  	[smem:$0x3FB2] =	sst s3  }
0xc: {  	[smem:$0x3FB3] =	sst s4  }
0xd: {  	[smem:$0x3FB4] =	sst s5  }
0xe: {  	[smem:$0x3FB5] =	sst s6  }
0xf: {  	[smem:$0x3FB6] =	sst s7  }
0x10: {  	[smem:$0x3FB7] =	sst s8  }
0x11: {  	[smem:$0x3FB8] =	sst s9;
	s0 =	simm.s32 @!p0 $0x0  }
0x12: {  	s1 =	sld [smem:$0x3F9E];
	s0 =	simm.s32 @p0 $0x1  }
0x13: {  	[smem:$0x3FB9] =	sst s0;
	s0 =	simm.s32 @!p1 $0x0  }
0x14: {  	s2 =	sld [smem:$0x3F9D];
	s0 =	simm.s32 @p1 $0x1  }
0x15: {  	[smem:$0x3FBA] =	sst s0;
	s0 =	simm.s32 @!p2 $0x0  }
0x16: {  	s3 =	sld [smem:$0x3FDB];
	s0 =	simm.s32 @p2 $0x1  }
0x17: {  	s4 =	simm.s32 $0x1BF5;
	[smem:$0x3FBC] =	sst s0  }
0x18: {  	s0 =	sld [smem:$0x3F9F];
	_ =	swait.ge [sflag:s4], $0x0  }
0x19: {  	s7 =	sld [smem:$0x3FA0]  }
0x1a: {  	s8 =	sadd.s32 $0xFFFFE003, lr  }
0x1b: {  	s9 =	sadd.s32 $0xFFFFFEF7, lr;
	s5 =	simm.s32 $0xFFFFFFFF;
	p2 =	slt.u32 s8, $0xFFFFF086  }
0x1c: {  	p1 =	slt.u32 s9, $0xF7A;
	s5 =	simm.s32 @!p2 $0x0  }
0x1d: {  	s5 =	simm.s32 @p1 $0x1;
	p0 =	seq.s32 s7, s2  }
0x1e: {  	s7 =	smul.u32 @!p0 $0xF7A, s2;
	p2 =	seq.s32 @!p0 s5, $0x0  }
0x1f: {  	s9 =	smul.u32 $0xF7A, s1;
	s8 =	simm.s32 @!p0 $0x1BF5;
	p2 =	por !p2, p0  }
0x20: {  	[sflag:s8] =	ssyncset.s32 @!p0 $0xFFFFF086;
	s6 =	sadd.s32 @!p0 s3, s7;
	s7 =	simm.s32 @!p0 $0x108  }
0x21: {  	s3 =	sadd.s32 s3, s9;
	s6 =	sadd.s32 @!p0 $0x88, s6;
	s7 =	simm.s32 @p2 $0x1082  }
0x22: {  	[simem:s7], [sflag:s8] =	dma.local @!p0 [hbm:s6], $0xF7A  }
0x23: {  	s9 =	sor.u32 $0xD0000000, s2;
	s6 =	simm.s32 $0x108;
	_ =	swait.ge @!p0 [sflag:s8], $0x0  }
0x24: {  	s3 =	sadd.s32 $0x88, s3;
	s6 =	simm.s32 @!p1 $0x1082;
	[sflag:s4] =	ssyncset.s32 $0xFFFFF086  }
0x25: {  	[simem:s6], [sflag:s4] =	dma.local [hbm:s3], $0xF7A  }
0x26: {  	[smem:$0x3FA0] =	sst s1;
	(tag) =	ssettag s2;
	_ =	strace s9  }
0x27: {  	s1 =	sld [smem:$0x3FB0]  }
0x28: {  	s2 =	sld [smem:$0x3FB1]  }
0x29: {  	s4 =	sld [smem:$0x3FB3]  }
0x2a: {  	p0 =	seq.s32 s5, $0x0;
	s5 =	sld [smem:$0x3FB4]  }
0x2b: {  	s6 =	sld [smem:$0x3FB5]  }
0x2c: {  	s7 =	sld [smem:$0x3FB6]  }
0x2d: {  	s3 =	simm.s32 $0x108;
	s8 =	sld [smem:$0x3FB7]  }
0x2e: {  	s3 =	simm.s32 @!p0 $0x1082;
	s9 =	sld [smem:$0x3FB8]  }
0x2f: {  	lr =	sadd.s32 s0, s3;
	s0 =	sld [smem:$0x3FAF]  }
0x30: {  	s3 =	sld [smem:$0x3FB2]  }
0x31: {  	[smem:$0x3FBB] =	sst s10  }
0x32: {  	s10 =	sld [smem:$0x3FB9];
	_ =	sdelay $0x3  }
0x33: {  	p0 =	seq.s32 s10, $0x1;
	s10 =	sld [smem:$0x3FBB];
	_ =	sdelay $0x3  }
0x34: {  	[smem:$0x3FBB] =	sst s10  }
0x35: {  	s10 =	sld [smem:$0x3FBA];
	_ =	sdelay $0x3  }
0x36: {  	p1 =	seq.s32 s10, $0x1;
	s10 =	sld [smem:$0x3FBB];
	_ =	sdelay $0x3  }
0x37: {  	[smem:$0x3FBB] =	sst s10  }
0x38: {  	s10 =	sld [smem:$0x3FBC]  }
0x39: {  	_ = 	snop;
	(pc) =	sbr.ind lr, $3  }
0x3a: {  	_ = 	snop  }
0x3b: {  	_ = 	snop  }
0x3c: {  	p2 =	seq.s32 s10, $0x1;
	s10 =	sld [smem:$0x3FBB]  }
0x3d: {  	_ =	shalt  }
0x3e: {  	_ =	shalt  }
0x3f: {  	_ =	shalt  }
0x40: {  	_ =	shalt  }
0x41: {  	_ =	shalt  }
0x42: {  	_ =	shalt  }
0x43: {  	_ =	shalt  }
0x44: {  	_ =	shalt  }
0x45: {  	_ =	shalt  }
0x46: {  	_ =	shalt  }
0x47: {  	_ =	shalt  }
0x48: {  	_ =	shalt  }
0x49: {  	_ =	shalt  }
0x4a: {  	_ =	shalt  }
0x4b: {  	_ =	shalt  }
0x4c: {  	_ =	shalt  }
0x4d: {  	_ =	shalt  }
0x4e: {  	_ =	shalt  }
0x4f: {  	_ =	shalt  }
0x50: {  	_ =	shalt  }
0x51: {  	_ =	shalt  }
0x52: {  	_ =	shalt  }
0x53: {  	_ =	shalt  }
0x54: {  	_ =	shalt  }
0x55: {  	_ =	shalt  }
0x56: {  	_ =	shalt  }
0x57: {  	_ =	shalt  }
0x58: {  	_ =	shalt  }
0x59: {  	_ =	shalt  }
0x5a: {  	_ =	shalt  }
0x5b: {  	_ =	shalt  }
0x5c: {  	_ =	shalt  }
0x5d: {  	_ =	shalt  }
0x5e: {  	_ =	shalt  }
0x5f: {  	_ =	shalt  }
0x60: {  	_ =	shalt  }
0x61: {  	_ =	shalt  }
0x62: {  	_ =	shalt  }
0x63: {  	_ =	shalt  }
0x64: {  	_ =	shalt  }
0x65: {  	_ =	shalt  }
0x66: {  	_ =	shalt  }
0x67: {  	_ =	shalt  }
0x68: {  	_ =	shalt  }
0x69: {  	_ =	shalt  }
0x6a: {  	_ =	shalt  }
0x6b: {  	_ =	shalt  }
0x6c: {  	_ =	shalt  }
0x6d: {  	_ =	shalt  }
0x6e: {  	_ =	shalt  }
0x6f: {  	_ =	shalt  }
0x70: {  	_ =	shalt  }
0x71: {  	_ =	shalt  }
0x72: {  	_ =	shalt  }
0x73: {  	_ =	shalt  }
0x74: {  	_ =	shalt  }
0x75: {  	_ =	shalt  }
0x76: {  	_ =	shalt  }
0x77: {  	_ =	shalt  }
0x78: {  	_ =	shalt  }
0x79: {  	_ =	shalt  }
0x7a: {  	_ =	shalt  }
0x7b: {  	_ =	shalt  }
0x7c: {  	_ =	shalt  }
0x7d: {  	_ =	shalt  }
0x7e: {  	_ =	shalt  }
0x7f: {  	_ =	shalt  }
0x80: {  	_ =	shalt  }
0x81: {  	_ =	shalt  }
0x82: {  	_ =	shalt  }
0x83: {  	_ =	shalt  }
0x84: {  	_ =	shalt  }
0x85: {  	_ =	shalt  }
0x86: {  	_ =	shalt  }
0x87: {  	_ =	shalt  }
.Lfunc_end0:
.L_simem_size_0:
called_computation_lowered:
.L_overlay_start_0:
0x88: {  	s2 =	sld [smem:$0x3FD9]  }
0x89: {  	s3 =	sld [smem:$0x3FFE];
	_ =	sdelay $0x1  }
0x8a: {  	s1 =	srdreg.scid  }
0x8b: {  	s0 =	sand.u32 $0x1, s1  }
0x8c: {  	s18 =	sshll.u32 s0, $0xA;
	s2 =	sadd.s32 s3, s2  }
0x8d: {  	s2 =	sadd.s32 s2, s18  }
0x8e: {  	[smem:$0x3FC7] =	sst s2  }
0x8f: {  	_ = 	snop  }
0x90: {  	s2 =	sld [smem:$0x3FC9]  }
0x91: {  	s19 =	sld [smem:$0x3FD0];
	(tm) =	ssettm $0x1  }
0x92: {  	s4 =	sld [smem:$0x3FFB];
	_ =	sdelay $0x3  }
0x93: {  	_ =	strace s4  }
0x94: {  	s4 =	sld [smem:$0x3FFC];
	_ =	sdelay $0x3  }
0x95: {  	_ =	strace s4  }
0x96: {  	s4 =	sld [smem:$0x3FFD];
	_ =	sdelay $0x3  }
0x97: {  	_ =	strace s4  }
0x98: {  	_ =	strace $0x8FFFFFFF  }
0x99: {  	s20 =	sld [smem:$0x3FDB];
	_ =	sdelay $0x1  }
0x9a: {  	s5 =	simm.s32 $_scs_section_size  }
0x9b: {  	s6 =	simm.s32 $_size__tile_overlayer_lowered;
	s7 =	simm.s32 $_tile_overlayer_lowered  }
0x9c: {  	s23 =	simm.s32 $0x1BFF;
	s22 =	sshll.u32 s7, $0x1;
	s4 =	sadd.s32 s5, s20  }
0x9d: {  	s8 =	simm.s32 $0x0;
	s21 =	sshll.u32 s6, $0x1;
	s6 =	sadd.s32 s22, s4  }
0x9e: {  	[timem:s8], [sflag:s23] =	dma.local [hbm:s6], s21  }
0x9f: {  	_ =	swait.ge [sflag:s23], s21  }
0xa0: {  	s5 =	ssub.s32 $0x0, s21;
	[sflag:s23] =	ssyncset.done $0x0  }
0xa1: {  	[sflag:s23] =	ssyncadd.s32 s5;
	_ =	sdelay $0x1  }
0xa2: {  	s24 =	simm.s32 $0x1B8B  }
0xa3: {  	_ =	swait.ge [sflag:s24], $0x1  }
0xa4: {  	[sflag:s24] =	ssyncset.done $0x0  }
0xa5: {  	s25 =	simm.s32 $0x1B8E;
	[sflag:s24] =	ssyncadd.s32 $0xFFFFFFFF  }
0xa6: {  	s26 =	simm.s32 $execute0_lowered;
	[smem:$0x3FD2] =	sst s25  }
0xa7: {  	s5 =	sshll.u32 s26, $0x1;
	_ =	strace $0x80000046;
	[dreg:$0x1] =	wrdreg $0xFFFFFFFF  }
0xa8: {  	s28 =	simm.s32 $_size_execute0_lowered;
	s4 =	sadd.s32 s4, s5;
	[dreg:$0x0] =	wrdreg $0x0  }
0xa9: {  	s5 =	sshll.u32 s28, $0x1;
	[dreg:$0x2] =	wrdreg s4  }
0xaa: {  	[dreg:$0x3] =	wrdreg s5  }
0xab: {  	[dreg:$0x4] =	wrdreg $0xC0  }
0xac: {  	_ =	task [dreg:s8], $0x5FFFF  }
0xad: {  	[dreg:$0x1] =	wrdreg $0xFFFFFFFF  }
0xae: {  	[dreg:$0x0] =	wrdreg $0x60  }
0xaf: {  	[dreg:$0x2] =	wrdreg s2  }
0xb0: {  	[dreg:$0x3] =	wrdreg s19  }
0xb1: {  	[dreg:$0x4] =	wrdreg $0x9  }
0xb2: {  	_ =	task.clear_ibuf [dreg:s8], $0x5FFFF;
	_ =	strace $0x90000046  }
0xb3: {  	s29 =	simm.s32 $0x9;
	_ =	strace $0x80000048  }
0xb4: {  	_ =	swait.ge [sflag:s29], $0x1  }
0xb5: {  	[sflag:s29] =	ssyncadd.s32 $0xFFFFFFFF  }
0xb6: {  	_ =	strace $0x90000048  }
0xb7: {  	_ =	sfence  }
0xb8: {  	s30 =	sld [smem:$0x0];
	_ =	sdelay $0x2  }
0xb9: {  	s31 =	sshll.u32 s1, $0xD;
	s1 =	sshrl.u32 s1, $0x2  }
0xba: {  	s3 =	sand.u32 $0x4000, s31;
	s1 =	sadd.s32 s1, s30  }
0xbb: {  	s0 =	sor.u32 s3, s0;
	s1 =	sshll.u32 s1, $0x11  }
0xbc: {  	s0 =	sor.u32 s1, s0  }
0xbd: {  	s0 =	sadd.s32 $0x8F2B, s0  }
0xbe: {  	[sflag:s0] =	ssyncadd.remote.s32 $0x1  }
0xbf: {  	_ =	sfence.sel $0xFFFF  }
0xc0: {  	[dreg:$0x0] =	wrdreg $0xFFFFFFFF;
	(pc) =	sbr.abs _section_cstart, $3  }
0xc1: {  	[dreg:$0x1] =	wrdreg $0xFFFFFFFF  }
0xc2: {  	_ =	task.clear_ibuf [dreg:s8], $0x2FFFF;
	_ =	strace $0x9FFFFFFF  }
0xc3: {  	(tm) =	ssettm $0x7FFFFFFF  }
tec
execute0_lowered:
.L_overlay_start_1:
0x0: {  	(tag) =	ssettag $0x1  }
0x1: {  	s0 =	stileid.u32;
	s1 =	srdreg.scid;
	s11 =	simm.s32 $0x800  }
0x2: {  	s12 =	simm.s32 $0x4000;
	s13 =	simm.s32 $0x1;
	s14 =	simm.s32 $0x8000  }
0x3: {  	s15 =	simm.s32 $0x2;
	s16 =	simm.s32 $0x4;
	s17 =	simm.s32 $0xC000  }
0x4: {  	s18 =	simm.s32 $0x3;
	s19 =	simm.s32 $0x0;
	s2 =	sshll.u32 s0, $0x1  }
0x5: {  	s1 =	sand.u32 $0x1, s1;
	s5 =	sshll.u32 s0, $0x16;
	s3 =	sand.u32 $0x6, s2  }
0x6: {  	s2 =	rddreg [dreg:$0x0];
	s5 =	sand.u32 $0x3000000, s5;
	s4 =	sor.u32 s1, s3  }
0x7: {  	s3 =	rddreg [dreg:$0x1];
	s1 =	ssub.s32 $0x2, s1;
	s4 =	sshll.u32 s4, $0xB  }
0x8: {  	s7 =	sshrl.u32 s1, $0x1;
	s4 =	sor.u32 s5, s4;
	s5 =	simm.s32 $0x0  }
0x9: {  	s1 =	ssub.s32 s1, s7;
	s6 =	sshrl.u32 s4, $0x3;
	[smem:$0x7FF] =	sst s5  }
0xa: {  	s8 =	sor.u32 $0x40000, s4;
	s9 =	sor.u32 $0x60000, s4;
	s6 =	sadd.s32 s2, s6  }
0xb: {  	s10 =	smax.u32 s1, $0x1;
	_ =	strace $0x80000047;
	s7 =	sadd.s32 $0x4000, s6  }
.LBB2_1:
0xc: {  	v10 =	vimm.f32 $0.0e+00  }
0xd: {  	v12 =	vimm.f32 $0.0e+00;
	v13 =	vimm.f32 $0.0e+00;
	v14 =	vimm.f32 $0.0e+00  }
0xe: {  	v16 =	vimm.f32 $0.0e+00;
	v17 =	vimm.f32 $0.0e+00;
	v2 =	vimm.f32 $0.0e+00  }
0xf: {  	[tilespmem:s5], [sflag:$0x1] =	stream.strided.gather [hbm4b:s6+s11], $0x4000, s12, s11, $0x38;
	v3 =	vimm.f32 $0.0e+00;
	v9 =	vimm.f32 $0.0e+00;
	v6 =	vimm.f32 $0.0e+00;
	[tilespmem:$0x10000] =	vst v63  }
0x10: {  	v1 =	vimm.f32 $0.0e+00;
	v0 =	vimm.f32 $0.0e+00;
	v5 =	vimm.f32 $0.0e+00;
	s20 =	simm.s32 $0x0  }
0x11: {  	v7 =	vimm.f32 $0.0e+00;
	v4 =	vimm.f32 $0.0e+00;
	v8 =	vimm.f32 $0.0e+00;
	[tilespmem:s12], [sflag:$0x2] =	stream.strided.gather [hbm4b:s7+s11], $0x4000, s12, s11, $0x38;
	[tilespmem:$0x10000] =	vst v63  }
.LBB2_2:
0x12: {  	_ =	swait.ge [sflag:s13], $0x4000  }
0x13: {  	p0 =	seq.s32 s20, $0x0;
	[sflag:s13] =	ssyncset.done $0x0  }
0x14: {  	s1 =	simm.s32 @!p0 $0x3;
	[sflag:s13] =	ssyncadd.s32 $0xFFFFC000  }
0x15: {  	s22 =	simm.s32 $0x0;
	_ =	swait.ge @!p0 [sflag:s1], $0x4000  }
0x16: {  	s21 =	sand.u32 $0x3800, s22;
	s23 =	sand.u32 $0x200, s22;
	[sflag:s1] =	ssyncset.done @!p0 $0x0  }
0x17: {  	s21 =	sor.u32 s23, s21;
	[sflag:s1] =	ssyncadd.s32 @!p0 $0xFFFFC000  }
0x18: {  	v11 =	vld [tilespmem:s21+$0x0]  }
0x19: {  	v15 =	vld [tilespmem:s21+$0x20]  }
0x1a: {  	v18 =	vld [tilespmem:s21+$0x70]  }
0x1b: {  	v19 =	vld [tilespmem:s21+$0x10]  }
0x1c: {  	v20 =	vld [tilespmem:s21+$0x60]  }
0x1d: {  	v21 =	vld [tilespmem:s21+$0x30];
	v8 =	vadd.f32 v11, v8  }
0x1e: {  	v11 =	vld [tilespmem:s21+$0x40];
	v7 =	vadd.f32 v15, v7  }
0x1f: {  	v15 =	vld [tilespmem:s21+$0x50];
	v9 =	vadd.f32 v18, v9;
	[tilespmem:s21+$0x8000] =	vst v8  }
0x20: {  	v4 =	vadd.f32 v19, v4;
	[tilespmem:s21+$0x8020] =	vst v7  }
0x21: {  	v6 =	vadd.f32 v20, v6;
	[tilespmem:s21+$0x8070] =	vst v9  }
0x22: {  	p1 =	por $0x0, $0x0;
	s1 =	simm.s32 $0x1;
	v5 =	vadd.f32 v21, v5;
	[tilespmem:s21+$0x8010] =	vst v4  }
0x23: {  	s1 =	simm.s32 @!p1 $0x0;
	[tilespmem:s21+$0x8060] =	vst v6;
	v0 =	vadd.f32 v11, v0  }
0x24: {  	s1 =	sshll.u32 s1, $0x9;
	[tilespmem:s21+$0x8030] =	vst v5;
	v1 =	vadd.f32 v15, v1  }
0x25: {  	s23 =	sadd.s32 $0x0, s1;
	[tilespmem:s21+$0x8040] =	vst v0  }
0x26: {  	s1 =	sor.u32 $0x400, s23;
	[tilespmem:s21+$0x8050] =	vst v1  }
0x27: {  	v11 =	vld [tilespmem:s1+$0x0];
	_ =	sdelay $0x4  }
0x28: {  	v3 =	vadd.f32 v11, v3;
	_ =	sdelay $0x1  }
0x29: {  	s31 =	sor.u32 $0x410, s23;
	[tilespmem:s1+$0x8000] =	vst v3  }
0x2a: {  	v11 =	vld [tilespmem:s31+$0x0];
	_ =	sdelay $0x4  }
0x2b: {  	v2 =	vadd.f32 v11, v2;
	_ =	sdelay $0x1  }
0x2c: {  	s0 =	sor.u32 $0x420, s23;
	[tilespmem:s31+$0x8000] =	vst v2  }
0x2d: {  	v11 =	vld [tilespmem:s0+$0x0];
	_ =	sdelay $0x4  }
0x2e: {  	v11 =	vadd.f32 v11, v17;
	_ =	sdelay $0x1  }
0x2f: {  	s24 =	sor.u32 $0x430, s23;
	[tilespmem:s0+$0x8000] =	vst v11  }
0x30: {  	v15 =	vld [tilespmem:s24+$0x0];
	_ =	sdelay $0x4  }
0x31: {  	v15 =	vadd.f32 v15, v16;
	_ =	sdelay $0x1  }
0x32: {  	s25 =	sor.u32 $0x440, s23;
	[tilespmem:s24+$0x8000] =	vst v15  }
0x33: {  	v16 =	vld [tilespmem:s25+$0x0];
	_ =	sdelay $0x4  }
0x34: {  	v14 =	vadd.f32 v16, v14;
	_ =	sdelay $0x1  }
0x35: {  	s26 =	sor.u32 $0x450, s23;
	[tilespmem:s25+$0x8000] =	vst v14  }
0x36: {  	v16 =	vld [tilespmem:s26+$0x0];
	_ =	sdelay $0x4  }
0x37: {  	v13 =	vadd.f32 v16, v13;
	_ =	sdelay $0x1  }
0x38: {  	s28 =	sor.u32 $0x460, s23;
	[tilespmem:s26+$0x8000] =	vst v13  }
0x39: {  	v16 =	vld [tilespmem:s28+$0x0];
	_ =	sdelay $0x4  }
0x3a: {  	v12 =	vadd.f32 v16, v12;
	_ =	sdelay $0x1  }
0x3b: {  	s29 =	sor.u32 $0x470, s23;
	[tilespmem:s28+$0x8000] =	vst v12  }
0x3c: {  	v16 =	vld [tilespmem:s29+$0x0];
	_ =	sdelay $0x4  }
0x3d: {  	v10 =	vadd.f32 v16, v10;
	_ =	sdelay $0x1  }
0x3e: {  	[tilespmem:s29+$0x8000] =	vst v10  }
0x3f: {  	v16 =	vld [tilespmem:s21+$0xC0]  }
0x40: {  	v17 =	vld [tilespmem:s21+$0x80]  }
0x41: {  	v18 =	vld [tilespmem:s21+$0x90]  }
0x42: {  	v19 =	vld [tilespmem:s21+$0xA0]  }
0x43: {  	v59 =	vld [tilespmem:s21+$0xD0]  }
0x44: {  	v0 =	vadd.f32 v16, v0;
	v16 =	vld [tilespmem:s21+$0xE0]  }
0x45: {  	v8 =	vadd.f32 v17, v8;
	v17 =	vld [tilespmem:s21+$0xF0]  }
0x46: {  	v4 =	vadd.f32 v18, v4;
	v18 =	vld [tilespmem:s21+$0xB0];
	[tilespmem:s21+$0x80C0] =	vst v0  }
0x47: {  	v7 =	vadd.f32 v19, v7;
	[tilespmem:s21+$0x8080] =	vst v8  }
0x48: {  	v1 =	vadd.f32 v59, v1;
	[tilespmem:s21+$0x8090] =	vst v4  }
0x49: {  	[tilespmem:s21+$0x80A0] =	vst v7;
	v6 =	vadd.f32 v16, v6  }
0x4a: {  	[tilespmem:s21+$0x80D0] =	vst v1;
	v9 =	vadd.f32 v17, v9  }
0x4b: {  	v5 =	vadd.f32 v18, v5;
	[tilespmem:s21+$0x80E0] =	vst v6  }
0x4c: {  	s30 =	sadd.s32 $0x80, s23;
	[tilespmem:s21+$0x80F0] =	vst v9  }
0x4d: {  	s24 =	sor.u32 $0x400, s30;
	[tilespmem:s21+$0x80B0] =	vst v5  }
0x4e: {  	v16 =	vld [tilespmem:s24+$0x0];
	_ =	sdelay $0x4  }
0x4f: {  	v3 =	vadd.f32 v16, v3;
	_ =	sdelay $0x1  }
0x50: {  	s31 =	sor.u32 $0x410, s30;
	[tilespmem:s24+$0x8000] =	vst v3  }
0x51: {  	v16 =	vld [tilespmem:s31+$0x0];
	_ =	sdelay $0x4  }
0x52: {  	v2 =	vadd.f32 v16, v2;
	_ =	sdelay $0x1  }
0x53: {  	s0 =	sor.u32 $0x420, s30;
	[tilespmem:s31+$0x8000] =	vst v2  }
0x54: {  	v16 =	vld [tilespmem:s0+$0x0];
	_ =	sdelay $0x4  }
0x55: {  	v11 =	vadd.f32 v16, v11;
	_ =	sdelay $0x1  }
0x56: {  	s25 =	sor.u32 $0x430, s30;
	[tilespmem:s0+$0x8000] =	vst v11  }
0x57: {  	v16 =	vld [tilespmem:s25+$0x0];
	_ =	sdelay $0x4  }
0x58: {  	v15 =	vadd.f32 v16, v15;
	_ =	sdelay $0x1  }
0x59: {  	s26 =	sor.u32 $0x440, s30;
	[tilespmem:s25+$0x8000] =	vst v15  }
0x5a: {  	v16 =	vld [tilespmem:s26+$0x0];
	_ =	sdelay $0x4  }
0x5b: {  	v14 =	vadd.f32 v16, v14;
	_ =	sdelay $0x1  }
0x5c: {  	s28 =	sor.u32 $0x450, s30;
	[tilespmem:s26+$0x8000] =	vst v14  }
0x5d: {  	v16 =	vld [tilespmem:s28+$0x0];
	_ =	sdelay $0x4  }
0x5e: {  	v16 =	vadd.f32 v16, v13;
	_ =	sdelay $0x1  }
0x5f: {  	s29 =	sor.u32 $0x460, s30;
	[tilespmem:s28+$0x8000] =	vst v16  }
0x60: {  	v13 =	vld [tilespmem:s29+$0x0];
	_ =	sdelay $0x4  }
0x61: {  	v17 =	vadd.f32 v13, v12;
	_ =	sdelay $0x1  }
0x62: {  	s1 =	sor.u32 $0x470, s30;
	[tilespmem:s29+$0x8000] =	vst v17  }
0x63: {  	v12 =	vld [tilespmem:s1+$0x0];
	_ =	sdelay $0x4  }
0x64: {  	v18 =	vadd.f32 v12, v10;
	_ =	sdelay $0x1  }
0x65: {  	[tilespmem:s1+$0x8000] =	vst v18  }
0x66: {  	v10 =	vld [tilespmem:s21+$0x160]  }
0x67: {  	v12 =	vld [tilespmem:s21+$0x120]  }
0x68: {  	v13 =	vld [tilespmem:s21+$0x100]  }
0x69: {  	v19 =	vld [tilespmem:s21+$0x130]  }
0x6a: {  	v60 =	vld [tilespmem:s21+$0x170]  }
0x6b: {  	v61 =	vld [tilespmem:s21+$0x110];
	v6 =	vadd.f32 v10, v6  }
0x6c: {  	v7 =	vadd.f32 v12, v7;
	v10 =	vld [tilespmem:s21+$0x140]  }
0x6d: {  	v22 =	vadd.f32 v13, v8;
	v8 =	vld [tilespmem:s21+$0x150];
	[tilespmem:s21+$0x8160] =	vst v6  }
0x6e: {  	v5 =	vadd.f32 v19, v5;
	[tilespmem:s21+$0x8120] =	vst v7  }
0x6f: {  	v9 =	vadd.f32 v60, v9;
	[tilespmem:s21+$0x8100] =	vst v22  }
0x70: {  	v4 =	vadd.f32 v61, v4;
	[tilespmem:s21+$0x8130] =	vst v5  }
0x71: {  	[tilespmem:s21+$0x8170] =	vst v9;
	v0 =	vadd.f32 v10, v0  }
0x72: {  	[tilespmem:s21+$0x8110] =	vst v4;
	v1 =	vadd.f32 v8, v1  }
0x73: {  	s1 =	sadd.s32 $0x100, s23;
	[tilespmem:s21+$0x8140] =	vst v0  }
0x74: {  	s30 =	sor.u32 $0x400, s1;
	[tilespmem:s21+$0x8150] =	vst v1  }
0x75: {  	v8 =	vld [tilespmem:s30+$0x0];
	_ =	sdelay $0x4  }
0x76: {  	v3 =	vadd.f32 v8, v3;
	_ =	sdelay $0x1  }
0x77: {  	s31 =	sor.u32 $0x410, s1;
	[tilespmem:s30+$0x8000] =	vst v3  }
0x78: {  	v8 =	vld [tilespmem:s31+$0x0];
	_ =	sdelay $0x4  }
0x79: {  	v19 =	vadd.f32 v8, v2;
	_ =	sdelay $0x1  }
0x7a: {  	s0 =	sor.u32 $0x420, s1;
	[tilespmem:s31+$0x8000] =	vst v19  }
0x7b: {  	v2 =	vld [tilespmem:s0+$0x0];
	_ =	sdelay $0x4  }
0x7c: {  	v12 =	vadd.f32 v2, v11;
	_ =	sdelay $0x1  }
0x7d: {  	s25 =	sor.u32 $0x430, s1;
	[tilespmem:s0+$0x8000] =	vst v12  }
0x7e: {  	v2 =	vld [tilespmem:s25+$0x0];
	_ =	sdelay $0x4  }
0x7f: {  	v13 =	vadd.f32 v2, v15;
	_ =	sdelay $0x1  }
0x80: {  	s26 =	sor.u32 $0x440, s1;
	[tilespmem:s25+$0x8000] =	vst v13  }
0x81: {  	v2 =	vld [tilespmem:s26+$0x0];
	_ =	sdelay $0x4  }
0x82: {  	v14 =	vadd.f32 v2, v14;
	_ =	sdelay $0x1  }
0x83: {  	s28 =	sor.u32 $0x450, s1;
	[tilespmem:s26+$0x8000] =	vst v14  }
0x84: {  	v2 =	vld [tilespmem:s28+$0x0];
	_ =	sdelay $0x4  }
0x85: {  	v15 =	vadd.f32 v2, v16;
	_ =	sdelay $0x1  }
0x86: {  	s29 =	sor.u32 $0x460, s1;
	[tilespmem:s28+$0x8000] =	vst v15  }
0x87: {  	v2 =	vld [tilespmem:s29+$0x0];
	_ =	sdelay $0x4  }
0x88: {  	v10 =	vadd.f32 v2, v17;
	_ =	sdelay $0x1  }
0x89: {  	s1 =	sor.u32 $0x470, s1;
	[tilespmem:s29+$0x8000] =	vst v10  }
0x8a: {  	v2 =	vld [tilespmem:s1+$0x0];
	_ =	sdelay $0x4  }
0x8b: {  	v11 =	vadd.f32 v2, v18;
	_ =	sdelay $0x1  }
0x8c: {  	[tilespmem:s1+$0x8000] =	vst v11  }
0x8d: {  	v2 =	vld [tilespmem:s21+$0x190]  }
0x8e: {  	v8 =	vld [tilespmem:s21+$0x1C0]  }
0x8f: {  	v16 =	vld [tilespmem:s21+$0x1A0]  }
0x90: {  	v17 =	vld [tilespmem:s21+$0x1D0]  }
0x91: {  	v18 =	vld [tilespmem:s21+$0x180]  }
0x92: {  	v62 =	vld [tilespmem:s21+$0x1F0];
	v2 =	vadd.f32 v2, v4  }
0x93: {  	v63 =	vld [tilespmem:s21+$0x1B0];
	v0 =	vadd.f32 v8, v0  }
0x94: {  	v4 =	vld [tilespmem:s21+$0x1E0];
	v8 =	vadd.f32 v16, v7;
	[tilespmem:s21+$0x8190] =	vst v2  }
0x95: {  	v1 =	vadd.f32 v17, v1;
	[tilespmem:s21+$0x81C0] =	vst v0  }
0x96: {  	v7 =	vadd.f32 v18, v22;
	[tilespmem:s21+$0x81A0] =	vst v8  }
0x97: {  	v9 =	vadd.f32 v62, v9;
	[tilespmem:s21+$0x81D0] =	vst v1  }
0x98: {  	v5 =	vadd.f32 v63, v5;
	[tilespmem:s21+$0x8180] =	vst v7  }
0x99: {  	[tilespmem:s21+$0x81F0] =	vst v9;
	v6 =	vadd.f32 v4, v6  }
0x9a: {  	s25 =	sadd.s32 $0x180, s23;
	[tilespmem:s21+$0x81B0] =	vst v5  }
0x9b: {  	s30 =	sor.u32 $0x400, s25;
	[tilespmem:s21+$0x81E0] =	vst v6  }
0x9c: {  	v4 =	vld [tilespmem:s30+$0x0];
	_ =	sdelay $0x4  }
0x9d: {  	v3 =	vadd.f32 v4, v3;
	_ =	sdelay $0x1  }
0x9e: {  	s31 =	sor.u32 $0x410, s25;
	[tilespmem:s30+$0x8000] =	vst v3  }
0x9f: {  	v4 =	vld [tilespmem:s31+$0x0];
	_ =	sdelay $0x4  }
0xa0: {  	v4 =	vadd.f32 v4, v19;
	_ =	sdelay $0x1  }
0xa1: {  	s1 =	sor.u32 $0x420, s25;
	[tilespmem:s31+$0x8000] =	vst v4  }
0xa2: {  	v16 =	vld [tilespmem:s1+$0x0]  }
0xa3: {  	p1 =	por !p1, !p1  }
0xa4: {  	s24 =	simm.s32 $0x0;
	s23 =	simm.s32 $0x0;
	s21 =	sshll.u32 s20, $0x12  }
.LBB2_3:
0xa5: {  	s23 =	sadd.s32 $0x4, s23;
	s22 =	sadd.s32 $0x200, s22;
	s24 =	sadd.s32 $0x400, s24  }
0xa6: {  	p2 =	slt.u32 s23, $0x3C  }
0xa7: {  	v12 =	vadd.f32 v16, v12;
	_ =	sdelay $0x1  }
0xa8: {  	[tilespmem:s1+$0x8000] =	vst v12;
	s1 =	sor.u32 $0x430, s25  }
0xa9: {  	v16 =	vld [tilespmem:s1+$0x0];
	_ =	sdelay $0x4  }
0xaa: {  	v13 =	vadd.f32 v16, v13;
	_ =	sdelay $0x1  }
0xab: {  	[tilespmem:s1+$0x8000] =	vst v13;
	s1 =	sor.u32 $0x440, s25  }
0xac: {  	v16 =	vld [tilespmem:s1+$0x0];
	_ =	sdelay $0x4  }
0xad: {  	v14 =	vadd.f32 v16, v14;
	_ =	sdelay $0x1  }
0xae: {  	[tilespmem:s1+$0x8000] =	vst v14;
	s1 =	sor.u32 $0x450, s25  }
0xaf: {  	v16 =	vld [tilespmem:s1+$0x0];
	_ =	sdelay $0x4  }
0xb0: {  	v15 =	vadd.f32 v16, v15;
	_ =	sdelay $0x1  }
0xb1: {  	[tilespmem:s1+$0x8000] =	vst v15;
	s1 =	sor.u32 $0x460, s25  }
0xb2: {  	s26 =	sand.u32 $0x3800, s24;
	s28 =	sand.u32 $0x200, s22;
	v16 =	vld [tilespmem:s1+$0x0]  }
0xb3: {  	s26 =	sor.u32 s28, s26;
	_ =	sdelay $0x3  }
0xb4: {  	v16 =	vadd.f32 v16, v10;
	_ =	sdelay $0x1  }
0xb5: {  	[tilespmem:s1+$0x8000] =	vst v16;
	s1 =	sor.u32 $0x470, s25  }
0xb6: {  	v10 =	vld [tilespmem:s1+$0x0];
	_ =	sdelay $0x4  }
0xb7: {  	v11 =	vadd.f32 v10, v11;
	_ =	sdelay $0x1  }
0xb8: {  	[tilespmem:s1+$0x8000] =	vst v11  }
0xb9: {  	v17 =	vld [tilespmem:s26+$0x10]  }
0xba: {  	v10 =	vld [tilespmem:s26+$0x0]  }
0xbb: {  	v18 =	vld [tilespmem:s26+$0x20]  }
0xbc: {  	v19 =	vld [tilespmem:s26+$0x70]  }
0xbd: {  	v20 =	vld [tilespmem:s26+$0x30]  }
0xbe: {  	v21 =	vld [tilespmem:s26+$0x60]  }
0xbf: {  	v10 =	vadd.f32 v10, v7;
	v22 =	vld [tilespmem:s26+$0x40]  }
0xc0: {  	v8 =	vadd.f32 v18, v8;
	v18 =	vld [tilespmem:s26+$0x50]  }
0xc1: {  	[tilespmem:s26+$0x8000] =	vst v10;
	v7 =	vadd.f32 v19, v9  }
0xc2: {  	v9 =	vadd.f32 v17, v2;
	[tilespmem:s26+$0x8020] =	vst v8;
	v2 =	vadd.f32 v20, v5  }
0xc3: {  	v5 =	vadd.f32 v21, v6;
	[tilespmem:s26+$0x8070] =	vst v7  }
0xc4: {  	s1 =	simm.s32 $0x1;
	[tilespmem:s26+$0x8010] =	vst v9;
	v0 =	vadd.f32 v22, v0  }
0xc5: {  	s1 =	simm.s32 @!p1 $0x0;
	v18 =	vadd.f32 v18, v1;
	[tilespmem:s26+$0x8060] =	vst v5  }
0xc6: {  	s1 =	sshll.u32 s1, $0x9;
	[tilespmem:s26+$0x8040] =	vst v0  }
0xc7: {  	s30 =	sadd.s32 s1, s24;
	[tilespmem:s26+$0x8050] =	vst v18  }
0xc8: {  	s1 =	sor.u32 $0x400, s30;
	s29 =	sadd.s32 $0x80, s30;
	s28 =	sadd.s32 $0x100, s30;
	[tilespmem:s26+$0x8030] =	vst v2  }
0xc9: {  	s25 =	sadd.s32 $0x180, s30;
	v1 =	vld [tilespmem:s1+$0x0];
	_ =	sdelay $0x4  }
0xca: {  	v3 =	vadd.f32 v1, v3;
	_ =	sdelay $0x1  }
0xcb: {  	[tilespmem:s1+$0x8000] =	vst v3;
	s1 =	sor.u32 $0x410, s30  }
0xcc: {  	v1 =	vld [tilespmem:s1+$0x0];
	_ =	sdelay $0x4  }
0xcd: {  	v17 =	vadd.f32 v1, v4;
	_ =	sdelay $0x1  }
0xce: {  	[tilespmem:s1+$0x8000] =	vst v17;
	s1 =	sor.u32 $0x420, s30  }
0xcf: {  	v1 =	vld [tilespmem:s1+$0x0];
	_ =	sdelay $0x4  }
0xd0: {  	v12 =	vadd.f32 v1, v12;
	_ =	sdelay $0x1  }
0xd1: {  	[tilespmem:s1+$0x8000] =	vst v12;
	s1 =	sor.u32 $0x430, s30  }
0xd2: {  	v1 =	vld [tilespmem:s1+$0x0];
	_ =	sdelay $0x4  }
0xd3: {  	v13 =	vadd.f32 v1, v13;
	_ =	sdelay $0x1  }
0xd4: {  	[tilespmem:s1+$0x8000] =	vst v13;
	s1 =	sor.u32 $0x440, s30  }
0xd5: {  	v1 =	vld [tilespmem:s1+$0x0];
	_ =	sdelay $0x4  }
0xd6: {  	v14 =	vadd.f32 v1, v14;
	_ =	sdelay $0x1  }
0xd7: {  	[tilespmem:s1+$0x8000] =	vst v14;
	s1 =	sor.u32 $0x450, s30  }
0xd8: {  	v1 =	vld [tilespmem:s1+$0x0];
	_ =	sdelay $0x4  }
0xd9: {  	v15 =	vadd.f32 v1, v15;
	_ =	sdelay $0x1  }
0xda: {  	[tilespmem:s1+$0x8000] =	vst v15;
	s1 =	sor.u32 $0x460, s30  }
0xdb: {  	v1 =	vld [tilespmem:s1+$0x0];
	_ =	sdelay $0x4  }
0xdc: {  	v16 =	vadd.f32 v1, v16;
	_ =	sdelay $0x1  }
0xdd: {  	[tilespmem:s1+$0x8000] =	vst v16;
	s1 =	sor.u32 $0x470, s30  }
0xde: {  	v1 =	vld [tilespmem:s1+$0x0];
	_ =	sdelay $0x4  }
0xdf: {  	v11 =	vadd.f32 v1, v11;
	_ =	sdelay $0x1  }
0xe0: {  	[tilespmem:s1+$0x8000] =	vst v11  }
0xe1: {  	v1 =	vld [tilespmem:s26+$0xC0]  }
0xe2: {  	v4 =	vld [tilespmem:s26+$0x80]  }
0xe3: {  	v19 =	vld [tilespmem:s26+$0x90]  }
0xe4: {  	v20 =	vld [tilespmem:s26+$0xA0]  }
0xe5: {  	v21 =	vld [tilespmem:s26+$0xD0]  }
0xe6: {  	v0 =	vadd.f32 v1, v0;
	v22 =	vld [tilespmem:s26+$0xE0]  }
0xe7: {  	v6 =	vadd.f32 v4, v10;
	v10 =	vld [tilespmem:s26+$0xF0]  }
0xe8: {  	v1 =	vadd.f32 v19, v9;
	v19 =	vld [tilespmem:s26+$0xB0];
	[tilespmem:s26+$0x80C0] =	vst v0  }
0xe9: {  	[tilespmem:s26+$0x8080] =	vst v6;
	v20 =	vadd.f32 v20, v8  }
0xea: {  	[tilespmem:s26+$0x8090] =	vst v1;
	v4 =	vadd.f32 v21, v18  }
0xeb: {  	[tilespmem:s26+$0x80A0] =	vst v20;
	v5 =	vadd.f32 v22, v5  }
0xec: {  	[tilespmem:s26+$0x80D0] =	vst v4;
	v9 =	vadd.f32 v10, v7  }
0xed: {  	v19 =	vadd.f32 v19, v2;
	[tilespmem:s26+$0x80E0] =	vst v5  }
0xee: {  	[tilespmem:s26+$0x80F0] =	vst v9  }
0xef: {  	s1 =	sor.u32 $0x400, s29;
	[tilespmem:s26+$0x80B0] =	vst v19  }
0xf0: {  	v2 =	vld [tilespmem:s1+$0x0];
	_ =	sdelay $0x4  }
0xf1: {  	v2 =	vadd.f32 v2, v3;
	_ =	sdelay $0x1  }
0xf2: {  	[tilespmem:s1+$0x8000] =	vst v2;
	s1 =	sor.u32 $0x410, s29  }
0xf3: {  	v3 =	vld [tilespmem:s1+$0x0];
	_ =	sdelay $0x4  }
0xf4: {  	v7 =	vadd.f32 v3, v17;
	_ =	sdelay $0x1  }
0xf5: {  	[tilespmem:s1+$0x8000] =	vst v7;
	s1 =	sor.u32 $0x420, s29  }
0xf6: {  	v3 =	vld [tilespmem:s1+$0x0];
	_ =	sdelay $0x4  }
0xf7: {  	v8 =	vadd.f32 v3, v12;
	_ =	sdelay $0x1  }
0xf8: {  	[tilespmem:s1+$0x8000] =	vst v8;
	s1 =	sor.u32 $0x430, s29  }
0xf9: {  	v3 =	vld [tilespmem:s1+$0x0];
	_ =	sdelay $0x4  }
0xfa: {  	v10 =	vadd.f32 v3, v13;
	_ =	sdelay $0x1  }
0xfb: {  	[tilespmem:s1+$0x8000] =	vst v10;
	s1 =	sor.u32 $0x440, s29  }
0xfc: {  	v3 =	vld [tilespmem:s1+$0x0];
	_ =	sdelay $0x4  }
0xfd: {  	v14 =	vadd.f32 v3, v14;
	_ =	sdelay $0x1  }
0xfe: {  	[tilespmem:s1+$0x8000] =	vst v14;
	s1 =	sor.u32 $0x450, s29  }
0xff: {  	v3 =	vld [tilespmem:s1+$0x0];
	_ =	sdelay $0x4  }
0x100: {  	v15 =	vadd.f32 v3, v15;
	_ =	sdelay $0x1  }
0x101: {  	[tilespmem:s1+$0x8000] =	vst v15;
	s1 =	sor.u32 $0x460, s29  }
0x102: {  	v3 =	vld [tilespmem:s1+$0x0];
	_ =	sdelay $0x4  }
0x103: {  	v17 =	vadd.f32 v3, v16;
	_ =	sdelay $0x1  }
0x104: {  	[tilespmem:s1+$0x8000] =	vst v17;
	s1 =	sor.u32 $0x470, s29  }
0x105: {  	v3 =	vld [tilespmem:s1+$0x0];
	_ =	sdelay $0x4  }
0x106: {  	v11 =	vadd.f32 v3, v11;
	_ =	sdelay $0x1  }
0x107: {  	[tilespmem:s1+$0x8000] =	vst v11  }
0x108: {  	v3 =	vld [tilespmem:s26+$0x160]  }
0x109: {  	v12 =	vld [tilespmem:s26+$0x120]  }
0x10a: {  	v13 =	vld [tilespmem:s26+$0x100]  }
0x10b: {  	v16 =	vld [tilespmem:s26+$0x130]  }
0x10c: {  	v21 =	vld [tilespmem:s26+$0x170]  }
0x10d: {  	v22 =	vld [tilespmem:s26+$0x110];
	v3 =	vadd.f32 v3, v5  }
0x10e: {  	v5 =	vadd.f32 v12, v20;
	v12 =	vld [tilespmem:s26+$0x140]  }
0x10f: {  	v18 =	vadd.f32 v13, v6;
	v13 =	vld [tilespmem:s26+$0x150];
	[tilespmem:s26+$0x8160] =	vst v3  }
0x110: {  	[tilespmem:s26+$0x8120] =	vst v5;
	v6 =	vadd.f32 v16, v19  }
0x111: {  	[tilespmem:s26+$0x8100] =	vst v18;
	v9 =	vadd.f32 v21, v9  }
0x112: {  	v1 =	vadd.f32 v22, v1;
	[tilespmem:s26+$0x8130] =	vst v6  }
0x113: {  	v0 =	vadd.f32 v12, v0;
	[tilespmem:s26+$0x8170] =	vst v9  }
0x114: {  	[tilespmem:s26+$0x8110] =	vst v1;
	v19 =	vadd.f32 v13, v4  }
0x115: {  	[tilespmem:s26+$0x8140] =	vst v0  }
0x116: {  	s1 =	sor.u32 $0x400, s28;
	[tilespmem:s26+$0x8150] =	vst v19  }
0x117: {  	v4 =	vld [tilespmem:s1+$0x0];
	_ =	sdelay $0x4  }
0x118: {  	v4 =	vadd.f32 v4, v2;
	_ =	sdelay $0x1  }
0x119: {  	[tilespmem:s1+$0x8000] =	vst v4;
	s1 =	sor.u32 $0x410, s28  }
0x11a: {  	v2 =	vld [tilespmem:s1+$0x0];
	_ =	sdelay $0x4  }
0x11b: {  	v16 =	vadd.f32 v2, v7;
	_ =	sdelay $0x1  }
0x11c: {  	[tilespmem:s1+$0x8000] =	vst v16;
	s1 =	sor.u32 $0x420, s28  }
0x11d: {  	v2 =	vld [tilespmem:s1+$0x0];
	_ =	sdelay $0x4  }
0x11e: {  	v12 =	vadd.f32 v2, v8;
	_ =	sdelay $0x1  }
0x11f: {  	[tilespmem:s1+$0x8000] =	vst v12;
	s1 =	sor.u32 $0x430, s28  }
0x120: {  	v2 =	vld [tilespmem:s1+$0x0];
	_ =	sdelay $0x4  }
0x121: {  	v13 =	vadd.f32 v2, v10;
	_ =	sdelay $0x1  }
0x122: {  	[tilespmem:s1+$0x8000] =	vst v13;
	s1 =	sor.u32 $0x440, s28  }
0x123: {  	v2 =	vld [tilespmem:s1+$0x0];
	_ =	sdelay $0x4  }
0x124: {  	v14 =	vadd.f32 v2, v14;
	_ =	sdelay $0x1  }
0x125: {  	[tilespmem:s1+$0x8000] =	vst v14;
	s1 =	sor.u32 $0x450, s28  }
0x126: {  	v2 =	vld [tilespmem:s1+$0x0];
	_ =	sdelay $0x4  }
0x127: {  	v15 =	vadd.f32 v2, v15;
	_ =	sdelay $0x1  }
0x128: {  	[tilespmem:s1+$0x8000] =	vst v15;
	s1 =	sor.u32 $0x460, s28  }
0x129: {  	v2 =	vld [tilespmem:s1+$0x0];
	_ =	sdelay $0x4  }
0x12a: {  	v10 =	vadd.f32 v2, v17;
	_ =	sdelay $0x1  }
0x12b: {  	[tilespmem:s1+$0x8000] =	vst v10;
	s1 =	sor.u32 $0x470, s28  }
0x12c: {  	v2 =	vld [tilespmem:s1+$0x0];
	_ =	sdelay $0x4  }
0x12d: {  	v11 =	vadd.f32 v2, v11;
	_ =	sdelay $0x1  }
0x12e: {  	[tilespmem:s1+$0x8000] =	vst v11  }
0x12f: {  	v2 =	vld [tilespmem:s26+$0x190]  }
0x130: {  	v7 =	vld [tilespmem:s26+$0x180]  }
0x131: {  	v8 =	vld [tilespmem:s26+$0x1C0]  }
0x132: {  	v17 =	vld [tilespmem:s26+$0x1A0]  }
0x133: {  	v20 =	vld [tilespmem:s26+$0x1D0]  }
0x134: {  	v21 =	vld [tilespmem:s26+$0x1B0]  }
0x135: {  	v2 =	vadd.f32 v2, v1;
	v7 =	vadd.f32 v7, v18;
	v18 =	vld [tilespmem:s26+$0x1E0]  }
0x136: {  	v0 =	vadd.f32 v8, v0;
	v22 =	vld [tilespmem:s26+$0x1F0]  }
0x137: {  	[tilespmem:s26+$0x8190] =	vst v2;
	v8 =	vadd.f32 v17, v5  }
0x138: {  	[tilespmem:s26+$0x81C0] =	vst v0;
	v1 =	vadd.f32 v20, v19  }
0x139: {  	[tilespmem:s26+$0x81A0] =	vst v8;
	v5 =	vadd.f32 v21, v6  }
0x13a: {  	[tilespmem:s26+$0x81D0] =	vst v1;
	v6 =	vadd.f32 v18, v3  }
0x13b: {  	[tilespmem:s26+$0x8180] =	vst v7;
	v9 =	vadd.f32 v22, v9  }
0x13c: {  	[tilespmem:s26+$0x81E0] =	vst v6  }
0x13d: {  	[tilespmem:s26+$0x81F0] =	vst v9  }
0x13e: {  	s1 =	sor.u32 $0x400, s25;
	[tilespmem:s26+$0x81B0] =	vst v5  }
0x13f: {  	v3 =	vld [tilespmem:s1+$0x0];
	_ =	sdelay $0x4  }
0x140: {  	v3 =	vadd.f32 v3, v4;
	_ =	sdelay $0x1  }
0x141: {  	[tilespmem:s1+$0x8000] =	vst v3;
	s1 =	sor.u32 $0x410, s25  }
0x142: {  	v4 =	vld [tilespmem:s1+$0x0];
	_ =	sdelay $0x4  }
0x143: {  	v4 =	vadd.f32 v4, v16  }
.Ltmp0:
0x144: {  	(pc) =	sbr.rel @p2 .LBB2_3-.Ltmp0, $3  }
0x145: {  	[tilespmem:s1+$0x8000] =	vst v4;
	s1 =	sor.u32 $0x420, s25  }
0x146: {  	v16 =	vld [tilespmem:s1+$0x0];
	_ =	sdelay $0x1  }
0x147: {  	p1 =	por !p1, !p1  }
0x148: {  	_ =	sdelay $0x1  }
0x149: {  	v12 =	vadd.f32 v16, v12;
	_ =	sdelay $0x1  }
0x14a: {  	s24 =	sor.u32 $0x430, s25;
	[tilespmem:s1+$0x8000] =	vst v12  }
0x14b: {  	v16 =	vld [tilespmem:s24+$0x0];
	_ =	sdelay $0x4  }
0x14c: {  	v13 =	vadd.f32 v16, v13;
	_ =	sdelay $0x1  }
0x14d: {  	s26 =	sor.u32 $0x440, s25;
	[tilespmem:s24+$0x8000] =	vst v13  }
0x14e: {  	v16 =	vld [tilespmem:s26+$0x0];
	_ =	sdelay $0x4  }
0x14f: {  	v14 =	vadd.f32 v16, v14;
	_ =	sdelay $0x1  }
0x150: {  	s28 =	sor.u32 $0x450, s25;
	[tilespmem:s26+$0x8000] =	vst v14  }
0x151: {  	v16 =	vld [tilespmem:s28+$0x0];
	_ =	sdelay $0x4  }
0x152: {  	v15 =	vadd.f32 v16, v15;
	_ =	sdelay $0x1  }
0x153: {  	s29 =	sor.u32 $0x460, s25;
	[tilespmem:s28+$0x8000] =	vst v15  }
0x154: {  	v16 =	vld [tilespmem:s29+$0x0];
	_ =	sdelay $0x4  }
0x155: {  	v10 =	vadd.f32 v16, v10;
	_ =	sdelay $0x1  }
0x156: {  	s30 =	sor.u32 $0x470, s25;
	[tilespmem:s29+$0x8000] =	vst v10  }
0x157: {  	v16 =	vld [tilespmem:s30+$0x0];
	_ =	sdelay $0x2  }
0x158: {  	p1 =	sne.s32 s20, $0x3F  }
.Ltmp1:
0x159: {  	_ = 	snop;
	(pc) =	sbr.rel @p1 .LBB2_6-.Ltmp1, $4  }
0x15a: {  	s22 =	sor.u32 s21, s4;
	v11 =	vadd.f32 v16, v11  }
0x15b: {  	s22 =	sshrl.u32 s22, $0x3  }
0x15c: {  	s31 =	sadd.s32 s3, s22;
	[tilespmem:s30+$0x8000] =	vst v11  }
0x15d: {  	[hbm4b:s31+s11] =	stream.strided.scatter [tilespmem:s14], [sflag:$0x3], $0x4000, s12, s11, $0x38;
	[tilespmem:$0x10000] =	vst v63  }
.Ltmp2:
0x15e: {  	(pc) =	sbr.rel .LBB2_7-.Ltmp2, $4  }
0x15f: {  	_ = 	snop  }
0x160: {  	_ =	swait.ge [sflag:s15], $0x4000  }
0x161: {  	[sflag:s15] =	ssyncset.done $0x0  }
0x162: {  	[sflag:s15] =	ssyncadd.s32 $0xFFFFC000  }
.LBB2_6:
0x163: {  	s1 =	sadd.s32 s21, s8  }
0x164: {  	s1 =	sshrl.u32 s1, $0x3  }
.Ltmp3:
0x165: {  	s1 =	sadd.s32 s2, s1;
	(pc) =	sbr.rel @p0 .LBB2_8-.Ltmp3, $4  }
0x166: {  	[tilespmem:s5], [sflag:$0x1] =	stream.strided.gather [hbm4b:s1+s11], $0x4000, s12, s11, $0x38;
	[tilespmem:$0x10000] =	vst v63  }
0x167: {  	_ =	swait.ge [sflag:s15], $0x4000  }
0x168: {  	[sflag:s15] =	ssyncset.done $0x0  }
0x169: {  	[sflag:s15] =	ssyncadd.s32 $0xFFFFC000  }
.LBB2_7:
0x16a: {  	_ =	swait.ge [sflag:s16], $0x4000  }
0x16b: {  	[sflag:s16] =	ssyncset.done $0x0  }
0x16c: {  	[sflag:s16] =	ssyncadd.s32 $0xFFFFC000  }
.LBB2_8:
0x16d: {  	s23 =	simm.s32 $0x0  }
0x16e: {  	s1 =	sand.u32 $0x3800, s23;
	s24 =	sand.u32 $0x200, s23  }
0x16f: {  	s24 =	sor.u32 s24, s1  }
0x170: {  	v16 =	vld [tilespmem:s24+$0x4000]  }
0x171: {  	v17 =	vld [tilespmem:s24+$0x4020]  }
0x172: {  	v18 =	vld [tilespmem:s24+$0x4070]  }
0x173: {  	v19 =	vld [tilespmem:s24+$0x4010]  }
0x174: {  	v20 =	vld [tilespmem:s24+$0x4060]  }
0x175: {  	v21 =	vld [tilespmem:s24+$0x4030];
	v7 =	vadd.f32 v16, v7  }
0x176: {  	v16 =	vld [tilespmem:s24+$0x4040];
	v8 =	vadd.f32 v17, v8  }
0x177: {  	v17 =	vld [tilespmem:s24+$0x4050];
	v9 =	vadd.f32 v18, v9;
	[tilespmem:s24+$0xC000] =	vst v7  }
0x178: {  	v2 =	vadd.f32 v19, v2;
	[tilespmem:s24+$0xC020] =	vst v8  }
0x179: {  	v6 =	vadd.f32 v20, v6;
	[tilespmem:s24+$0xC070] =	vst v9  }
0x17a: {  	p0 =	por $0x0, $0x0;
	s1 =	simm.s32 $0x1;
	v5 =	vadd.f32 v21, v5;
	[tilespmem:s24+$0xC010] =	vst v2  }
0x17b: {  	s1 =	simm.s32 @!p0 $0x0;
	[tilespmem:s24+$0xC060] =	vst v6;
	v0 =	vadd.f32 v16, v0  }
0x17c: {  	s1 =	sshll.u32 s1, $0x9;
	[tilespmem:s24+$0xC030] =	vst v5;
	v1 =	vadd.f32 v17, v1  }
0x17d: {  	s25 =	sadd.s32 $0x0, s1;
	[tilespmem:s24+$0xC040] =	vst v0  }
0x17e: {  	s1 =	sor.u32 $0x4400, s25;
	[tilespmem:s24+$0xC050] =	vst v1  }
0x17f: {  	v16 =	vld [tilespmem:s1+$0x0];
	_ =	sdelay $0x4  }
0x180: {  	v3 =	vadd.f32 v16, v3;
	_ =	sdelay $0x1  }
0x181: {  	s0 =	sor.u32 $0x4410, s25;
	[tilespmem:s1+$0x8000] =	vst v3  }
0x182: {  	v16 =	vld [tilespmem:s0+$0x0];
	_ =	sdelay $0x4  }
0x183: {  	v4 =	vadd.f32 v16, v4;
	_ =	sdelay $0x1  }
0x184: {  	s26 =	sor.u32 $0x4420, s25;
	[tilespmem:s0+$0x8000] =	vst v4  }
0x185: {  	v16 =	vld [tilespmem:s26+$0x0];
	_ =	sdelay $0x4  }
0x186: {  	v12 =	vadd.f32 v16, v12;
	_ =	sdelay $0x1  }
0x187: {  	s29 =	sor.u32 $0x4430, s25;
	[tilespmem:s26+$0x8000] =	vst v12  }
0x188: {  	v16 =	vld [tilespmem:s29+$0x0];
	_ =	sdelay $0x4  }
0x189: {  	v13 =	vadd.f32 v16, v13;
	_ =	sdelay $0x1  }
0x18a: {  	s30 =	sor.u32 $0x4440, s25;
	[tilespmem:s29+$0x8000] =	vst v13  }
0x18b: {  	v16 =	vld [tilespmem:s30+$0x0];
	_ =	sdelay $0x4  }
0x18c: {  	v14 =	vadd.f32 v16, v14;
	_ =	sdelay $0x1  }
0x18d: {  	s31 =	sor.u32 $0x4450, s25;
	[tilespmem:s30+$0x8000] =	vst v14  }
0x18e: {  	v16 =	vld [tilespmem:s31+$0x0];
	_ =	sdelay $0x4  }
0x18f: {  	v15 =	vadd.f32 v16, v15;
	_ =	sdelay $0x1  }
0x190: {  	s0 =	sor.u32 $0x4460, s25;
	[tilespmem:s31+$0x8000] =	vst v15  }
0x191: {  	v16 =	vld [tilespmem:s0+$0x0];
	_ =	sdelay $0x4  }
0x192: {  	v10 =	vadd.f32 v16, v10;
	_ =	sdelay $0x1  }
0x193: {  	s26 =	sor.u32 $0x4470, s25;
	[tilespmem:s0+$0x8000] =	vst v10  }
0x194: {  	v16 =	vld [tilespmem:s26+$0x0];
	_ =	sdelay $0x4  }
0x195: {  	v11 =	vadd.f32 v16, v11;
	_ =	sdelay $0x1  }
0x196: {  	[tilespmem:s26+$0x8000] =	vst v11  }
0x197: {  	v16 =	vld [tilespmem:s24+$0x40C0]  }
0x198: {  	v17 =	vld [tilespmem:s24+$0x4080]  }
0x199: {  	v18 =	vld [tilespmem:s24+$0x4090]  }
0x19a: {  	v19 =	vld [tilespmem:s24+$0x40A0]  }
0x19b: {  	v59 =	vld [tilespmem:s24+$0x40D0]  }
0x19c: {  	v0 =	vadd.f32 v16, v0;
	v16 =	vld [tilespmem:s24+$0x40E0]  }
0x19d: {  	v7 =	vadd.f32 v17, v7;
	v17 =	vld [tilespmem:s24+$0x40F0]  }
0x19e: {  	v2 =	vadd.f32 v18, v2;
	v18 =	vld [tilespmem:s24+$0x40B0];
	[tilespmem:s24+$0xC0C0] =	vst v0  }
0x19f: {  	v8 =	vadd.f32 v19, v8;
	[tilespmem:s24+$0xC080] =	vst v7  }
0x1a0: {  	v1 =	vadd.f32 v59, v1;
	[tilespmem:s24+$0xC090] =	vst v2  }
0x1a1: {  	[tilespmem:s24+$0xC0A0] =	vst v8;
	v6 =	vadd.f32 v16, v6  }
0x1a2: {  	[tilespmem:s24+$0xC0D0] =	vst v1;
	v9 =	vadd.f32 v17, v9  }
0x1a3: {  	v5 =	vadd.f32 v18, v5;
	[tilespmem:s24+$0xC0E0] =	vst v6  }
0x1a4: {  	s1 =	sadd.s32 $0x80, s25;
	[tilespmem:s24+$0xC0F0] =	vst v9  }
0x1a5: {  	s26 =	sor.u32 $0x4400, s1;
	[tilespmem:s24+$0xC0B0] =	vst v5  }
0x1a6: {  	v16 =	vld [tilespmem:s26+$0x0];
	_ =	sdelay $0x4  }
0x1a7: {  	v3 =	vadd.f32 v16, v3;
	_ =	sdelay $0x1  }
0x1a8: {  	s29 =	sor.u32 $0x4410, s1;
	[tilespmem:s26+$0x8000] =	vst v3  }
0x1a9: {  	v16 =	vld [tilespmem:s29+$0x0];
	_ =	sdelay $0x4  }
0x1aa: {  	v4 =	vadd.f32 v16, v4;
	_ =	sdelay $0x1  }
0x1ab: {  	s30 =	sor.u32 $0x4420, s1;
	[tilespmem:s29+$0x8000] =	vst v4  }
0x1ac: {  	v16 =	vld [tilespmem:s30+$0x0];
	_ =	sdelay $0x4  }
0x1ad: {  	v12 =	vadd.f32 v16, v12;
	_ =	sdelay $0x1  }
0x1ae: {  	s31 =	sor.u32 $0x4430, s1;
	[tilespmem:s30+$0x8000] =	vst v12  }
0x1af: {  	v16 =	vld [tilespmem:s31+$0x0];
	_ =	sdelay $0x4  }
0x1b0: {  	v13 =	vadd.f32 v16, v13;
	_ =	sdelay $0x1  }
0x1b1: {  	s0 =	sor.u32 $0x4440, s1;
	[tilespmem:s31+$0x8000] =	vst v13  }
0x1b2: {  	v16 =	vld [tilespmem:s0+$0x0];
	_ =	sdelay $0x4  }
0x1b3: {  	v14 =	vadd.f32 v16, v14;
	_ =	sdelay $0x1  }
0x1b4: {  	s29 =	sor.u32 $0x4450, s1;
	[tilespmem:s0+$0x8000] =	vst v14  }
0x1b5: {  	v16 =	vld [tilespmem:s29+$0x0];
	_ =	sdelay $0x4  }
0x1b6: {  	v15 =	vadd.f32 v16, v15;
	_ =	sdelay $0x1  }
0x1b7: {  	s30 =	sor.u32 $0x4460, s1;
	[tilespmem:s29+$0x8000] =	vst v15  }
0x1b8: {  	v16 =	vld [tilespmem:s30+$0x0];
	_ =	sdelay $0x4  }
0x1b9: {  	v10 =	vadd.f32 v16, v10;
	_ =	sdelay $0x1  }
0x1ba: {  	s1 =	sor.u32 $0x4470, s1;
	[tilespmem:s30+$0x8000] =	vst v10  }
0x1bb: {  	v16 =	vld [tilespmem:s1+$0x0];
	_ =	sdelay $0x4  }
0x1bc: {  	v11 =	vadd.f32 v16, v11;
	_ =	sdelay $0x1  }
0x1bd: {  	[tilespmem:s1+$0x8000] =	vst v11  }
0x1be: {  	v16 =	vld [tilespmem:s24+$0x4160]  }
0x1bf: {  	v17 =	vld [tilespmem:s24+$0x4120]  }
0x1c0: {  	v18 =	vld [tilespmem:s24+$0x4100]  }
0x1c1: {  	v19 =	vld [tilespmem:s24+$0x4130]  }
0x1c2: {  	v60 =	vld [tilespmem:s24+$0x4170]  }
0x1c3: {  	v61 =	vld [tilespmem:s24+$0x4110];
	v6 =	vadd.f32 v16, v6  }
0x1c4: {  	v8 =	vadd.f32 v17, v8;
	v16 =	vld [tilespmem:s24+$0x4140]  }
0x1c5: {  	v17 =	vadd.f32 v18, v7;
	v7 =	vld [tilespmem:s24+$0x4150];
	[tilespmem:s24+$0xC160] =	vst v6  }
0x1c6: {  	v5 =	vadd.f32 v19, v5;
	[tilespmem:s24+$0xC120] =	vst v8  }
0x1c7: {  	v9 =	vadd.f32 v60, v9;
	[tilespmem:s24+$0xC100] =	vst v17  }
0x1c8: {  	v2 =	vadd.f32 v61, v2;
	[tilespmem:s24+$0xC130] =	vst v5  }
0x1c9: {  	[tilespmem:s24+$0xC170] =	vst v9;
	v0 =	vadd.f32 v16, v0  }
0x1ca: {  	[tilespmem:s24+$0xC110] =	vst v2;
	v1 =	vadd.f32 v7, v1  }
0x1cb: {  	s1 =	sadd.s32 $0x100, s25;
	[tilespmem:s24+$0xC140] =	vst v0  }
0x1cc: {  	s31 =	sor.u32 $0x4400, s1;
	[tilespmem:s24+$0xC150] =	vst v1  }
0x1cd: {  	v7 =	vld [tilespmem:s31+$0x0];
	_ =	sdelay $0x4  }
0x1ce: {  	v3 =	vadd.f32 v7, v3;
	_ =	sdelay $0x1  }
0x1cf: {  	s0 =	sor.u32 $0x4410, s1;
	[tilespmem:s31+$0x8000] =	vst v3  }
0x1d0: {  	v7 =	vld [tilespmem:s0+$0x0];
	_ =	sdelay $0x4  }
0x1d1: {  	v16 =	vadd.f32 v7, v4;
	_ =	sdelay $0x1  }
0x1d2: {  	s29 =	sor.u32 $0x4420, s1;
	[tilespmem:s0+$0x8000] =	vst v16  }
0x1d3: {  	v4 =	vld [tilespmem:s29+$0x0];
	_ =	sdelay $0x4  }
0x1d4: {  	v12 =	vadd.f32 v4, v12;
	_ =	sdelay $0x1  }
0x1d5: {  	s30 =	sor.u32 $0x4430, s1;
	[tilespmem:s29+$0x8000] =	vst v12  }
0x1d6: {  	v4 =	vld [tilespmem:s30+$0x0];
	_ =	sdelay $0x4  }
0x1d7: {  	v13 =	vadd.f32 v4, v13;
	_ =	sdelay $0x1  }
0x1d8: {  	s31 =	sor.u32 $0x4440, s1;
	[tilespmem:s30+$0x8000] =	vst v13  }
0x1d9: {  	v4 =	vld [tilespmem:s31+$0x0];
	_ =	sdelay $0x4  }
0x1da: {  	v14 =	vadd.f32 v4, v14;
	_ =	sdelay $0x1  }
0x1db: {  	s0 =	sor.u32 $0x4450, s1;
	[tilespmem:s31+$0x8000] =	vst v14  }
0x1dc: {  	v4 =	vld [tilespmem:s0+$0x0];
	_ =	sdelay $0x4  }
0x1dd: {  	v15 =	vadd.f32 v4, v15;
	_ =	sdelay $0x1  }
0x1de: {  	s29 =	sor.u32 $0x4460, s1;
	[tilespmem:s0+$0x8000] =	vst v15  }
0x1df: {  	v4 =	vld [tilespmem:s29+$0x0];
	_ =	sdelay $0x4  }
0x1e0: {  	v10 =	vadd.f32 v4, v10;
	_ =	sdelay $0x1  }
0x1e1: {  	s1 =	sor.u32 $0x4470, s1;
	[tilespmem:s29+$0x8000] =	vst v10  }
0x1e2: {  	v4 =	vld [tilespmem:s1+$0x0];
	_ =	sdelay $0x4  }
0x1e3: {  	v11 =	vadd.f32 v4, v11;
	_ =	sdelay $0x1  }
0x1e4: {  	[tilespmem:s1+$0x8000] =	vst v11  }
0x1e5: {  	v4 =	vld [tilespmem:s24+$0x4190]  }
0x1e6: {  	v7 =	vld [tilespmem:s24+$0x41C0]  }
0x1e7: {  	v18 =	vld [tilespmem:s24+$0x41A0]  }
0x1e8: {  	v19 =	vld [tilespmem:s24+$0x41D0]  }
0x1e9: {  	v62 =	vld [tilespmem:s24+$0x4180]  }
0x1ea: {  	v63 =	vld [tilespmem:s24+$0x41F0];
	v4 =	vadd.f32 v4, v2  }
0x1eb: {  	v22 =	vld [tilespmem:s24+$0x41B0];
	v0 =	vadd.f32 v7, v0  }
0x1ec: {  	v2 =	vld [tilespmem:s24+$0x41E0];
	v7 =	vadd.f32 v18, v8;
	[tilespmem:s24+$0xC190] =	vst v4  }
0x1ed: {  	v1 =	vadd.f32 v19, v1;
	[tilespmem:s24+$0xC1C0] =	vst v0  }
0x1ee: {  	v8 =	vadd.f32 v62, v17;
	[tilespmem:s24+$0xC1A0] =	vst v7  }
0x1ef: {  	v9 =	vadd.f32 v63, v9;
	[tilespmem:s24+$0xC1D0] =	vst v1  }
0x1f0: {  	v5 =	vadd.f32 v22, v5;
	[tilespmem:s24+$0xC180] =	vst v8  }
0x1f1: {  	[tilespmem:s24+$0xC1F0] =	vst v9;
	v6 =	vadd.f32 v2, v6  }
0x1f2: {  	s28 =	sadd.s32 $0x180, s25;
	[tilespmem:s24+$0xC1B0] =	vst v5  }
0x1f3: {  	s30 =	sor.u32 $0x4400, s28;
	[tilespmem:s24+$0xC1E0] =	vst v6  }
0x1f4: {  	v2 =	vld [tilespmem:s30+$0x0];
	_ =	sdelay $0x4  }
0x1f5: {  	v3 =	vadd.f32 v2, v3;
	_ =	sdelay $0x1  }
0x1f6: {  	s31 =	sor.u32 $0x4410, s28;
	[tilespmem:s30+$0x8000] =	vst v3  }
0x1f7: {  	v2 =	vld [tilespmem:s31+$0x0];
	_ =	sdelay $0x4  }
0x1f8: {  	v2 =	vadd.f32 v2, v16;
	_ =	sdelay $0x1  }
0x1f9: {  	s1 =	sor.u32 $0x4420, s28;
	[tilespmem:s31+$0x8000] =	vst v2  }
0x1fa: {  	v16 =	vld [tilespmem:s1+$0x0]  }
0x1fb: {  	p0 =	por !p0, !p0  }
0x1fc: {  	s26 =	simm.s32 $0x0;
	s25 =	simm.s32 $0x0;
	s24 =	sadd.s32 $0x1, s20  }
.LBB2_9:
0x1fd: {  	s25 =	sadd.s32 $0x4, s25;
	s23 =	sadd.s32 $0x200, s23;
	s26 =	sadd.s32 $0x400, s26  }
0x1fe: {  	p1 =	slt.u32 s25, $0x3C  }
0x1ff: {  	v12 =	vadd.f32 v16, v12;
	_ =	sdelay $0x1  }
0x200: {  	[tilespmem:s1+$0x8000] =	vst v12;
	s1 =	sor.u32 $0x4430, s28  }
0x201: {  	v16 =	vld [tilespmem:s1+$0x0];
	_ =	sdelay $0x4  }
0x202: {  	v13 =	vadd.f32 v16, v13;
	_ =	sdelay $0x1  }
0x203: {  	[tilespmem:s1+$0x8000] =	vst v13;
	s1 =	sor.u32 $0x4440, s28  }
0x204: {  	v16 =	vld [tilespmem:s1+$0x0];
	_ =	sdelay $0x4  }
0x205: {  	v14 =	vadd.f32 v16, v14;
	_ =	sdelay $0x1  }
0x206: {  	[tilespmem:s1+$0x8000] =	vst v14;
	s1 =	sor.u32 $0x4450, s28  }
0x207: {  	v16 =	vld [tilespmem:s1+$0x0];
	_ =	sdelay $0x4  }
0x208: {  	v15 =	vadd.f32 v16, v15;
	_ =	sdelay $0x1  }
0x209: {  	[tilespmem:s1+$0x8000] =	vst v15;
	s1 =	sor.u32 $0x4460, s28  }
0x20a: {  	s29 =	sand.u32 $0x3800, s26;
	s30 =	sand.u32 $0x200, s23;
	v16 =	vld [tilespmem:s1+$0x0]  }
0x20b: {  	s29 =	sor.u32 s30, s29;
	_ =	sdelay $0x3  }
0x20c: {  	v16 =	vadd.f32 v16, v10;
	_ =	sdelay $0x1  }
0x20d: {  	[tilespmem:s1+$0x8000] =	vst v16;
	s1 =	sor.u32 $0x4470, s28  }
0x20e: {  	v10 =	vld [tilespmem:s1+$0x0];
	_ =	sdelay $0x4  }
0x20f: {  	v11 =	vadd.f32 v10, v11;
	_ =	sdelay $0x1  }
0x210: {  	[tilespmem:s1+$0x8000] =	vst v11  }
0x211: {  	v17 =	vld [tilespmem:s29+$0x4010]  }
0x212: {  	v10 =	vld [tilespmem:s29+$0x4000]  }
0x213: {  	v18 =	vld [tilespmem:s29+$0x4020]  }
0x214: {  	v19 =	vld [tilespmem:s29+$0x4070]  }
0x215: {  	v20 =	vld [tilespmem:s29+$0x4030]  }
0x216: {  	v21 =	vld [tilespmem:s29+$0x4060]  }
0x217: {  	v10 =	vadd.f32 v10, v8;
	v22 =	vld [tilespmem:s29+$0x4040]  }
0x218: {  	v8 =	vadd.f32 v18, v7;
	v18 =	vld [tilespmem:s29+$0x4050]  }
0x219: {  	[tilespmem:s29+$0xC000] =	vst v10;
	v7 =	vadd.f32 v19, v9  }
0x21a: {  	v9 =	vadd.f32 v17, v4;
	[tilespmem:s29+$0xC020] =	vst v8;
	v4 =	vadd.f32 v20, v5  }
0x21b: {  	v5 =	vadd.f32 v21, v6;
	[tilespmem:s29+$0xC070] =	vst v7  }
0x21c: {  	s1 =	simm.s32 $0x1;
	[tilespmem:s29+$0xC010] =	vst v9;
	v0 =	vadd.f32 v22, v0  }
0x21d: {  	s1 =	simm.s32 @!p0 $0x0;
	v18 =	vadd.f32 v18, v1;
	[tilespmem:s29+$0xC060] =	vst v5  }
0x21e: {  	s1 =	sshll.u32 s1, $0x9;
	[tilespmem:s29+$0xC040] =	vst v0  }
0x21f: {  	s1 =	sadd.s32 s1, s26;
	[tilespmem:s29+$0xC050] =	vst v18  }
0x220: {  	s0 =	sor.u32 $0x4400, s1;
	s31 =	sadd.s32 $0x80, s1;
	s30 =	sadd.s32 $0x100, s1;
	[tilespmem:s29+$0xC030] =	vst v4  }
0x221: {  	s28 =	sadd.s32 $0x180, s1;
	v1 =	vld [tilespmem:s0+$0x0];
	_ =	sdelay $0x4  }
0x222: {  	v17 =	vadd.f32 v1, v3;
	_ =	sdelay $0x1  }
0x223: {  	[tilespmem:s0+$0x8000] =	vst v17;
	s0 =	sor.u32 $0x4410, s1  }
0x224: {  	v1 =	vld [tilespmem:s0+$0x0];
	_ =	sdelay $0x4  }
0x225: {  	v2 =	vadd.f32 v1, v2;
	_ =	sdelay $0x1  }
0x226: {  	[tilespmem:s0+$0x8000] =	vst v2;
	s0 =	sor.u32 $0x4420, s1  }
0x227: {  	v1 =	vld [tilespmem:s0+$0x0];
	_ =	sdelay $0x4  }
0x228: {  	v12 =	vadd.f32 v1, v12;
	_ =	sdelay $0x1  }
0x229: {  	[tilespmem:s0+$0x8000] =	vst v12;
	s0 =	sor.u32 $0x4430, s1  }
0x22a: {  	v1 =	vld [tilespmem:s0+$0x0];
	_ =	sdelay $0x4  }
0x22b: {  	v13 =	vadd.f32 v1, v13;
	_ =	sdelay $0x1  }
0x22c: {  	[tilespmem:s0+$0x8000] =	vst v13;
	s0 =	sor.u32 $0x4440, s1  }
0x22d: {  	v1 =	vld [tilespmem:s0+$0x0];
	_ =	sdelay $0x4  }
0x22e: {  	v14 =	vadd.f32 v1, v14;
	_ =	sdelay $0x1  }
0x22f: {  	[tilespmem:s0+$0x8000] =	vst v14;
	s0 =	sor.u32 $0x4450, s1  }
0x230: {  	v1 =	vld [tilespmem:s0+$0x0];
	_ =	sdelay $0x4  }
0x231: {  	v15 =	vadd.f32 v1, v15;
	_ =	sdelay $0x1  }
0x232: {  	[tilespmem:s0+$0x8000] =	vst v15;
	s0 =	sor.u32 $0x4460, s1  }
0x233: {  	v1 =	vld [tilespmem:s0+$0x0];
	_ =	sdelay $0x4  }
0x234: {  	v16 =	vadd.f32 v1, v16;
	_ =	sdelay $0x1  }
0x235: {  	[tilespmem:s0+$0x8000] =	vst v16;
	s0 =	sor.u32 $0x4470, s1  }
0x236: {  	v1 =	vld [tilespmem:s0+$0x0];
	_ =	sdelay $0x4  }
0x237: {  	v11 =	vadd.f32 v1, v11;
	_ =	sdelay $0x1  }
0x238: {  	[tilespmem:s0+$0x8000] =	vst v11  }
0x239: {  	v1 =	vld [tilespmem:s29+$0x40C0]  }
0x23a: {  	v3 =	vld [tilespmem:s29+$0x4080]  }
0x23b: {  	v19 =	vld [tilespmem:s29+$0x4090]  }
0x23c: {  	v20 =	vld [tilespmem:s29+$0x40A0]  }
0x23d: {  	v21 =	vld [tilespmem:s29+$0x40D0]  }
0x23e: {  	v0 =	vadd.f32 v1, v0;
	v22 =	vld [tilespmem:s29+$0x40E0]  }
0x23f: {  	v6 =	vadd.f32 v3, v10;
	v10 =	vld [tilespmem:s29+$0x40F0]  }
0x240: {  	v1 =	vadd.f32 v19, v9;
	v19 =	vld [tilespmem:s29+$0x40B0];
	[tilespmem:s29+$0xC0C0] =	vst v0  }
0x241: {  	[tilespmem:s29+$0xC080] =	vst v6;
	v20 =	vadd.f32 v20, v8  }
0x242: {  	[tilespmem:s29+$0xC090] =	vst v1;
	v3 =	vadd.f32 v21, v18  }
0x243: {  	[tilespmem:s29+$0xC0A0] =	vst v20;
	v5 =	vadd.f32 v22, v5  }
0x244: {  	[tilespmem:s29+$0xC0D0] =	vst v3;
	v9 =	vadd.f32 v10, v7  }
0x245: {  	v19 =	vadd.f32 v19, v4;
	[tilespmem:s29+$0xC0E0] =	vst v5  }
0x246: {  	[tilespmem:s29+$0xC0F0] =	vst v9  }
0x247: {  	s0 =	sor.u32 $0x4400, s31;
	[tilespmem:s29+$0xC0B0] =	vst v19  }
0x248: {  	v4 =	vld [tilespmem:s0+$0x0];
	_ =	sdelay $0x4  }
0x249: {  	v4 =	vadd.f32 v4, v17;
	_ =	sdelay $0x1  }
0x24a: {  	[tilespmem:s0+$0x8000] =	vst v4;
	s0 =	sor.u32 $0x4410, s31  }
0x24b: {  	v7 =	vld [tilespmem:s0+$0x0];
	_ =	sdelay $0x4  }
0x24c: {  	v7 =	vadd.f32 v7, v2;
	_ =	sdelay $0x1  }
0x24d: {  	[tilespmem:s0+$0x8000] =	vst v7;
	s0 =	sor.u32 $0x4420, s31  }
0x24e: {  	v2 =	vld [tilespmem:s0+$0x0];
	_ =	sdelay $0x4  }
0x24f: {  	v8 =	vadd.f32 v2, v12;
	_ =	sdelay $0x1  }
0x250: {  	[tilespmem:s0+$0x8000] =	vst v8;
	s0 =	sor.u32 $0x4430, s31  }
0x251: {  	v2 =	vld [tilespmem:s0+$0x0];
	_ =	sdelay $0x4  }
0x252: {  	v10 =	vadd.f32 v2, v13;
	_ =	sdelay $0x1  }
0x253: {  	[tilespmem:s0+$0x8000] =	vst v10;
	s0 =	sor.u32 $0x4440, s31  }
0x254: {  	v2 =	vld [tilespmem:s0+$0x0];
	_ =	sdelay $0x4  }
0x255: {  	v14 =	vadd.f32 v2, v14;
	_ =	sdelay $0x1  }
0x256: {  	[tilespmem:s0+$0x8000] =	vst v14;
	s0 =	sor.u32 $0x4450, s31  }
0x257: {  	v2 =	vld [tilespmem:s0+$0x0];
	_ =	sdelay $0x4  }
0x258: {  	v15 =	vadd.f32 v2, v15;
	_ =	sdelay $0x1  }
0x259: {  	[tilespmem:s0+$0x8000] =	vst v15;
	s0 =	sor.u32 $0x4460, s31  }
0x25a: {  	v2 =	vld [tilespmem:s0+$0x0];
	_ =	sdelay $0x4  }
0x25b: {  	v17 =	vadd.f32 v2, v16;
	_ =	sdelay $0x1  }
0x25c: {  	[tilespmem:s0+$0x8000] =	vst v17;
	s0 =	sor.u32 $0x4470, s31  }
0x25d: {  	v2 =	vld [tilespmem:s0+$0x0];
	_ =	sdelay $0x4  }
0x25e: {  	v11 =	vadd.f32 v2, v11;
	_ =	sdelay $0x1  }
0x25f: {  	[tilespmem:s0+$0x8000] =	vst v11  }
0x260: {  	v2 =	vld [tilespmem:s29+$0x4160]  }
0x261: {  	v12 =	vld [tilespmem:s29+$0x4120]  }
0x262: {  	v13 =	vld [tilespmem:s29+$0x4100]  }
0x263: {  	v16 =	vld [tilespmem:s29+$0x4130]  }
0x264: {  	v21 =	vld [tilespmem:s29+$0x4170]  }
0x265: {  	v22 =	vld [tilespmem:s29+$0x4110];
	v2 =	vadd.f32 v2, v5  }
0x266: {  	v5 =	vadd.f32 v12, v20;
	v12 =	vld [tilespmem:s29+$0x4140]  }
0x267: {  	v18 =	vadd.f32 v13, v6;
	v13 =	vld [tilespmem:s29+$0x4150];
	[tilespmem:s29+$0xC160] =	vst v2  }
0x268: {  	[tilespmem:s29+$0xC120] =	vst v5;
	v6 =	vadd.f32 v16, v19  }
0x269: {  	[tilespmem:s29+$0xC100] =	vst v18;
	v9 =	vadd.f32 v21, v9  }
0x26a: {  	v1 =	vadd.f32 v22, v1;
	[tilespmem:s29+$0xC130] =	vst v6  }
0x26b: {  	v0 =	vadd.f32 v12, v0;
	[tilespmem:s29+$0xC170] =	vst v9  }
0x26c: {  	[tilespmem:s29+$0xC110] =	vst v1;
	v19 =	vadd.f32 v13, v3  }
0x26d: {  	[tilespmem:s29+$0xC140] =	vst v0  }
0x26e: {  	s0 =	sor.u32 $0x4400, s30;
	[tilespmem:s29+$0xC150] =	vst v19  }
0x26f: {  	v3 =	vld [tilespmem:s0+$0x0];
	_ =	sdelay $0x4  }
0x270: {  	v3 =	vadd.f32 v3, v4;
	_ =	sdelay $0x1  }
0x271: {  	[tilespmem:s0+$0x8000] =	vst v3;
	s0 =	sor.u32 $0x4410, s30  }
0x272: {  	v4 =	vld [tilespmem:s0+$0x0];
	_ =	sdelay $0x4  }
0x273: {  	v16 =	vadd.f32 v4, v7;
	_ =	sdelay $0x1  }
0x274: {  	[tilespmem:s0+$0x8000] =	vst v16;
	s0 =	sor.u32 $0x4420, s30  }
0x275: {  	v4 =	vld [tilespmem:s0+$0x0];
	_ =	sdelay $0x4  }
0x276: {  	v12 =	vadd.f32 v4, v8;
	_ =	sdelay $0x1  }
0x277: {  	[tilespmem:s0+$0x8000] =	vst v12;
	s0 =	sor.u32 $0x4430, s30  }
0x278: {  	v4 =	vld [tilespmem:s0+$0x0];
	_ =	sdelay $0x4  }
0x279: {  	v13 =	vadd.f32 v4, v10;
	_ =	sdelay $0x1  }
0x27a: {  	[tilespmem:s0+$0x8000] =	vst v13;
	s0 =	sor.u32 $0x4440, s30  }
0x27b: {  	v4 =	vld [tilespmem:s0+$0x0];
	_ =	sdelay $0x4  }
0x27c: {  	v14 =	vadd.f32 v4, v14;
	_ =	sdelay $0x1  }
0x27d: {  	[tilespmem:s0+$0x8000] =	vst v14;
	s0 =	sor.u32 $0x4450, s30  }
0x27e: {  	v4 =	vld [tilespmem:s0+$0x0];
	_ =	sdelay $0x4  }
0x27f: {  	v15 =	vadd.f32 v4, v15;
	_ =	sdelay $0x1  }
0x280: {  	[tilespmem:s0+$0x8000] =	vst v15;
	s0 =	sor.u32 $0x4460, s30  }
0x281: {  	v4 =	vld [tilespmem:s0+$0x0];
	_ =	sdelay $0x4  }
0x282: {  	v10 =	vadd.f32 v4, v17;
	_ =	sdelay $0x1  }
0x283: {  	[tilespmem:s0+$0x8000] =	vst v10;
	s0 =	sor.u32 $0x4470, s30  }
0x284: {  	v4 =	vld [tilespmem:s0+$0x0];
	_ =	sdelay $0x4  }
0x285: {  	v11 =	vadd.f32 v4, v11;
	_ =	sdelay $0x1  }
0x286: {  	[tilespmem:s0+$0x8000] =	vst v11  }
0x287: {  	v4 =	vld [tilespmem:s29+$0x4190]  }
0x288: {  	v7 =	vld [tilespmem:s29+$0x4180]  }
0x289: {  	v17 =	vld [tilespmem:s29+$0x41C0]  }
0x28a: {  	v20 =	vld [tilespmem:s29+$0x41A0]  }
0x28b: {  	v21 =	vld [tilespmem:s29+$0x41D0]  }
0x28c: {  	v22 =	vld [tilespmem:s29+$0x41B0]  }
0x28d: {  	v4 =	vadd.f32 v4, v1;
	v8 =	vadd.f32 v7, v18;
	v18 =	vld [tilespmem:s29+$0x41E0]  }
0x28e: {  	v0 =	vadd.f32 v17, v0;
	v17 =	vld [tilespmem:s29+$0x41F0]  }
0x28f: {  	[tilespmem:s29+$0xC190] =	vst v4;
	v7 =	vadd.f32 v20, v5  }
0x290: {  	[tilespmem:s29+$0xC1C0] =	vst v0;
	v1 =	vadd.f32 v21, v19  }
0x291: {  	[tilespmem:s29+$0xC1A0] =	vst v7;
	v5 =	vadd.f32 v22, v6  }
0x292: {  	[tilespmem:s29+$0xC1D0] =	vst v1;
	v6 =	vadd.f32 v18, v2  }
0x293: {  	[tilespmem:s29+$0xC180] =	vst v8;
	v9 =	vadd.f32 v17, v9  }
0x294: {  	[tilespmem:s29+$0xC1E0] =	vst v6  }
0x295: {  	[tilespmem:s29+$0xC1F0] =	vst v9  }
0x296: {  	s0 =	sor.u32 $0x4400, s28;
	[tilespmem:s29+$0xC1B0] =	vst v5  }
0x297: {  	v2 =	vld [tilespmem:s0+$0x0];
	_ =	sdelay $0x4  }
0x298: {  	v3 =	vadd.f32 v2, v3;
	_ =	sdelay $0x1  }
0x299: {  	[tilespmem:s0+$0x8000] =	vst v3;
	s0 =	sor.u32 $0x4410, s28  }
0x29a: {  	v2 =	vld [tilespmem:s0+$0x0];
	_ =	sdelay $0x4  }
0x29b: {  	v2 =	vadd.f32 v2, v16  }
.Ltmp4:
0x29c: {  	(pc) =	sbr.rel @p1 .LBB2_9-.Ltmp4, $3  }
0x29d: {  	s1 =	sor.u32 $0x4420, s28;
	[tilespmem:s0+$0x8000] =	vst v2  }
0x29e: {  	v16 =	vld [tilespmem:s1+$0x0];
	_ =	sdelay $0x1  }
0x29f: {  	p0 =	por !p0, !p0  }
0x2a0: {  	_ =	sdelay $0x1  }
0x2a1: {  	v17 =	vadd.f32 v16, v12;
	_ =	sdelay $0x1  }
0x2a2: {  	s0 =	sor.u32 $0x4430, s28;
	[tilespmem:s1+$0x8000] =	vst v17  }
0x2a3: {  	v12 =	vld [tilespmem:s0+$0x0];
	_ =	sdelay $0x4  }
0x2a4: {  	v16 =	vadd.f32 v12, v13;
	_ =	sdelay $0x1  }
0x2a5: {  	s23 =	sor.u32 $0x4440, s28;
	[tilespmem:s0+$0x8000] =	vst v16  }
0x2a6: {  	v12 =	vld [tilespmem:s23+$0x0];
	_ =	sdelay $0x4  }
0x2a7: {  	v14 =	vadd.f32 v12, v14;
	_ =	sdelay $0x1  }
0x2a8: {  	s25 =	sor.u32 $0x4450, s28;
	[tilespmem:s23+$0x8000] =	vst v14  }
0x2a9: {  	v12 =	vld [tilespmem:s25+$0x0];
	_ =	sdelay $0x4  }
0x2aa: {  	v13 =	vadd.f32 v12, v15;
	_ =	sdelay $0x1  }
0x2ab: {  	s26 =	sor.u32 $0x4460, s28;
	[tilespmem:s25+$0x8000] =	vst v13  }
0x2ac: {  	v12 =	vld [tilespmem:s26+$0x0];
	_ =	sdelay $0x4  }
0x2ad: {  	v12 =	vadd.f32 v12, v10;
	_ =	sdelay $0x1  }
0x2ae: {  	s29 =	sor.u32 $0x4470, s28;
	[tilespmem:s26+$0x8000] =	vst v12  }
0x2af: {  	v10 =	vld [tilespmem:s29+$0x0];
	_ =	sdelay $0x4  }
0x2b0: {  	p0 =	seq.s32 s20, $0x3F;
	v10 =	vadd.f32 v10, v11  }
0x2b1: {  	s30 =	sor.u32 $0x4000, s22;
	s0 =	sadd.s32 @!p0 s21, s9  }
0x2b2: {  	s31 =	sadd.s32 s3, s30;
	s20 =	simm.s32 @!p0 $0x4000;
	s0 =	sshrl.u32 @!p0 s0, $0x3;
	[tilespmem:s29+$0x8000] =	vst v10  }
0x2b3: {  	[hbm4b:s31+s11] =	stream.strided.scatter [tilespmem:s17], [sflag:$0x4], $0x4000, s12, s11, $0x38;
	[tilespmem:$0x10000] =	vst v63  }
0x2b4: {  	p1 =	sne.s32 @!p0 s24, $0x40;
	s1 =	simm.s32 @!p0 $0x800;
	s0 =	sadd.s32 @!p0 s2, s0  }
0x2b5: {  	[tilespmem:s20], [sflag:$0x2] =	stream.strided.gather @!p0 [hbm4b:s0+s1], $0x4000, s20, s1, $0x38;
	[tilespmem:$0x10000] =	vst v63  }
0x2b6: {  	p0 =	por p0, !p1  }
.Ltmp5:
0x2b7: {  	_ = 	snop;
	(pc) =	sbr.rel @!p0 .LBB2_2-.Ltmp5, $2  }
0x2b8: {  	_ =	sdelay $0x2  }
0x2b9: {  	s20 =	smov.u32 s24  }
0x2ba: {  	s19 =	sadd.s32 $0x1, s19  }
0x2bb: {  	_ =	swait.ge [sflag:s18], $0x4000;
	p0 =	sne.s32 s19, s10  }
.Ltmp6:
0x2bc: {  	[sflag:s18] =	ssyncset.done $0x0;
	(pc) =	sbr.rel @p0 .LBB2_1-.Ltmp6, $4  }
0x2bd: {  	[sflag:s18] =	ssyncadd.s32 $0xFFFFC000  }
0x2be: {  	_ =	swait.ge [sflag:s16], $0x4000  }
0x2bf: {  	[sflag:s16] =	ssyncset.done $0x0  }
0x2c0: {  	[sflag:s16] =	ssyncadd.s32 $0xFFFFC000  }
0x2c1: {  	_ =	sfence.sel $0x180000  }
0x2c2: {  	[bflag:$0x0] =	sbarrier.arrive $0xFFFF  }
0x2c3: {  	_ =	strace $0x90000047  }
0x2c4: {  	s0 =	stileid.u32;
	[bflag:$0x2] =	sbarrier.arrive $0xFFFF  }
0x2c5: {  	p0 =	sne.s32 s0, $0x0;
	s0 =	rddreg [dreg:$0x2]  }
0x2c6: {  	s0 =	sadd.s32 @!p0 $0x100000, s0  }
0x2c7: {  	[sflag:s0] =	ssyncadd.tile.s32 @!p0 $0x1;
	_ =	shalt  }
.Lfunc_end2:
_tile_overlayer_lowered:
.L_overlay_start_2:
0x2c8: {  	(tag) =	ssettag $0x2  }
0x2c9: {  	s0 =	rddreg [dreg:$0x0];
	s2 =	stileid.u32  }
0x2ca: {  	s1 =	rddreg [dreg:$0x1];
	p0 =	sne.s32 s2, $0x0  }
0x2cb: {  	s3 =	rddreg [dreg:$0x2];
	[bflag:$0x3] =	sbarrier.arrive $0xFFFF;
	s2 =	simm.s32 @!p0 $0x1C05  }
0x2cc: {  	[timem:s3], [sflag:s2] =	dma.local @!p0 [hbm:s0], s1  }
0x2cd: {  	s0 =	simm.s32 @!p0 $0x5  }
0x2ce: {  	_ =	swait.ge @!p0 [sflag:s0], s1  }
0x2cf: {  	s1 =	ssub.s32 @!p0 $0x0, s1;
	[sflag:s0] =	ssyncset.done @!p0 $0x0  }
0x2d0: {  	[sflag:s0] =	ssyncadd.s32 @!p0 s1  }
0x2d1: {  	[bflag:$0x3] =	sbarrier.arrive $0xFFFF  }
0x2d2: {  	_ =	shalt  }

</sc_bundles>
